<compile_context>
chip_gen: v7x
topology: tpu7x:2x2x1
jax: 0.10.2.dev20260603
libtpu: 0.0.44.dev20260713+nightly
codegen_flags: <defaults>
</compile_context>

<pallas_src>
import functools

import jax
import jax.numpy as jnp
from jax import lax
from jax.experimental import pallas as pl
from jax.experimental.pallas import tpu as pltpu
from jax.experimental.pallas import tpu_sc as plsc

_N = 100000
_E = 1600000
_NP = 100096
_SLICE = _NP // 16
_B = 1000
_NBI = _SLICE // _B
_TAIL = _SLICE - _NBI * _B
_BD = 2000
_NBD = _SLICE // _BD
_TAILD = _SLICE - _NBD * _BD

_mesh = plsc.VectorSubcoreMesh(core_axis_name="c", subcore_axis_name="s")


def _init_acc2d(src_hbm, acc, rows_v, rows_t, base_r, fixed_block):

    def blk(k, _):
        r0 = 0 if fixed_block else base_r + k * _B
        pltpu.sync_copy(src_hbm.at[pl.ds(r0, _B), :], rows_v)
        pltpu.sync_copy(rows_v, acc.at[pl.ds(base_r + k * _B, _B), :])
        return _

    lax.fori_loop(0, _NBI, blk, None)
    r0 = 0 if fixed_block else base_r + _NBI * _B
    pltpu.sync_copy(src_hbm.at[pl.ds(r0, _TAIL), :], rows_t)
    pltpu.sync_copy(rows_t, acc.at[pl.ds(base_r + _NBI * _B, _TAIL), :])


def _writeout_acc2d(acc, out_hbm, rows_v, rows_t, base_r):
    def blk(k, _):
        pltpu.sync_copy(acc.at[pl.ds(base_r + k * _B, _B), :], rows_v)
        pltpu.sync_copy(rows_v, out_hbm.at[pl.ds(base_r + k * _B, _B), :])
        return _

    lax.fori_loop(0, _NBI, blk, None)
    pltpu.sync_copy(acc.at[pl.ds(base_r + _NBI * _B, _TAIL), :], rows_t)
    pltpu.sync_copy(rows_t, out_hbm.at[pl.ds(base_r + _NBI * _B, _TAIL), :])



def _deg_body(dst_h, ones_h, zeros_h, d0_h, d1_h,
              acc, idx_v, ones_v, buf_v, buf_t):
    c = lax.axis_index("c")
    s = lax.axis_index("s")
    base_r = s * _SLICE

    pltpu.sync_copy(ones_h, ones_v)

    def iblk(k, _):
        pltpu.sync_copy(zeros_h.at[pl.ds(0, _BD)], buf_v)
        pltpu.sync_copy(buf_v, acc.at[pl.ds(base_r + k * _BD, _BD)])
        return _

    lax.fori_loop(0, _NBD, iblk, None)
    pltpu.sync_copy(zeros_h.at[pl.ds(0, _TAILD)], buf_t)
    pltpu.sync_copy(buf_t, acc.at[pl.ds(base_r + _NBD * _BD, _TAILD)])
    plsc.subcore_barrier()

    ebase = (c * 16 + s) * (_E // 32)

    def eblk(k, _):
        pltpu.sync_copy(dst_h.at[pl.ds(ebase + k * _BD, _BD)], idx_v)
        pltpu.sync_copy(ones_v, acc.at[idx_v], add=True)
        return _

    lax.fori_loop(0, (_E // 32) // _BD, eblk, None)
    plsc.subcore_barrier()

    def wout(out_h):
        def wblk(k, _):
            pltpu.sync_copy(acc.at[pl.ds(base_r + k * _BD, _BD)], buf_v)
            pltpu.sync_copy(buf_v, out_h.at[pl.ds(base_r + k * _BD, _BD)])
            return _

        lax.fori_loop(0, _NBD, wblk, None)
        pltpu.sync_copy(acc.at[pl.ds(base_r + _NBD * _BD, _TAILD)], buf_t)
        pltpu.sync_copy(buf_t, out_h.at[pl.ds(base_r + _NBD * _BD, _TAILD)])

    pl.when(c == 0)(lambda: wout(d0_h))
    pl.when(c == 1)(lambda: wout(d1_h))


def _make_deg_kernel():
    return pl.kernel(
        _deg_body,
        out_type=(
            jax.ShapeDtypeStruct((_NP,), jnp.float32),
            jax.ShapeDtypeStruct((_NP,), jnp.float32),
        ),
        mesh=_mesh,
        compiler_params=pltpu.CompilerParams(use_tc_tiling_on_sc=False),
        scratch_types=[
            pltpu.VMEM_SHARED((_NP,), jnp.float32),
            pltpu.VMEM((_BD,), jnp.int32),
            pltpu.VMEM((_BD,), jnp.float32),
            pltpu.VMEM((_BD,), jnp.float32),
            pltpu.VMEM((_TAILD,), jnp.float32),
        ],
    )



def _prop_body(tab0_h, tab1_h, init1_h, src_h, dst_h, out0_h, out1_h,
               acc, idx_s, idx_d, rows_v, rows_t, sem,
               *, edges_per_core, init1_fixed):
    c = lax.axis_index("c")
    s = lax.axis_index("s")
    base_r = s * _SLICE
    nblk = edges_per_core // 16 // _B

    def run(tab, init_h, out_h, fixed, ebase0):
        _init_acc2d(init_h, acc, rows_v, rows_t, base_r, fixed)
        plsc.subcore_barrier()

        ebase = ebase0 + s * (edges_per_core // 16)

        def eblk(k, _):
            off = ebase + k * _B
            pltpu.sync_copy(src_h.at[pl.ds(off, _B)], idx_s)
            pltpu.async_copy(tab.at[idx_s], rows_v, sem).wait()
            pltpu.sync_copy(dst_h.at[pl.ds(off, _B)], idx_d)
            pltpu.sync_copy(rows_v, acc.at[idx_d], add=True)
            return _

        lax.fori_loop(0, nblk, eblk, None)
        plsc.subcore_barrier()
        _writeout_acc2d(acc, out_h, rows_v, rows_t, base_r)

    if init1_fixed:
        pl.when(c == 0)(lambda: run(tab0_h, tab0_h, out0_h, False, 0))
        pl.when(c == 1)(lambda: run(tab1_h, init1_h, out1_h, True,
                                    edges_per_core))
    else:
        pl.when(c == 0)(lambda: run(tab0_h, tab0_h, out0_h, False, 0))
        pl.when(c == 1)(lambda: run(tab1_h, tab1_h, out1_h, False, 0))


def _make_prop(edges_per_core, init1_fixed):
    return pl.kernel(
        functools.partial(_prop_body, edges_per_core=edges_per_core,
                          init1_fixed=init1_fixed),
        out_type=(
            jax.ShapeDtypeStruct((_NP, 16), jnp.float32),
            jax.ShapeDtypeStruct((_NP, 16), jnp.float32),
        ),
        mesh=_mesh,
        compiler_params=pltpu.CompilerParams(use_tc_tiling_on_sc=False),
        scratch_types=[
            pltpu.VMEM_SHARED((_NP, 16), jnp.float32),
            pltpu.VMEM((_B,), jnp.int32),
            pltpu.VMEM((_B,), jnp.int32),
            pltpu.VMEM((_B, 16), jnp.float32),
            pltpu.VMEM((_TAIL, 16), jnp.float32),
            pltpu.SemaphoreType.DMA,
        ],
    )



def _dinv_kernel(d0_ref, d1_ref, o_ref):
    o_ref[...] = lax.rsqrt(d0_ref[...] + d1_ref[...] + 1.0)


def _scale_split_kernel(x_ref, w_ref, dinv_ref, o0, o1, o2, o3):
    h = jnp.dot(x_ref[...], w_ref[...], preferred_element_type=jnp.float32)
    g = h * dinv_ref[...]
    o0[...] = g[:, 0:16]
    o1[...] = g[:, 16:32]
    o2[...] = g[:, 32:48]
    o3[...] = g[:, 48:64]


def _mid_kernel(a0, a1, a2, a3, dinv_ref, b1_ref, w2_ref, o_ref):
    agg = jnp.concatenate([a0[...], a1[...], a2[...], a3[...]], axis=1)
    h1 = jax.nn.relu(agg * dinv_ref[...] + b1_ref[...])
    g2 = jnp.dot(h1, w2_ref[...], preferred_element_type=jnp.float32)
    o_ref[...] = g2 * dinv_ref[...]


def _final_kernel(p0, p1, dinv_ref, b2_ref, o_ref):
    v = (p0[...] + p1[...]) * dinv_ref[...]
    o_ref[...] = jax.nn.sigmoid(v[:, 0:2] + b2_ref[...])


def kernel(x, edge_index, W1, b1, W2, b2):
    src = edge_index[0]
    dst = edge_index[1]

    ones1 = jnp.ones((_BD,), jnp.float32)
    zeros1 = jnp.zeros((_BD,), jnp.float32)
    zeros2 = jnp.zeros((_B, 16), jnp.float32)

    d0, d1 = _make_deg_kernel()(dst, ones1, zeros1)

    dinvp = pl.pallas_call(
        _dinv_kernel,
        out_shape=jax.ShapeDtypeStruct((782, 128), jnp.float32),
    )(d0.reshape(782, 128), d1.reshape(782, 128))
    dinv2d = dinvp.reshape(_NP, 1)

    W1p = jnp.pad(W1, ((0, 0), (0, 14)))
    grid = _N // 2000
    tab_sds = jax.ShapeDtypeStruct((_NP, 16), jnp.float32)
    tab_spec = pl.BlockSpec((2000, 16), lambda i: (i, 0))
    g1c = pl.pallas_call(
        _scale_split_kernel,
        grid=(grid,),
        in_specs=[
            pl.BlockSpec((2000, 768), lambda i: (i, 0)),
            pl.BlockSpec((768, 64), lambda i: (0, 0)),
            pl.BlockSpec((2000, 1), lambda i: (i, 0)),
        ],
        out_specs=[tab_spec] * 4,
        out_shape=[tab_sds] * 4,
    )(x, W1p, dinv2d)

    prop_chunk = _make_prop(_E, init1_fixed=False)
    agg0, agg1 = prop_chunk(g1c[0], g1c[1], zeros2, src, dst)
    agg2, agg3 = prop_chunk(g1c[2], g1c[3], zeros2, src, dst)

    b1p = jnp.pad(b1, (0, 14)).reshape(1, 64)
    W2p = jnp.pad(W2, ((0, 14), (0, 14)))
    g2 = pl.pallas_call(
        _mid_kernel,
        grid=(grid,),
        in_specs=[tab_spec, tab_spec, tab_spec, tab_spec,
                  pl.BlockSpec((2000, 1), lambda i: (i, 0)),
                  pl.BlockSpec((1, 64), lambda i: (0, 0)),
                  pl.BlockSpec((64, 16), lambda i: (0, 0))],
        out_specs=tab_spec,
        out_shape=tab_sds,
    )(agg0, agg1, agg2, agg3, dinv2d, b1p, W2p)

    prop_half = _make_prop(_E // 2, init1_fixed=True)
    p0, p1 = prop_half(g2, g2, zeros2, src, dst)

    b2r = b2.reshape(1, 2)
    out = pl.pallas_call(
        _final_kernel,
        grid=(grid,),
        in_specs=[tab_spec, tab_spec,
                  pl.BlockSpec((2000, 1), lambda i: (i, 0)),
                  pl.BlockSpec((1, 2), lambda i: (0, 0))],
        out_specs=pl.BlockSpec((2000, 2), lambda i: (i, 0)),
        out_shape=jax.ShapeDtypeStruct((_N, 2), jnp.float32),
    )(p0, p1, dinv2d, b2r)
    return out

# --- scband reference (transcript-rebuilt; emitter-appended) ---
"""Pipeline reference for scband-method-classification-37821482008663 (READ-ONLY COPY).

The authoritative reference and input builder live on the scoring server;
editing this copy changes nothing except your own understanding.
"""

import jax, jax.numpy as jnp
import numpy as np

N = 100000
E = 1600000
D_IN = 768
D_HID = 50
D_OUT = 2


def setup_inputs(seed: int = 0) -> dict:
    key = jax.random.key(seed)
    k1, k2, k3, k4 = jax.random.split(key, 4)
    x = jax.random.normal(k1, (N, D_IN), dtype=jnp.float32)
    edge_index = jax.random.randint(k2, (2, E), 0, N, dtype=jnp.int32)
    W1 = jax.random.normal(k3, (D_IN, D_HID), dtype=jnp.float32) * (1.0 / np.sqrt(D_IN))
    b1 = jnp.zeros((D_HID,), dtype=jnp.float32)
    W2 = jax.random.normal(k4, (D_HID, D_OUT), dtype=jnp.float32) * (1.0 / np.sqrt(D_HID))
    b2 = jnp.zeros((D_OUT,), dtype=jnp.float32)
    return {"x": x, "edge_index": edge_index, "W1": W1, "b1": b1, "W2": W2, "b2": b2}


def _gcn_layer(h_in, src, dst, W, b, n):
    # GCNConv: linear projection first, then symmetric-normalized propagation
    # with added self-loops (PyG defaults).
    h = h_in @ W
    loop = jnp.arange(n, dtype=src.dtype)
    s = jnp.concatenate([src, loop])
    d = jnp.concatenate([dst, loop])
    deg = jax.ops.segment_sum(jnp.ones(s.shape[0], dtype=h.dtype), d, num_segments=n)
    dinv = jnp.where(deg > 0, jax.lax.rsqrt(deg), 0.0)
    norm = dinv[s] * dinv[d]
    msg = h[s] * norm[:, None]
    out = jax.ops.segment_sum(msg, d, num_segments=n)
    return out + b


def reference(x, edge_index, W1, b1, W2, b2):
    src = edge_index[0]
    dst = edge_index[1]
    h = _gcn_layer(x, src, dst, W1, b1, N)
    h = jax.nn.relu(h)
    h = _gcn_layer(h, src, dst, W2, b2, N)
    # sLossFunction == 'CrossEntropy' branch -> Sigmoid output layer
    return jax.nn.sigmoid(h)

if __name__ == "__main__":
    import jax
    _d = setup_inputs()
    print(jax.jit(kernel)(*tuple(_d.values())))

</pallas_src>

<mosaic_0001>
#map = affine_map<(d0, d1) -> (0, 0)>
#map1 = affine_map<(d0, d1) -> (0)>
module attributes {stable_mosaic.version = 14 : i64} {
  func.func @_prop_body(%arg0: i32, %arg1: i32, %arg2: memref<100096x16xf32, #tpu.memory_space<hbm>>, %arg3: memref<100096x16xf32, #tpu.memory_space<hbm>>, %arg4: memref<1000x16xf32, #tpu.memory_space<hbm>>, %arg5: memref<1600000xi32, #tpu.memory_space<hbm>>, %arg6: memref<1600000xi32, #tpu.memory_space<hbm>>, %arg7: memref<100096x16xf32, #tpu.memory_space<hbm>>, %arg8: memref<100096x16xf32, #tpu.memory_space<hbm>>, %arg9: memref<100096x16xf32, #tpu.memory_space<vmem_shared>>, %arg10: memref<1000xi32, #tpu.memory_space<vmem>>, %arg11: memref<1000xi32, #tpu.memory_space<vmem>>, %arg12: memref<1000x16xf32, #tpu.memory_space<vmem>>, %arg13: memref<256x16xf32, #tpu.memory_space<vmem>>, %arg14: memref<!tpu.dma_semaphore, #tpu.memory_space<semaphore_mem>>) attributes {dimension_semantics = [#tpu.dimension_semantics<core_parallel>, #tpu.dimension_semantics<subcore_parallel>], iteration_bounds = array<i64: 2, 16>, scalar_prefetch = 0 : i64, scratch_operands = 6 : i64, tpu.core_type = #tpu.core_type<sc_vector_subcore>, window_params = [{transform_indices = #map}, {transform_indices = #map}, {transform_indices = #map}, {transform_indices = #map1}, {transform_indices = #map1}, {transform_indices = #map}, {transform_indices = #map}]} {
    %mul3A = arith.constant 6256 : i32
    %mul3A_0 = arith.muli %arg1, %mul3A : i32
    %eq3A = arith.constant 0 : i32
    %eq3A_1 = arith.cmpi eq, %arg0, %eq3A : i32
    %convert_element_type3A = arith.extui %eq3A_1 : i1 to i32
    %cond3A = arith.constant 0 : i32
    %cond3A_2 = arith.cmpi ne, %convert_element_type3A, %cond3A : i32
    scf.if %cond3A_2 {
      %scan3A = arith.constant 0 : i32
      %scan3A_8 = arith.constant 6 : i32
      %scan3A_9 = arith.addi %scan3A, %scan3A_8 : i32
      %scan3A_10 = arith.constant 1 : i32
      scf.for %scan3A_34 = %scan3A to %scan3A_9 step %scan3A_10  : i32 {
        %mul3A_35 = arith.constant 1000 : i32
        %mul3A_36 = arith.muli %scan3A_34, %mul3A_35 : i32
        %add3A_37 = arith.addi %mul3A_0, %mul3A_36 : i32
        "tpu.region"() ({
          %run_scoped3A = tpu.sem_alloc : memref<!tpu.dma_semaphore, #tpu.memory_space<semaphore_mem>>
          %dma_start3A = arith.constant 0 : i32
          %dma_start3A_41 = tpu.memref_slice %arg2[%add3A_37, %dma_start3A] : memref<100096x16xf32, #tpu.memory_space<hbm>> -> memref<1000x16xf32, #tpu.memory_space<hbm>>
          %dma_start3A_42 = arith.constant 0 : i32
          %dma_start3A_43 = tpu.memref_slice %arg2[%add3A_37, %dma_start3A_42] : memref<100096x16xf32, #tpu.memory_space<hbm>> -> memref<1000x16xf32, #tpu.memory_space<hbm>>
          tpu.enqueue_dma source(%dma_start3A_43 : memref<1000x16xf32, #tpu.memory_space<hbm>>) target(%arg12 : memref<1000x16xf32, #tpu.memory_space<vmem>>) target_semaphore(%run_scoped3A : memref<!tpu.dma_semaphore, #tpu.memory_space<semaphore_mem>>)
          %dma_wait3A = arith.constant 0 : i32
          %dma_wait3A_44 = tpu.memref_slice %arg2[%add3A_37, %dma_wait3A] : memref<100096x16xf32, #tpu.memory_space<hbm>> -> memref<1000x16xf32, #tpu.memory_space<hbm>>
          %dma_wait3A_45 = arith.constant 0 : i32
          %dma_wait3A_46 = tpu.memref_slice %arg2[%add3A_37, %dma_wait3A_45] : memref<100096x16xf32, #tpu.memory_space<hbm>> -> memref<1000x16xf32, #tpu.memory_space<hbm>>
          tpu.wait_dma2 semaphore(%run_scoped3A : memref<!tpu.dma_semaphore, #tpu.memory_space<semaphore_mem>>) src(%dma_wait3A_46 : memref<1000x16xf32, #tpu.memory_space<hbm>>) dst(%arg12 : memref<1000x16xf32, #tpu.memory_space<vmem>>)
          tpu.yield
        }) : () -> ()
        %mul3A_38 = arith.constant 1000 : i32
        %mul3A_39 = arith.muli %scan3A_34, %mul3A_38 : i32
        %add3A_40 = arith.addi %mul3A_0, %mul3A_39 : i32
        "tpu.region"() ({
          %run_scoped3A = tpu.sem_alloc : memref<!tpu.dma_semaphore, #tpu.memory_space<semaphore_mem>>
          %dma_start3A = arith.constant 0 : i32
          %dma_start3A_41 = tpu.memref_slice %arg9[%add3A_40, %dma_start3A] : memref<100096x16xf32, #tpu.memory_space<vmem_shared>> -> memref<1000x16xf32, #tpu.memory_space<vmem_shared>>
          %dma_start3A_42 = arith.constant 0 : i32
          %dma_start3A_43 = tpu.memref_slice %arg9[%add3A_40, %dma_start3A_42] : memref<100096x16xf32, #tpu.memory_space<vmem_shared>> -> memref<1000x16xf32, #tpu.memory_space<vmem_shared>>
          tpu.enqueue_dma source(%arg12 : memref<1000x16xf32, #tpu.memory_space<vmem>>) target(%dma_start3A_43 : memref<1000x16xf32, #tpu.memory_space<vmem_shared>>) target_semaphore(%run_scoped3A : memref<!tpu.dma_semaphore, #tpu.memory_space<semaphore_mem>>)
          %dma_wait3A = arith.constant 0 : i32
          %dma_wait3A_44 = tpu.memref_slice %arg9[%add3A_40, %dma_wait3A] : memref<100096x16xf32, #tpu.memory_space<vmem_shared>> -> memref<1000x16xf32, #tpu.memory_space<vmem_shared>>
          %dma_wait3A_45 = arith.constant 0 : i32
          %dma_wait3A_46 = tpu.memref_slice %arg9[%add3A_40, %dma_wait3A_45] : memref<100096x16xf32, #tpu.memory_space<vmem_shared>> -> memref<1000x16xf32, #tpu.memory_space<vmem_shared>>
          tpu.wait_dma2 semaphore(%run_scoped3A : memref<!tpu.dma_semaphore, #tpu.memory_space<semaphore_mem>>) src(%arg12 : memref<1000x16xf32, #tpu.memory_space<vmem>>) dst(%dma_wait3A_46 : memref<1000x16xf32, #tpu.memory_space<vmem_shared>>)
          tpu.yield
        }) : () -> ()
      }
      %scan3A_11 = arith.constant 6 : i32
      %add3A = arith.constant 6000 : i32
      %add3A_12 = arith.addi %mul3A_0, %add3A : i32
      "tpu.region"() ({
        %run_scoped3A = tpu.sem_alloc : memref<!tpu.dma_semaphore, #tpu.memory_space<semaphore_mem>>
        %dma_start3A = arith.constant 0 : i32
        %dma_start3A_34 = tpu.memref_slice %arg2[%add3A_12, %dma_start3A] : memref<100096x16xf32, #tpu.memory_space<hbm>> -> memref<256x16xf32, #tpu.memory_space<hbm>>
        %dma_start3A_35 = arith.constant 0 : i32
        %dma_start3A_36 = tpu.memref_slice %arg2[%add3A_12, %dma_start3A_35] : memref<100096x16xf32, #tpu.memory_space<hbm>> -> memref<256x16xf32, #tpu.memory_space<hbm>>
        tpu.enqueue_dma source(%dma_start3A_36 : memref<256x16xf32, #tpu.memory_space<hbm>>) target(%arg13 : memref<256x16xf32, #tpu.memory_space<vmem>>) target_semaphore(%run_scoped3A : memref<!tpu.dma_semaphore, #tpu.memory_space<semaphore_mem>>)
        %dma_wait3A = arith.constant 0 : i32
        %dma_wait3A_37 = tpu.memref_slice %arg2[%add3A_12, %dma_wait3A] : memref<100096x16xf32, #tpu.memory_space<hbm>> -> memref<256x16xf32, #tpu.memory_space<hbm>>
        %dma_wait3A_38 = arith.constant 0 : i32
        %dma_wait3A_39 = tpu.memref_slice %arg2[%add3A_12, %dma_wait3A_38] : memref<100096x16xf32, #tpu.memory_space<hbm>> -> memref<256x16xf32, #tpu.memory_space<hbm>>
        tpu.wait_dma2 semaphore(%run_scoped3A : memref<!tpu.dma_semaphore, #tpu.memory_space<semaphore_mem>>) src(%dma_wait3A_39 : memref<256x16xf32, #tpu.memory_space<hbm>>) dst(%arg13 : memref<256x16xf32, #tpu.memory_space<vmem>>)
        tpu.yield
      }) : () -> ()
      %add3A_13 = arith.constant 6000 : i32
      %add3A_14 = arith.addi %mul3A_0, %add3A_13 : i32
      "tpu.region"() ({
        %run_scoped3A = tpu.sem_alloc : memref<!tpu.dma_semaphore, #tpu.memory_space<semaphore_mem>>
        %dma_start3A = arith.constant 0 : i32
        %dma_start3A_34 = tpu.memref_slice %arg9[%add3A_14, %dma_start3A] : memref<100096x16xf32, #tpu.memory_space<vmem_shared>> -> memref<256x16xf32, #tpu.memory_space<vmem_shared>>
        %dma_start3A_35 = arith.constant 0 : i32
        %dma_start3A_36 = tpu.memref_slice %arg9[%add3A_14, %dma_start3A_35] : memref<100096x16xf32, #tpu.memory_space<vmem_shared>> -> memref<256x16xf32, #tpu.memory_space<vmem_shared>>
        tpu.enqueue_dma source(%arg13 : memref<256x16xf32, #tpu.memory_space<vmem>>) target(%dma_start3A_36 : memref<256x16xf32, #tpu.memory_space<vmem_shared>>) target_semaphore(%run_scoped3A : memref<!tpu.dma_semaphore, #tpu.memory_space<semaphore_mem>>)
        %dma_wait3A = arith.constant 0 : i32
        %dma_wait3A_37 = tpu.memref_slice %arg9[%add3A_14, %dma_wait3A] : memref<100096x16xf32, #tpu.memory_space<vmem_shared>> -> memref<256x16xf32, #tpu.memory_space<vmem_shared>>
        %dma_wait3A_38 = arith.constant 0 : i32
        %dma_wait3A_39 = tpu.memref_slice %arg9[%add3A_14, %dma_wait3A_38] : memref<100096x16xf32, #tpu.memory_space<vmem_shared>> -> memref<256x16xf32, #tpu.memory_space<vmem_shared>>
        tpu.wait_dma2 semaphore(%run_scoped3A : memref<!tpu.dma_semaphore, #tpu.memory_space<semaphore_mem>>) src(%arg13 : memref<256x16xf32, #tpu.memory_space<vmem>>) dst(%dma_wait3A_39 : memref<256x16xf32, #tpu.memory_space<vmem_shared>>)
        tpu.yield
      }) : () -> ()
      %barrier3A = arith.constant 0 : index
      tpu.barrier barrier_id(%barrier3A)
      %mul3A_15 = arith.constant 100000 : i32
      %mul3A_16 = arith.muli %arg1, %mul3A_15 : i32
      %add3A_17 = arith.constant 0 : i32
      %add3A_18 = arith.addi %add3A_17, %mul3A_16 : i32
      %scan3A_19 = arith.constant 0 : i32
      %scan3A_20 = arith.constant 100 : i32
      %scan3A_21 = arith.addi %scan3A_19, %scan3A_20 : i32
      %scan3A_22 = arith.constant 1 : i32
      scf.for %scan3A_34 = %scan3A_19 to %scan3A_21 step %scan3A_22  : i32 {
        %mul3A_35 = arith.constant 1000 : i32
        %mul3A_36 = arith.muli %scan3A_34, %mul3A_35 : i32
        %add3A_37 = arith.addi %add3A_18, %mul3A_36 : i32
        "tpu.region"() ({
          %run_scoped3A = tpu.sem_alloc : memref<!tpu.dma_semaphore, #tpu.memory_space<semaphore_mem>>
          %dma_start3A_42 = tpu.memref_slice %arg5[%add3A_37] : memref<1600000xi32, #tpu.memory_space<hbm>> -> memref<1000xi32, #tpu.memory_space<hbm>>
          %dma_start3A_43 = tpu.memref_slice %arg5[%add3A_37] : memref<1600000xi32, #tpu.memory_space<hbm>> -> memref<1000xi32, #tpu.memory_space<hbm>>
          tpu.enqueue_dma source(%dma_start3A_43 : memref<1000xi32, #tpu.memory_space<hbm>>) target(%arg10 : memref<1000xi32, #tpu.memory_space<vmem>>) target_semaphore(%run_scoped3A : memref<!tpu.dma_semaphore, #tpu.memory_space<semaphore_mem>>)
          %dma_wait3A_44 = tpu.memref_slice %arg5[%add3A_37] : memref<1600000xi32, #tpu.memory_space<hbm>> -> memref<1000xi32, #tpu.memory_space<hbm>>
          %dma_wait3A_45 = tpu.memref_slice %arg5[%add3A_37] : memref<1600000xi32, #tpu.memory_space<hbm>> -> memref<1000xi32, #tpu.memory_space<hbm>>
          tpu.wait_dma2 semaphore(%run_scoped3A : memref<!tpu.dma_semaphore, #tpu.memory_space<semaphore_mem>>) src(%dma_wait3A_45 : memref<1000xi32, #tpu.memory_space<hbm>>) dst(%arg10 : memref<1000xi32, #tpu.memory_space<vmem>>)
          tpu.yield
        }) : () -> ()
        %dma_start3A = arith.constant 0 : i32
        %dma_start3A_38 = arith.constant 0 : i32
        %dma_start3A_39 = tpu.memref_slice %arg2[%dma_start3A, %dma_start3A_38] : memref<100096x16xf32, #tpu.memory_space<hbm>> -> memref<100096x16xf32, #tpu.memory_space<hbm>>
        tpu.enqueue_indirect_dma source(%dma_start3A_39 : memref<100096x16xf32, #tpu.memory_space<hbm>>) target(%arg12 : memref<1000x16xf32, #tpu.memory_space<vmem>>) offsets(%arg10 : memref<1000xi32, #tpu.memory_space<vmem>>) semaphore(%arg14 : memref<!tpu.dma_semaphore, #tpu.memory_space<semaphore_mem>>)
        %dma_wait3A = arith.constant 0 : i32
        %dma_wait3A_40 = arith.constant 0 : i32
        %dma_wait3A_41 = tpu.memref_slice %arg2[%dma_wait3A, %dma_wait3A_40] : memref<100096x16xf32, #tpu.memory_space<hbm>> -> memref<100096x16xf32, #tpu.memory_space<hbm>>
        tpu.wait_indirect_dma semaphore(%arg14 : memref<!tpu.dma_semaphore, #tpu.memory_space<semaphore_mem>>) src(%dma_wait3A_41 : memref<100096x16xf32, #tpu.memory_space<hbm>>) dst(%arg12 : memref<1000x16xf32, #tpu.memory_space<vmem>>)
        "tpu.region"() ({
          %run_scoped3A = tpu.sem_alloc : memref<!tpu.dma_semaphore, #tpu.memory_space<semaphore_mem>>
          %dma_start3A_42 = tpu.memref_slice %arg6[%add3A_37] : memref<1600000xi32, #tpu.memory_space<hbm>> -> memref<1000xi32, #tpu.memory_space<hbm>>
          %dma_start3A_43 = tpu.memref_slice %arg6[%add3A_37] : memref<1600000xi32, #tpu.memory_space<hbm>> -> memref<1000xi32, #tpu.memory_space<hbm>>
          tpu.enqueue_dma source(%dma_start3A_43 : memref<1000xi32, #tpu.memory_space<hbm>>) target(%arg11 : memref<1000xi32, #tpu.memory_space<vmem>>) target_semaphore(%run_scoped3A : memref<!tpu.dma_semaphore, #tpu.memory_space<semaphore_mem>>)
          %dma_wait3A_44 = tpu.memref_slice %arg6[%add3A_37] : memref<1600000xi32, #tpu.memory_space<hbm>> -> memref<1000xi32, #tpu.memory_space<hbm>>
          %dma_wait3A_45 = tpu.memref_slice %arg6[%add3A_37] : memref<1600000xi32, #tpu.memory_space<hbm>> -> memref<1000xi32, #tpu.memory_space<hbm>>
          tpu.wait_dma2 semaphore(%run_scoped3A : memref<!tpu.dma_semaphore, #tpu.memory_space<semaphore_mem>>) src(%dma_wait3A_45 : memref<1000xi32, #tpu.memory_space<hbm>>) dst(%arg11 : memref<1000xi32, #tpu.memory_space<vmem>>)
          tpu.yield
        }) : () -> ()
        "tpu.region"() ({
          %run_scoped3A = tpu.sem_alloc : memref<!tpu.dma_semaphore, #tpu.memory_space<semaphore_mem>>
          %dma_start3A_42 = arith.constant 0 : i32
          %dma_start3A_43 = arith.constant 0 : i32
          %dma_start3A_44 = tpu.memref_slice %arg9[%dma_start3A_42, %dma_start3A_43] : memref<100096x16xf32, #tpu.memory_space<vmem_shared>> -> memref<100096x16xf32, #tpu.memory_space<vmem_shared>>
          tpu.enqueue_indirect_dma source(%arg12 : memref<1000x16xf32, #tpu.memory_space<vmem>>) target(%dma_start3A_44 : memref<100096x16xf32, #tpu.memory_space<vmem_shared>>) offsets(%arg11 : memref<1000xi32, #tpu.memory_space<vmem>>) semaphore(%run_scoped3A : memref<!tpu.dma_semaphore, #tpu.memory_space<semaphore_mem>>) {add = true}
          %dma_wait3A_45 = arith.constant 0 : i32
          %dma_wait3A_46 = arith.constant 0 : i32
          %dma_wait3A_47 = tpu.memref_slice %arg9[%dma_wait3A_45, %dma_wait3A_46] : memref<100096x16xf32, #tpu.memory_space<vmem_shared>> -> memref<100096x16xf32, #tpu.memory_space<vmem_shared>>
          tpu.wait_indirect_dma semaphore(%run_scoped3A : memref<!tpu.dma_semaphore, #tpu.memory_space<semaphore_mem>>) src(%arg12 : memref<1000x16xf32, #tpu.memory_space<vmem>>) dst(%dma_wait3A_47 : memref<100096x16xf32, #tpu.memory_space<vmem_shared>>)
          tpu.yield
        }) : () -> ()
      }
      %scan3A_23 = arith.constant 100 : i32
      %barrier3A_24 = arith.constant 0 : index
      tpu.barrier barrier_id(%barrier3A_24)
      %scan3A_25 = arith.constant 0 : i32
      %scan3A_26 = arith.constant 6 : i32
      %scan3A_27 = arith.addi %scan3A_25, %scan3A_26 : i32
      %scan3A_28 = arith.constant 1 : i32
      scf.for %scan3A_34 = %scan3A_25 to %scan3A_27 step %scan3A_28  : i32 {
        %mul3A_35 = arith.constant 1000 : i32
        %mul3A_36 = arith.muli %scan3A_34, %mul3A_35 : i32
        %add3A_37 = arith.addi %mul3A_0, %mul3A_36 : i32
        "tpu.region"() ({
          %run_scoped3A = tpu.sem_alloc : memref<!tpu.dma_semaphore, #tpu.memory_space<semaphore_mem>>
          %dma_start3A = arith.constant 0 : i32
          %dma_start3A_41 = tpu.memref_slice %arg9[%add3A_37, %dma_start3A] : memref<100096x16xf32, #tpu.memory_space<vmem_shared>> -> memref<1000x16xf32, #tpu.memory_space<vmem_shared>>
          %dma_start3A_42 = arith.constant 0 : i32
          %dma_start3A_43 = tpu.memref_slice %arg9[%add3A_37, %dma_start3A_42] : memref<100096x16xf32, #tpu.memory_space<vmem_shared>> -> memref<1000x16xf32, #tpu.memory_space<vmem_shared>>
          tpu.enqueue_dma source(%dma_start3A_43 : memref<1000x16xf32, #tpu.memory_space<vmem_shared>>) target(%arg12 : memref<1000x16xf32, #tpu.memory_space<vmem>>) target_semaphore(%run_scoped3A : memref<!tpu.dma_semaphore, #tpu.memory_space<semaphore_mem>>)
          %dma_wait3A = arith.constant 0 : i32
          %dma_wait3A_44 = tpu.memref_slice %arg9[%add3A_37, %dma_wait3A] : memref<100096x16xf32, #tpu.memory_space<vmem_shared>> -> memref<1000x16xf32, #tpu.memory_space<vmem_shared>>
          %dma_wait3A_45 = arith.constant 0 : i32
          %dma_wait3A_46 = tpu.memref_slice %arg9[%add3A_37, %dma_wait3A_45] : memref<100096x16xf32, #tpu.memory_space<vmem_shared>> -> memref<1000x16xf32, #tpu.memory_space<vmem_shared>>
          tpu.wait_dma2 semaphore(%run_scoped3A : memref<!tpu.dma_semaphore, #tpu.memory_space<semaphore_mem>>) src(%dma_wait3A_46 : memref<1000x16xf32, #tpu.memory_space<vmem_shared>>) dst(%arg12 : memref<1000x16xf32, #tpu.memory_space<vmem>>)
          tpu.yield
        }) : () -> ()
        %mul3A_38 = arith.constant 1000 : i32
        %mul3A_39 = arith.muli %scan3A_34, %mul3A_38 : i32
        %add3A_40 = arith.addi %mul3A_0, %mul3A_39 : i32
        "tpu.region"() ({
          %run_scoped3A = tpu.sem_alloc : memref<!tpu.dma_semaphore, #tpu.memory_space<semaphore_mem>>
          %dma_start3A = arith.constant 0 : i32
          %dma_start3A_41 = tpu.memref_slice %arg7[%add3A_40, %dma_start3A] : memref<100096x16xf32, #tpu.memory_space<hbm>> -> memref<1000x16xf32, #tpu.memory_space<hbm>>
          %dma_start3A_42 = arith.constant 0 : i32
          %dma_start3A_43 = tpu.memref_slice %arg7[%add3A_40, %dma_start3A_42] : memref<100096x16xf32, #tpu.memory_space<hbm>> -> memref<1000x16xf32, #tpu.memory_space<hbm>>
          tpu.enqueue_dma source(%arg12 : memref<1000x16xf32, #tpu.memory_space<vmem>>) target(%dma_start3A_43 : memref<1000x16xf32, #tpu.memory_space<hbm>>) target_semaphore(%run_scoped3A : memref<!tpu.dma_semaphore, #tpu.memory_space<semaphore_mem>>)
          %dma_wait3A = arith.constant 0 : i32
          %dma_wait3A_44 = tpu.memref_slice %arg7[%add3A_40, %dma_wait3A] : memref<100096x16xf32, #tpu.memory_space<hbm>> -> memref<1000x16xf32, #tpu.memory_space<hbm>>
          %dma_wait3A_45 = arith.constant 0 : i32
          %dma_wait3A_46 = tpu.memref_slice %arg7[%add3A_40, %dma_wait3A_45] : memref<100096x16xf32, #tpu.memory_space<hbm>> -> memref<1000x16xf32, #tpu.memory_space<hbm>>
          tpu.wait_dma2 semaphore(%run_scoped3A : memref<!tpu.dma_semaphore, #tpu.memory_space<semaphore_mem>>) src(%arg12 : memref<1000x16xf32, #tpu.memory_space<vmem>>) dst(%dma_wait3A_46 : memref<1000x16xf32, #tpu.memory_space<hbm>>)
          tpu.yield
        }) : () -> ()
      }
      %scan3A_29 = arith.constant 6 : i32
      %add3A_30 = arith.constant 6000 : i32
      %add3A_31 = arith.addi %mul3A_0, %add3A_30 : i32
      "tpu.region"() ({
        %run_scoped3A = tpu.sem_alloc : memref<!tpu.dma_semaphore, #tpu.memory_space<semaphore_mem>>
        %dma_start3A = arith.constant 0 : i32
        %dma_start3A_34 = tpu.memref_slice %arg9[%add3A_31, %dma_start3A] : memref<100096x16xf32, #tpu.memory_space<vmem_shared>> -> memref<256x16xf32, #tpu.memory_space<vmem_shared>>
        %dma_start3A_35 = arith.constant 0 : i32
        %dma_start3A_36 = tpu.memref_slice %arg9[%add3A_31, %dma_start3A_35] : memref<100096x16xf32, #tpu.memory_space<vmem_shared>> -> memref<256x16xf32, #tpu.memory_space<vmem_shared>>
        tpu.enqueue_dma source(%dma_start3A_36 : memref<256x16xf32, #tpu.memory_space<vmem_shared>>) target(%arg13 : memref<256x16xf32, #tpu.memory_space<vmem>>) target_semaphore(%run_scoped3A : memref<!tpu.dma_semaphore, #tpu.memory_space<semaphore_mem>>)
        %dma_wait3A = arith.constant 0 : i32
        %dma_wait3A_37 = tpu.memref_slice %arg9[%add3A_31, %dma_wait3A] : memref<100096x16xf32, #tpu.memory_space<vmem_shared>> -> memref<256x16xf32, #tpu.memory_space<vmem_shared>>
        %dma_wait3A_38 = arith.constant 0 : i32
        %dma_wait3A_39 = tpu.memref_slice %arg9[%add3A_31, %dma_wait3A_38] : memref<100096x16xf32, #tpu.memory_space<vmem_shared>> -> memref<256x16xf32, #tpu.memory_space<vmem_shared>>
        tpu.wait_dma2 semaphore(%run_scoped3A : memref<!tpu.dma_semaphore, #tpu.memory_space<semaphore_mem>>) src(%dma_wait3A_39 : memref<256x16xf32, #tpu.memory_space<vmem_shared>>) dst(%arg13 : memref<256x16xf32, #tpu.memory_space<vmem>>)
        tpu.yield
      }) : () -> ()
      %add3A_32 = arith.constant 6000 : i32
      %add3A_33 = arith.addi %mul3A_0, %add3A_32 : i32
      "tpu.region"() ({
        %run_scoped3A = tpu.sem_alloc : memref<!tpu.dma_semaphore, #tpu.memory_space<semaphore_mem>>
        %dma_start3A = arith.constant 0 : i32
        %dma_start3A_34 = tpu.memref_slice %arg7[%add3A_33, %dma_start3A] : memref<100096x16xf32, #tpu.memory_space<hbm>> -> memref<256x16xf32, #tpu.memory_space<hbm>>
        %dma_start3A_35 = arith.constant 0 : i32
        %dma_start3A_36 = tpu.memref_slice %arg7[%add3A_33, %dma_start3A_35] : memref<100096x16xf32, #tpu.memory_space<hbm>> -> memref<256x16xf32, #tpu.memory_space<hbm>>
        tpu.enqueue_dma source(%arg13 : memref<256x16xf32, #tpu.memory_space<vmem>>) target(%dma_start3A_36 : memref<256x16xf32, #tpu.memory_space<hbm>>) target_semaphore(%run_scoped3A : memref<!tpu.dma_semaphore, #tpu.memory_space<semaphore_mem>>)
        %dma_wait3A = arith.constant 0 : i32
        %dma_wait3A_37 = tpu.memref_slice %arg7[%add3A_33, %dma_wait3A] : memref<100096x16xf32, #tpu.memory_space<hbm>> -> memref<256x16xf32, #tpu.memory_space<hbm>>
        %dma_wait3A_38 = arith.constant 0 : i32
        %dma_wait3A_39 = tpu.memref_slice %arg7[%add3A_33, %dma_wait3A_38] : memref<100096x16xf32, #tpu.memory_space<hbm>> -> memref<256x16xf32, #tpu.memory_space<hbm>>
        tpu.wait_dma2 semaphore(%run_scoped3A : memref<!tpu.dma_semaphore, #tpu.memory_space<semaphore_mem>>) src(%arg13 : memref<256x16xf32, #tpu.memory_space<vmem>>) dst(%dma_wait3A_39 : memref<256x16xf32, #tpu.memory_space<hbm>>)
        tpu.yield
      }) : () -> ()
    } else {
    }
    %eq3A_3 = arith.constant 1 : i32
    %eq3A_4 = arith.cmpi eq, %arg0, %eq3A_3 : i32
    %convert_element_type3A_5 = arith.extui %eq3A_4 : i1 to i32
    %cond3A_6 = arith.constant 0 : i32
    %cond3A_7 = arith.cmpi ne, %convert_element_type3A_5, %cond3A_6 : i32
    scf.if %cond3A_7 {
      %scan3A = arith.constant 0 : i32
      %scan3A_8 = arith.constant 6 : i32
      %scan3A_9 = arith.addi %scan3A, %scan3A_8 : i32
      %scan3A_10 = arith.constant 1 : i32
      scf.for %scan3A_34 = %scan3A to %scan3A_9 step %scan3A_10  : i32 {
        %mul3A_35 = arith.constant 1000 : i32
        %mul3A_36 = arith.muli %scan3A_34, %mul3A_35 : i32
        %add3A_37 = arith.addi %mul3A_0, %mul3A_36 : i32
        "tpu.region"() ({
          %run_scoped3A = tpu.sem_alloc : memref<!tpu.dma_semaphore, #tpu.memory_space<semaphore_mem>>
          %dma_start3A = arith.constant 0 : i32
          %dma_start3A_41 = tpu.memref_slice %arg3[%add3A_37, %dma_start3A] : memref<100096x16xf32, #tpu.memory_space<hbm>> -> memref<1000x16xf32, #tpu.memory_space<hbm>>
          %dma_start3A_42 = arith.constant 0 : i32
          %dma_start3A_43 = tpu.memref_slice %arg3[%add3A_37, %dma_start3A_42] : memref<100096x16xf32, #tpu.memory_space<hbm>> -> memref<1000x16xf32, #tpu.memory_space<hbm>>
          tpu.enqueue_dma source(%dma_start3A_43 : memref<1000x16xf32, #tpu.memory_space<hbm>>) target(%arg12 : memref<1000x16xf32, #tpu.memory_space<vmem>>) target_semaphore(%run_scoped3A : memref<!tpu.dma_semaphore, #tpu.memory_space<semaphore_mem>>)
          %dma_wait3A = arith.constant 0 : i32
          %dma_wait3A_44 = tpu.memref_slice %arg3[%add3A_37, %dma_wait3A] : memref<100096x16xf32, #tpu.memory_space<hbm>> -> memref<1000x16xf32, #tpu.memory_space<hbm>>
          %dma_wait3A_45 = arith.constant 0 : i32
          %dma_wait3A_46 = tpu.memref_slice %arg3[%add3A_37, %dma_wait3A_45] : memref<100096x16xf32, #tpu.memory_space<hbm>> -> memref<1000x16xf32, #tpu.memory_space<hbm>>
          tpu.wait_dma2 semaphore(%run_scoped3A : memref<!tpu.dma_semaphore, #tpu.memory_space<semaphore_mem>>) src(%dma_wait3A_46 : memref<1000x16xf32, #tpu.memory_space<hbm>>) dst(%arg12 : memref<1000x16xf32, #tpu.memory_space<vmem>>)
          tpu.yield
        }) : () -> ()
        %mul3A_38 = arith.constant 1000 : i32
        %mul3A_39 = arith.muli %scan3A_34, %mul3A_38 : i32
        %add3A_40 = arith.addi %mul3A_0, %mul3A_39 : i32
        "tpu.region"() ({
          %run_scoped3A = tpu.sem_alloc : memref<!tpu.dma_semaphore, #tpu.memory_space<semaphore_mem>>
          %dma_start3A = arith.constant 0 : i32
          %dma_start3A_41 = tpu.memref_slice %arg9[%add3A_40, %dma_start3A] : memref<100096x16xf32, #tpu.memory_space<vmem_shared>> -> memref<1000x16xf32, #tpu.memory_space<vmem_shared>>
          %dma_start3A_42 = arith.constant 0 : i32
          %dma_start3A_43 = tpu.memref_slice %arg9[%add3A_40, %dma_start3A_42] : memref<100096x16xf32, #tpu.memory_space<vmem_shared>> -> memref<1000x16xf32, #tpu.memory_space<vmem_shared>>
          tpu.enqueue_dma source(%arg12 : memref<1000x16xf32, #tpu.memory_space<vmem>>) target(%dma_start3A_43 : memref<1000x16xf32, #tpu.memory_space<vmem_shared>>) target_semaphore(%run_scoped3A : memref<!tpu.dma_semaphore, #tpu.memory_space<semaphore_mem>>)
          %dma_wait3A = arith.constant 0 : i32
          %dma_wait3A_44 = tpu.memref_slice %arg9[%add3A_40, %dma_wait3A] : memref<100096x16xf32, #tpu.memory_space<vmem_shared>> -> memref<1000x16xf32, #tpu.memory_space<vmem_shared>>
          %dma_wait3A_45 = arith.constant 0 : i32
          %dma_wait3A_46 = tpu.memref_slice %arg9[%add3A_40, %dma_wait3A_45] : memref<100096x16xf32, #tpu.memory_space<vmem_shared>> -> memref<1000x16xf32, #tpu.memory_space<vmem_shared>>
          tpu.wait_dma2 semaphore(%run_scoped3A : memref<!tpu.dma_semaphore, #tpu.memory_space<semaphore_mem>>) src(%arg12 : memref<1000x16xf32, #tpu.memory_space<vmem>>) dst(%dma_wait3A_46 : memref<1000x16xf32, #tpu.memory_space<vmem_shared>>)
          tpu.yield
        }) : () -> ()
      }
      %scan3A_11 = arith.constant 6 : i32
      %add3A = arith.constant 6000 : i32
      %add3A_12 = arith.addi %mul3A_0, %add3A : i32
      "tpu.region"() ({
        %run_scoped3A = tpu.sem_alloc : memref<!tpu.dma_semaphore, #tpu.memory_space<semaphore_mem>>
        %dma_start3A = arith.constant 0 : i32
        %dma_start3A_34 = tpu.memref_slice %arg3[%add3A_12, %dma_start3A] : memref<100096x16xf32, #tpu.memory_space<hbm>> -> memref<256x16xf32, #tpu.memory_space<hbm>>
        %dma_start3A_35 = arith.constant 0 : i32
        %dma_start3A_36 = tpu.memref_slice %arg3[%add3A_12, %dma_start3A_35] : memref<100096x16xf32, #tpu.memory_space<hbm>> -> memref<256x16xf32, #tpu.memory_space<hbm>>
        tpu.enqueue_dma source(%dma_start3A_36 : memref<256x16xf32, #tpu.memory_space<hbm>>) target(%arg13 : memref<256x16xf32, #tpu.memory_space<vmem>>) target_semaphore(%run_scoped3A : memref<!tpu.dma_semaphore, #tpu.memory_space<semaphore_mem>>)
        %dma_wait3A = arith.constant 0 : i32
        %dma_wait3A_37 = tpu.memref_slice %arg3[%add3A_12, %dma_wait3A] : memref<100096x16xf32, #tpu.memory_space<hbm>> -> memref<256x16xf32, #tpu.memory_space<hbm>>
        %dma_wait3A_38 = arith.constant 0 : i32
        %dma_wait3A_39 = tpu.memref_slice %arg3[%add3A_12, %dma_wait3A_38] : memref<100096x16xf32, #tpu.memory_space<hbm>> -> memref<256x16xf32, #tpu.memory_space<hbm>>
        tpu.wait_dma2 semaphore(%run_scoped3A : memref<!tpu.dma_semaphore, #tpu.memory_space<semaphore_mem>>) src(%dma_wait3A_39 : memref<256x16xf32, #tpu.memory_space<hbm>>) dst(%arg13 : memref<256x16xf32, #tpu.memory_space<vmem>>)
        tpu.yield
      }) : () -> ()
      %add3A_13 = arith.constant 6000 : i32
      %add3A_14 = arith.addi %mul3A_0, %add3A_13 : i32
      "tpu.region"() ({
        %run_scoped3A = tpu.sem_alloc : memref<!tpu.dma_semaphore, #tpu.memory_space<semaphore_mem>>
        %dma_start3A = arith.constant 0 : i32
        %dma_start3A_34 = tpu.memref_slice %arg9[%add3A_14, %dma_start3A] : memref<100096x16xf32, #tpu.memory_space<vmem_shared>> -> memref<256x16xf32, #tpu.memory_space<vmem_shared>>
        %dma_start3A_35 = arith.constant 0 : i32
        %dma_start3A_36 = tpu.memref_slice %arg9[%add3A_14, %dma_start3A_35] : memref<100096x16xf32, #tpu.memory_space<vmem_shared>> -> memref<256x16xf32, #tpu.memory_space<vmem_shared>>
        tpu.enqueue_dma source(%arg13 : memref<256x16xf32, #tpu.memory_space<vmem>>) target(%dma_start3A_36 : memref<256x16xf32, #tpu.memory_space<vmem_shared>>) target_semaphore(%run_scoped3A : memref<!tpu.dma_semaphore, #tpu.memory_space<semaphore_mem>>)
        %dma_wait3A = arith.constant 0 : i32
        %dma_wait3A_37 = tpu.memref_slice %arg9[%add3A_14, %dma_wait3A] : memref<100096x16xf32, #tpu.memory_space<vmem_shared>> -> memref<256x16xf32, #tpu.memory_space<vmem_shared>>
        %dma_wait3A_38 = arith.constant 0 : i32
        %dma_wait3A_39 = tpu.memref_slice %arg9[%add3A_14, %dma_wait3A_38] : memref<100096x16xf32, #tpu.memory_space<vmem_shared>> -> memref<256x16xf32, #tpu.memory_space<vmem_shared>>
        tpu.wait_dma2 semaphore(%run_scoped3A : memref<!tpu.dma_semaphore, #tpu.memory_space<semaphore_mem>>) src(%arg13 : memref<256x16xf32, #tpu.memory_space<vmem>>) dst(%dma_wait3A_39 : memref<256x16xf32, #tpu.memory_space<vmem_shared>>)
        tpu.yield
      }) : () -> ()
      %barrier3A = arith.constant 0 : index
      tpu.barrier barrier_id(%barrier3A)
      %mul3A_15 = arith.constant 100000 : i32
      %mul3A_16 = arith.muli %arg1, %mul3A_15 : i32
      %add3A_17 = arith.constant 0 : i32
      %add3A_18 = arith.addi %add3A_17, %mul3A_16 : i32
      %scan3A_19 = arith.constant 0 : i32
      %scan3A_20 = arith.constant 100 : i32
      %scan3A_21 = arith.addi %scan3A_19, %scan3A_20 : i32
      %scan3A_22 = arith.constant 1 : i32
      scf.for %scan3A_34 = %scan3A_19 to %scan3A_21 step %scan3A_22  : i32 {
        %mul3A_35 = arith.constant 1000 : i32
        %mul3A_36 = arith.muli %scan3A_34, %mul3A_35 : i32
        %add3A_37 = arith.addi %add3A_18, %mul3A_36 : i32
        "tpu.region"() ({
          %run_scoped3A = tpu.sem_alloc : memref<!tpu.dma_semaphore, #tpu.memory_space<semaphore_mem>>
          %dma_start3A_42 = tpu.memref_slice %arg5[%add3A_37] : memref<1600000xi32, #tpu.memory_space<hbm>> -> memref<1000xi32, #tpu.memory_space<hbm>>
          %dma_start3A_43 = tpu.memref_slice %arg5[%add3A_37] : memref<1600000xi32, #tpu.memory_space<hbm>> -> memref<1000xi32, #tpu.memory_space<hbm>>
          tpu.enqueue_dma source(%dma_start3A_43 : memref<1000xi32, #tpu.memory_space<hbm>>) target(%arg10 : memref<1000xi32, #tpu.memory_space<vmem>>) target_semaphore(%run_scoped3A : memref<!tpu.dma_semaphore, #tpu.memory_space<semaphore_mem>>)
          %dma_wait3A_44 = tpu.memref_slice %arg5[%add3A_37] : memref<1600000xi32, #tpu.memory_space<hbm>> -> memref<1000xi32, #tpu.memory_space<hbm>>
          %dma_wait3A_45 = tpu.memref_slice %arg5[%add3A_37] : memref<1600000xi32, #tpu.memory_space<hbm>> -> memref<1000xi32, #tpu.memory_space<hbm>>
          tpu.wait_dma2 semaphore(%run_scoped3A : memref<!tpu.dma_semaphore, #tpu.memory_space<semaphore_mem>>) src(%dma_wait3A_45 : memref<1000xi32, #tpu.memory_space<hbm>>) dst(%arg10 : memref<1000xi32, #tpu.memory_space<vmem>>)
          tpu.yield
        }) : () -> ()
        %dma_start3A = arith.constant 0 : i32
        %dma_start3A_38 = arith.constant 0 : i32
        %dma_start3A_39 = tpu.memref_slice %arg3[%dma_start3A, %dma_start3A_38] : memref<100096x16xf32, #tpu.memory_space<hbm>> -> memref<100096x16xf32, #tpu.memory_space<hbm>>
        tpu.enqueue_indirect_dma source(%dma_start3A_39 : memref<100096x16xf32, #tpu.memory_space<hbm>>) target(%arg12 : memref<1000x16xf32, #tpu.memory_space<vmem>>) offsets(%arg10 : memref<1000xi32, #tpu.memory_space<vmem>>) semaphore(%arg14 : memref<!tpu.dma_semaphore, #tpu.memory_space<semaphore_mem>>)
        %dma_wait3A = arith.constant 0 : i32
        %dma_wait3A_40 = arith.constant 0 : i32
        %dma_wait3A_41 = tpu.memref_slice %arg3[%dma_wait3A, %dma_wait3A_40] : memref<100096x16xf32, #tpu.memory_space<hbm>> -> memref<100096x16xf32, #tpu.memory_space<hbm>>
        tpu.wait_indirect_dma semaphore(%arg14 : memref<!tpu.dma_semaphore, #tpu.memory_space<semaphore_mem>>) src(%dma_wait3A_41 : memref<100096x16xf32, #tpu.memory_space<hbm>>) dst(%arg12 : memref<1000x16xf32, #tpu.memory_space<vmem>>)
        "tpu.region"() ({
          %run_scoped3A = tpu.sem_alloc : memref<!tpu.dma_semaphore, #tpu.memory_space<semaphore_mem>>
          %dma_start3A_42 = tpu.memref_slice %arg6[%add3A_37] : memref<1600000xi32, #tpu.memory_space<hbm>> -> memref<1000xi32, #tpu.memory_space<hbm>>
          %dma_start3A_43 = tpu.memref_slice %arg6[%add3A_37] : memref<1600000xi32, #tpu.memory_space<hbm>> -> memref<1000xi32, #tpu.memory_space<hbm>>
          tpu.enqueue_dma source(%dma_start3A_43 : memref<1000xi32, #tpu.memory_space<hbm>>) target(%arg11 : memref<1000xi32, #tpu.memory_space<vmem>>) target_semaphore(%run_scoped3A : memref<!tpu.dma_semaphore, #tpu.memory_space<semaphore_mem>>)
          %dma_wait3A_44 = tpu.memref_slice %arg6[%add3A_37] : memref<1600000xi32, #tpu.memory_space<hbm>> -> memref<1000xi32, #tpu.memory_space<hbm>>
          %dma_wait3A_45 = tpu.memref_slice %arg6[%add3A_37] : memref<1600000xi32, #tpu.memory_space<hbm>> -> memref<1000xi32, #tpu.memory_space<hbm>>
          tpu.wait_dma2 semaphore(%run_scoped3A : memref<!tpu.dma_semaphore, #tpu.memory_space<semaphore_mem>>) src(%dma_wait3A_45 : memref<1000xi32, #tpu.memory_space<hbm>>) dst(%arg11 : memref<1000xi32, #tpu.memory_space<vmem>>)
          tpu.yield
        }) : () -> ()
        "tpu.region"() ({
          %run_scoped3A = tpu.sem_alloc : memref<!tpu.dma_semaphore, #tpu.memory_space<semaphore_mem>>
          %dma_start3A_42 = arith.constant 0 : i32
          %dma_start3A_43 = arith.constant 0 : i32
          %dma_start3A_44 = tpu.memref_slice %arg9[%dma_start3A_42, %dma_start3A_43] : memref<100096x16xf32, #tpu.memory_space<vmem_shared>> -> memref<100096x16xf32, #tpu.memory_space<vmem_shared>>
          tpu.enqueue_indirect_dma source(%arg12 : memref<1000x16xf32, #tpu.memory_space<vmem>>) target(%dma_start3A_44 : memref<100096x16xf32, #tpu.memory_space<vmem_shared>>) offsets(%arg11 : memref<1000xi32, #tpu.memory_space<vmem>>) semaphore(%run_scoped3A : memref<!tpu.dma_semaphore, #tpu.memory_space<semaphore_mem>>) {add = true}
          %dma_wait3A_45 = arith.constant 0 : i32
          %dma_wait3A_46 = arith.constant 0 : i32
          %dma_wait3A_47 = tpu.memref_slice %arg9[%dma_wait3A_45, %dma_wait3A_46] : memref<100096x16xf32, #tpu.memory_space<vmem_shared>> -> memref<100096x16xf32, #tpu.memory_space<vmem_shared>>
          tpu.wait_indirect_dma semaphore(%run_scoped3A : memref<!tpu.dma_semaphore, #tpu.memory_space<semaphore_mem>>) src(%arg12 : memref<1000x16xf32, #tpu.memory_space<vmem>>) dst(%dma_wait3A_47 : memref<100096x16xf32, #tpu.memory_space<vmem_shared>>)
          tpu.yield
        }) : () -> ()
      }
      %scan3A_23 = arith.constant 100 : i32
      %barrier3A_24 = arith.constant 0 : index
      tpu.barrier barrier_id(%barrier3A_24)
      %scan3A_25 = arith.constant 0 : i32
      %scan3A_26 = arith.constant 6 : i32
      %scan3A_27 = arith.addi %scan3A_25, %scan3A_26 : i32
      %scan3A_28 = arith.constant 1 : i32
      scf.for %scan3A_34 = %scan3A_25 to %scan3A_27 step %scan3A_28  : i32 {
        %mul3A_35 = arith.constant 1000 : i32
        %mul3A_36 = arith.muli %scan3A_34, %mul3A_35 : i32
        %add3A_37 = arith.addi %mul3A_0, %mul3A_36 : i32
        "tpu.region"() ({
          %run_scoped3A = tpu.sem_alloc : memref<!tpu.dma_semaphore, #tpu.memory_space<semaphore_mem>>
          %dma_start3A = arith.constant 0 : i32
          %dma_start3A_41 = tpu.memref_slice %arg9[%add3A_37, %dma_start3A] : memref<100096x16xf32, #tpu.memory_space<vmem_shared>> -> memref<1000x16xf32, #tpu.memory_space<vmem_shared>>
          %dma_start3A_42 = arith.constant 0 : i32
          %dma_start3A_43 = tpu.memref_slice %arg9[%add3A_37, %dma_start3A_42] : memref<100096x16xf32, #tpu.memory_space<vmem_shared>> -> memref<1000x16xf32, #tpu.memory_space<vmem_shared>>
          tpu.enqueue_dma source(%dma_start3A_43 : memref<1000x16xf32, #tpu.memory_space<vmem_shared>>) target(%arg12 : memref<1000x16xf32, #tpu.memory_space<vmem>>) target_semaphore(%run_scoped3A : memref<!tpu.dma_semaphore, #tpu.memory_space<semaphore_mem>>)
          %dma_wait3A = arith.constant 0 : i32
          %dma_wait3A_44 = tpu.memref_slice %arg9[%add3A_37, %dma_wait3A] : memref<100096x16xf32, #tpu.memory_space<vmem_shared>> -> memref<1000x16xf32, #tpu.memory_space<vmem_shared>>
          %dma_wait3A_45 = arith.constant 0 : i32
          %dma_wait3A_46 = tpu.memref_slice %arg9[%add3A_37, %dma_wait3A_45] : memref<100096x16xf32, #tpu.memory_space<vmem_shared>> -> memref<1000x16xf32, #tpu.memory_space<vmem_shared>>
          tpu.wait_dma2 semaphore(%run_scoped3A : memref<!tpu.dma_semaphore, #tpu.memory_space<semaphore_mem>>) src(%dma_wait3A_46 : memref<1000x16xf32, #tpu.memory_space<vmem_shared>>) dst(%arg12 : memref<1000x16xf32, #tpu.memory_space<vmem>>)
          tpu.yield
        }) : () -> ()
        %mul3A_38 = arith.constant 1000 : i32
        %mul3A_39 = arith.muli %scan3A_34, %mul3A_38 : i32
        %add3A_40 = arith.addi %mul3A_0, %mul3A_39 : i32
        "tpu.region"() ({
          %run_scoped3A = tpu.sem_alloc : memref<!tpu.dma_semaphore, #tpu.memory_space<semaphore_mem>>
          %dma_start3A = arith.constant 0 : i32
          %dma_start3A_41 = tpu.memref_slice %arg8[%add3A_40, %dma_start3A] : memref<100096x16xf32, #tpu.memory_space<hbm>> -> memref<1000x16xf32, #tpu.memory_space<hbm>>
          %dma_start3A_42 = arith.constant 0 : i32
          %dma_start3A_43 = tpu.memref_slice %arg8[%add3A_40, %dma_start3A_42] : memref<100096x16xf32, #tpu.memory_space<hbm>> -> memref<1000x16xf32, #tpu.memory_space<hbm>>
          tpu.enqueue_dma source(%arg12 : memref<1000x16xf32, #tpu.memory_space<vmem>>) target(%dma_start3A_43 : memref<1000x16xf32, #tpu.memory_space<hbm>>) target_semaphore(%run_scoped3A : memref<!tpu.dma_semaphore, #tpu.memory_space<semaphore_mem>>)
          %dma_wait3A = arith.constant 0 : i32
          %dma_wait3A_44 = tpu.memref_slice %arg8[%add3A_40, %dma_wait3A] : memref<100096x16xf32, #tpu.memory_space<hbm>> -> memref<1000x16xf32, #tpu.memory_space<hbm>>
          %dma_wait3A_45 = arith.constant 0 : i32
          %dma_wait3A_46 = tpu.memref_slice %arg8[%add3A_40, %dma_wait3A_45] : memref<100096x16xf32, #tpu.memory_space<hbm>> -> memref<1000x16xf32, #tpu.memory_space<hbm>>
          tpu.wait_dma2 semaphore(%run_scoped3A : memref<!tpu.dma_semaphore, #tpu.memory_space<semaphore_mem>>) src(%arg12 : memref<1000x16xf32, #tpu.memory_space<vmem>>) dst(%dma_wait3A_46 : memref<1000x16xf32, #tpu.memory_space<hbm>>)
          tpu.yield
        }) : () -> ()
      }
      %scan3A_29 = arith.constant 6 : i32
      %add3A_30 = arith.constant 6000 : i32
      %add3A_31 = arith.addi %mul3A_0, %add3A_30 : i32
      "tpu.region"() ({
        %run_scoped3A = tpu.sem_alloc : memref<!tpu.dma_semaphore, #tpu.memory_space<semaphore_mem>>
        %dma_start3A = arith.constant 0 : i32
        %dma_start3A_34 = tpu.memref_slice %arg9[%add3A_31, %dma_start3A] : memref<100096x16xf32, #tpu.memory_space<vmem_shared>> -> memref<256x16xf32, #tpu.memory_space<vmem_shared>>
        %dma_start3A_35 = arith.constant 0 : i32
        %dma_start3A_36 = tpu.memref_slice %arg9[%add3A_31, %dma_start3A_35] : memref<100096x16xf32, #tpu.memory_space<vmem_shared>> -> memref<256x16xf32, #tpu.memory_space<vmem_shared>>
        tpu.enqueue_dma source(%dma_start3A_36 : memref<256x16xf32, #tpu.memory_space<vmem_shared>>) target(%arg13 : memref<256x16xf32, #tpu.memory_space<vmem>>) target_semaphore(%run_scoped3A : memref<!tpu.dma_semaphore, #tpu.memory_space<semaphore_mem>>)
        %dma_wait3A = arith.constant 0 : i32
        %dma_wait3A_37 = tpu.memref_slice %arg9[%add3A_31, %dma_wait3A] : memref<100096x16xf32, #tpu.memory_space<vmem_shared>> -> memref<256x16xf32, #tpu.memory_space<vmem_shared>>
        %dma_wait3A_38 = arith.constant 0 : i32
        %dma_wait3A_39 = tpu.memref_slice %arg9[%add3A_31, %dma_wait3A_38] : memref<100096x16xf32, #tpu.memory_space<vmem_shared>> -> memref<256x16xf32, #tpu.memory_space<vmem_shared>>
        tpu.wait_dma2 semaphore(%run_scoped3A : memref<!tpu.dma_semaphore, #tpu.memory_space<semaphore_mem>>) src(%dma_wait3A_39 : memref<256x16xf32, #tpu.memory_space<vmem_shared>>) dst(%arg13 : memref<256x16xf32, #tpu.memory_space<vmem>>)
        tpu.yield
      }) : () -> ()
      %add3A_32 = arith.constant 6000 : i32
      %add3A_33 = arith.addi %mul3A_0, %add3A_32 : i32
      "tpu.region"() ({
        %run_scoped3A = tpu.sem_alloc : memref<!tpu.dma_semaphore, #tpu.memory_space<semaphore_mem>>
        %dma_start3A = arith.constant 0 : i32
        %dma_start3A_34 = tpu.memref_slice %arg8[%add3A_33, %dma_start3A] : memref<100096x16xf32, #tpu.memory_space<hbm>> -> memref<256x16xf32, #tpu.memory_space<hbm>>
        %dma_start3A_35 = arith.constant 0 : i32
        %dma_start3A_36 = tpu.memref_slice %arg8[%add3A_33, %dma_start3A_35] : memref<100096x16xf32, #tpu.memory_space<hbm>> -> memref<256x16xf32, #tpu.memory_space<hbm>>
        tpu.enqueue_dma source(%arg13 : memref<256x16xf32, #tpu.memory_space<vmem>>) target(%dma_start3A_36 : memref<256x16xf32, #tpu.memory_space<hbm>>) target_semaphore(%run_scoped3A : memref<!tpu.dma_semaphore, #tpu.memory_space<semaphore_mem>>)
        %dma_wait3A = arith.constant 0 : i32
        %dma_wait3A_37 = tpu.memref_slice %arg8[%add3A_33, %dma_wait3A] : memref<100096x16xf32, #tpu.memory_space<hbm>> -> memref<256x16xf32, #tpu.memory_space<hbm>>
        %dma_wait3A_38 = arith.constant 0 : i32
        %dma_wait3A_39 = tpu.memref_slice %arg8[%add3A_33, %dma_wait3A_38] : memref<100096x16xf32, #tpu.memory_space<hbm>> -> memref<256x16xf32, #tpu.memory_space<hbm>>
        tpu.wait_dma2 semaphore(%run_scoped3A : memref<!tpu.dma_semaphore, #tpu.memory_space<semaphore_mem>>) src(%arg13 : memref<256x16xf32, #tpu.memory_space<vmem>>) dst(%dma_wait3A_39 : memref<256x16xf32, #tpu.memory_space<hbm>>)
        tpu.yield
      }) : () -> ()
    } else {
    }
    return
  }
}

#map = affine_map<(d0, d1) -> (0, 0)>
#map1 = affine_map<(d0, d1) -> (0)>
module attributes {stable_mosaic.version = 14 : i64} {
  func.func @_prop_body(%arg0: i32, %arg1: i32, %arg2: memref<100096x16xf32, #tpu.memory_space<hbm>>, %arg3: memref<100096x16xf32, #tpu.memory_space<hbm>>, %arg4: memref<1000x16xf32, #tpu.memory_space<hbm>>, %arg5: memref<1600000xi32, #tpu.memory_space<hbm>>, %arg6: memref<1600000xi32, #tpu.memory_space<hbm>>, %arg7: memref<100096x16xf32, #tpu.memory_space<hbm>>, %arg8: memref<100096x16xf32, #tpu.memory_space<hbm>>, %arg9: memref<100096x16xf32, #tpu.memory_space<vmem_shared>>, %arg10: memref<1000xi32, #tpu.memory_space<vmem>>, %arg11: memref<1000xi32, #tpu.memory_space<vmem>>, %arg12: memref<1000x16xf32, #tpu.memory_space<vmem>>, %arg13: memref<256x16xf32, #tpu.memory_space<vmem>>, %arg14: memref<!tpu.dma_semaphore, #tpu.memory_space<semaphore_mem>>) attributes {dimension_semantics = [#tpu.dimension_semantics<core_parallel>, #tpu.dimension_semantics<subcore_parallel>], iteration_bounds = array<i64: 2, 16>, scalar_prefetch = 0 : i64, scratch_operands = 6 : i64, tpu.core_type = #tpu.core_type<sc_vector_subcore>, window_params = [{transform_indices = #map}, {transform_indices = #map}, {transform_indices = #map}, {transform_indices = #map1}, {transform_indices = #map1}, {transform_indices = #map}, {transform_indices = #map}]} {
    %mul3A = arith.constant 6256 : i32
    %mul3A_0 = arith.muli %arg1, %mul3A : i32
    %eq3A = arith.constant 0 : i32
    %eq3A_1 = arith.cmpi eq, %arg0, %eq3A : i32
    %convert_element_type3A = arith.extui %eq3A_1 : i1 to i32
    %cond3A = arith.constant 0 : i32
    %cond3A_2 = arith.cmpi ne, %convert_element_type3A, %cond3A : i32
    scf.if %cond3A_2 {
      %scan3A = arith.constant 0 : i32
      %scan3A_8 = arith.constant 6 : i32
      %scan3A_9 = arith.addi %scan3A, %scan3A_8 : i32
      %scan3A_10 = arith.constant 1 : i32
      scf.for %scan3A_34 = %scan3A to %scan3A_9 step %scan3A_10  : i32 {
        %mul3A_35 = arith.constant 1000 : i32
        %mul3A_36 = arith.muli %scan3A_34, %mul3A_35 : i32
        %add3A_37 = arith.addi %mul3A_0, %mul3A_36 : i32
        "tpu.region"() ({
          %run_scoped3A = tpu.sem_alloc : memref<!tpu.dma_semaphore, #tpu.memory_space<semaphore_mem>>
          %dma_start3A = arith.constant 0 : i32
          %dma_start3A_41 = tpu.memref_slice %arg2[%add3A_37, %dma_start3A] : memref<100096x16xf32, #tpu.memory_space<hbm>> -> memref<1000x16xf32, #tpu.memory_space<hbm>>
          %dma_start3A_42 = arith.constant 0 : i32
          %dma_start3A_43 = tpu.memref_slice %arg2[%add3A_37, %dma_start3A_42] : memref<100096x16xf32, #tpu.memory_space<hbm>> -> memref<1000x16xf32, #tpu.memory_space<hbm>>
          tpu.enqueue_dma source(%dma_start3A_43 : memref<1000x16xf32, #tpu.memory_space<hbm>>) target(%arg12 : memref<1000x16xf32, #tpu.memory_space<vmem>>) target_semaphore(%run_scoped3A : memref<!tpu.dma_semaphore, #tpu.memory_space<semaphore_mem>>)
          %dma_wait3A = arith.constant 0 : i32
          %dma_wait3A_44 = tpu.memref_slice %arg2[%add3A_37, %dma_wait3A] : memref<100096x16xf32, #tpu.memory_space<hbm>> -> memref<1000x16xf32, #tpu.memory_space<hbm>>
          %dma_wait3A_45 = arith.constant 0 : i32
          %dma_wait3A_46 = tpu.memref_slice %arg2[%add3A_37, %dma_wait3A_45] : memref<100096x16xf32, #tpu.memory_space<hbm>> -> memref<1000x16xf32, #tpu.memory_space<hbm>>
          tpu.wait_dma2 semaphore(%run_scoped3A : memref<!tpu.dma_semaphore, #tpu.memory_space<semaphore_mem>>) src(%dma_wait3A_46 : memref<1000x16xf32, #tpu.memory_space<hbm>>) dst(%arg12 : memref<1000x16xf32, #tpu.memory_space<vmem>>)
          tpu.yield
        }) : () -> ()
        %mul3A_38 = arith.constant 1000 : i32
        %mul3A_39 = arith.muli %scan3A_34, %mul3A_38 : i32
        %add3A_40 = arith.addi %mul3A_0, %mul3A_39 : i32
        "tpu.region"() ({
          %run_scoped3A = tpu.sem_alloc : memref<!tpu.dma_semaphore, #tpu.memory_space<semaphore_mem>>
          %dma_start3A = arith.constant 0 : i32
          %dma_start3A_41 = tpu.memref_slice %arg9[%add3A_40, %dma_start3A] : memref<100096x16xf32, #tpu.memory_space<vmem_shared>> -> memref<1000x16xf32, #tpu.memory_space<vmem_shared>>
          %dma_start3A_42 = arith.constant 0 : i32
          %dma_start3A_43 = tpu.memref_slice %arg9[%add3A_40, %dma_start3A_42] : memref<100096x16xf32, #tpu.memory_space<vmem_shared>> -> memref<1000x16xf32, #tpu.memory_space<vmem_shared>>
          tpu.enqueue_dma source(%arg12 : memref<1000x16xf32, #tpu.memory_space<vmem>>) target(%dma_start3A_43 : memref<1000x16xf32, #tpu.memory_space<vmem_shared>>) target_semaphore(%run_scoped3A : memref<!tpu.dma_semaphore, #tpu.memory_space<semaphore_mem>>)
          %dma_wait3A = arith.constant 0 : i32
          %dma_wait3A_44 = tpu.memref_slice %arg9[%add3A_40, %dma_wait3A] : memref<100096x16xf32, #tpu.memory_space<vmem_shared>> -> memref<1000x16xf32, #tpu.memory_space<vmem_shared>>
          %dma_wait3A_45 = arith.constant 0 : i32
          %dma_wait3A_46 = tpu.memref_slice %arg9[%add3A_40, %dma_wait3A_45] : memref<100096x16xf32, #tpu.memory_space<vmem_shared>> -> memref<1000x16xf32, #tpu.memory_space<vmem_shared>>
          tpu.wait_dma2 semaphore(%run_scoped3A : memref<!tpu.dma_semaphore, #tpu.memory_space<semaphore_mem>>) src(%arg12 : memref<1000x16xf32, #tpu.memory_space<vmem>>) dst(%dma_wait3A_46 : memref<1000x16xf32, #tpu.memory_space<vmem_shared>>)
          tpu.yield
        }) : () -> ()
      }
      %scan3A_11 = arith.constant 6 : i32
      %add3A = arith.constant 6000 : i32
      %add3A_12 = arith.addi %mul3A_0, %add3A : i32
      "tpu.region"() ({
        %run_scoped3A = tpu.sem_alloc : memref<!tpu.dma_semaphore, #tpu.memory_space<semaphore_mem>>
        %dma_start3A = arith.constant 0 : i32
        %dma_start3A_34 = tpu.memref_slice %arg2[%add3A_12, %dma_start3A] : memref<100096x16xf32, #tpu.memory_space<hbm>> -> memref<256x16xf32, #tpu.memory_space<hbm>>
        %dma_start3A_35 = arith.constant 0 : i32
        %dma_start3A_36 = tpu.memref_slice %arg2[%add3A_12, %dma_start3A_35] : memref<100096x16xf32, #tpu.memory_space<hbm>> -> memref<256x16xf32, #tpu.memory_space<hbm>>
        tpu.enqueue_dma source(%dma_start3A_36 : memref<256x16xf32, #tpu.memory_space<hbm>>) target(%arg13 : memref<256x16xf32, #tpu.memory_space<vmem>>) target_semaphore(%run_scoped3A : memref<!tpu.dma_semaphore, #tpu.memory_space<semaphore_mem>>)
        %dma_wait3A = arith.constant 0 : i32
        %dma_wait3A_37 = tpu.memref_slice %arg2[%add3A_12, %dma_wait3A] : memref<100096x16xf32, #tpu.memory_space<hbm>> -> memref<256x16xf32, #tpu.memory_space<hbm>>
        %dma_wait3A_38 = arith.constant 0 : i32
        %dma_wait3A_39 = tpu.memref_slice %arg2[%add3A_12, %dma_wait3A_38] : memref<100096x16xf32, #tpu.memory_space<hbm>> -> memref<256x16xf32, #tpu.memory_space<hbm>>
        tpu.wait_dma2 semaphore(%run_scoped3A : memref<!tpu.dma_semaphore, #tpu.memory_space<semaphore_mem>>) src(%dma_wait3A_39 : memref<256x16xf32, #tpu.memory_space<hbm>>) dst(%arg13 : memref<256x16xf32, #tpu.memory_space<vmem>>)
        tpu.yield
      }) : () -> ()
      %add3A_13 = arith.constant 6000 : i32
      %add3A_14 = arith.addi %mul3A_0, %add3A_13 : i32
      "tpu.region"() ({
        %run_scoped3A = tpu.sem_alloc : memref<!tpu.dma_semaphore, #tpu.memory_space<semaphore_mem>>
        %dma_start3A = arith.constant 0 : i32
        %dma_start3A_34 = tpu.memref_slice %arg9[%add3A_14, %dma_start3A] : memref<100096x16xf32, #tpu.memory_space<vmem_shared>> -> memref<256x16xf32, #tpu.memory_space<vmem_shared>>
        %dma_start3A_35 = arith.constant 0 : i32
        %dma_start3A_36 = tpu.memref_slice %arg9[%add3A_14, %dma_start3A_35] : memref<100096x16xf32, #tpu.memory_space<vmem_shared>> -> memref<256x16xf32, #tpu.memory_space<vmem_shared>>
        tpu.enqueue_dma source(%arg13 : memref<256x16xf32, #tpu.memory_space<vmem>>) target(%dma_start3A_36 : memref<256x16xf32, #tpu.memory_space<vmem_shared>>) target_semaphore(%run_scoped3A : memref<!tpu.dma_semaphore, #tpu.memory_space<semaphore_mem>>)
        %dma_wait3A = arith.constant 0 : i32
        %dma_wait3A_37 = tpu.memref_slice %arg9[%add3A_14, %dma_wait3A] : memref<100096x16xf32, #tpu.memory_space<vmem_shared>> -> memref<256x16xf32, #tpu.memory_space<vmem_shared>>
        %dma_wait3A_38 = arith.constant 0 : i32
        %dma_wait3A_39 = tpu.memref_slice %arg9[%add3A_14, %dma_wait3A_38] : memref<100096x16xf32, #tpu.memory_space<vmem_shared>> -> memref<256x16xf32, #tpu.memory_space<vmem_shared>>
        tpu.wait_dma2 semaphore(%run_scoped3A : memref<!tpu.dma_semaphore, #tpu.memory_space<semaphore_mem>>) src(%arg13 : memref<256x16xf32, #tpu.memory_space<vmem>>) dst(%dma_wait3A_39 : memref<256x16xf32, #tpu.memory_space<vmem_shared>>)
        tpu.yield
      }) : () -> ()
      %barrier3A = arith.constant 0 : index
      tpu.barrier barrier_id(%barrier3A)
      %mul3A_15 = arith.constant 50000 : i32
      %mul3A_16 = arith.muli %arg1, %mul3A_15 : i32
      %add3A_17 = arith.constant 0 : i32
      %add3A_18 = arith.addi %add3A_17, %mul3A_16 : i32
      %scan3A_19 = arith.constant 0 : i32
      %scan3A_20 = arith.constant 50 : i32
      %scan3A_21 = arith.addi %scan3A_19, %scan3A_20 : i32
      %scan3A_22 = arith.constant 1 : i32
      scf.for %scan3A_34 = %scan3A_19 to %scan3A_21 step %scan3A_22  : i32 {
        %mul3A_35 = arith.constant 1000 : i32
        %mul3A_36 = arith.muli %scan3A_34, %mul3A_35 : i32
        %add3A_37 = arith.addi %add3A_18, %mul3A_36 : i32
        "tpu.region"() ({
          %run_scoped3A = tpu.sem_alloc : memref<!tpu.dma_semaphore, #tpu.memory_space<semaphore_mem>>
          %dma_start3A_42 = tpu.memref_slice %arg5[%add3A_37] : memref<1600000xi32, #tpu.memory_space<hbm>> -> memref<1000xi32, #tpu.memory_space<hbm>>
          %dma_start3A_43 = tpu.memref_slice %arg5[%add3A_37] : memref<1600000xi32, #tpu.memory_space<hbm>> -> memref<1000xi32, #tpu.memory_space<hbm>>
          tpu.enqueue_dma source(%dma_start3A_43 : memref<1000xi32, #tpu.memory_space<hbm>>) target(%arg10 : memref<1000xi32, #tpu.memory_space<vmem>>) target_semaphore(%run_scoped3A : memref<!tpu.dma_semaphore, #tpu.memory_space<semaphore_mem>>)
          %dma_wait3A_44 = tpu.memref_slice %arg5[%add3A_37] : memref<1600000xi32, #tpu.memory_space<hbm>> -> memref<1000xi32, #tpu.memory_space<hbm>>
          %dma_wait3A_45 = tpu.memref_slice %arg5[%add3A_37] : memref<1600000xi32, #tpu.memory_space<hbm>> -> memref<1000xi32, #tpu.memory_space<hbm>>
          tpu.wait_dma2 semaphore(%run_scoped3A : memref<!tpu.dma_semaphore, #tpu.memory_space<semaphore_mem>>) src(%dma_wait3A_45 : memref<1000xi32, #tpu.memory_space<hbm>>) dst(%arg10 : memref<1000xi32, #tpu.memory_space<vmem>>)
          tpu.yield
        }) : () -> ()
        %dma_start3A = arith.constant 0 : i32
        %dma_start3A_38 = arith.constant 0 : i32
        %dma_start3A_39 = tpu.memref_slice %arg2[%dma_start3A, %dma_start3A_38] : memref<100096x16xf32, #tpu.memory_space<hbm>> -> memref<100096x16xf32, #tpu.memory_space<hbm>>
        tpu.enqueue_indirect_dma source(%dma_start3A_39 : memref<100096x16xf32, #tpu.memory_space<hbm>>) target(%arg12 : memref<1000x16xf32, #tpu.memory_space<vmem>>) offsets(%arg10 : memref<1000xi32, #tpu.memory_space<vmem>>) semaphore(%arg14 : memref<!tpu.dma_semaphore, #tpu.memory_space<semaphore_mem>>)
        %dma_wait3A = arith.constant 0 : i32
        %dma_wait3A_40 = arith.constant 0 : i32
        %dma_wait3A_41 = tpu.memref_slice %arg2[%dma_wait3A, %dma_wait3A_40] : memref<100096x16xf32, #tpu.memory_space<hbm>> -> memref<100096x16xf32, #tpu.memory_space<hbm>>
        tpu.wait_indirect_dma semaphore(%arg14 : memref<!tpu.dma_semaphore, #tpu.memory_space<semaphore_mem>>) src(%dma_wait3A_41 : memref<100096x16xf32, #tpu.memory_space<hbm>>) dst(%arg12 : memref<1000x16xf32, #tpu.memory_space<vmem>>)
        "tpu.region"() ({
          %run_scoped3A = tpu.sem_alloc : memref<!tpu.dma_semaphore, #tpu.memory_space<semaphore_mem>>
          %dma_start3A_42 = tpu.memref_slice %arg6[%add3A_37] : memref<1600000xi32, #tpu.memory_space<hbm>> -> memref<1000xi32, #tpu.memory_space<hbm>>
          %dma_start3A_43 = tpu.memref_slice %arg6[%add3A_37] : memref<1600000xi32, #tpu.memory_space<hbm>> -> memref<1000xi32, #tpu.memory_space<hbm>>
          tpu.enqueue_dma source(%dma_start3A_43 : memref<1000xi32, #tpu.memory_space<hbm>>) target(%arg11 : memref<1000xi32, #tpu.memory_space<vmem>>) target_semaphore(%run_scoped3A : memref<!tpu.dma_semaphore, #tpu.memory_space<semaphore_mem>>)
          %dma_wait3A_44 = tpu.memref_slice %arg6[%add3A_37] : memref<1600000xi32, #tpu.memory_space<hbm>> -> memref<1000xi32, #tpu.memory_space<hbm>>
          %dma_wait3A_45 = tpu.memref_slice %arg6[%add3A_37] : memref<1600000xi32, #tpu.memory_space<hbm>> -> memref<1000xi32, #tpu.memory_space<hbm>>
          tpu.wait_dma2 semaphore(%run_scoped3A : memref<!tpu.dma_semaphore, #tpu.memory_space<semaphore_mem>>) src(%dma_wait3A_45 : memref<1000xi32, #tpu.memory_space<hbm>>) dst(%arg11 : memref<1000xi32, #tpu.memory_space<vmem>>)
          tpu.yield
        }) : () -> ()
        "tpu.region"() ({
          %run_scoped3A = tpu.sem_alloc : memref<!tpu.dma_semaphore, #tpu.memory_space<semaphore_mem>>
          %dma_start3A_42 = arith.constant 0 : i32
          %dma_start3A_43 = arith.constant 0 : i32
          %dma_start3A_44 = tpu.memref_slice %arg9[%dma_start3A_42, %dma_start3A_43] : memref<100096x16xf32, #tpu.memory_space<vmem_shared>> -> memref<100096x16xf32, #tpu.memory_space<vmem_shared>>
          tpu.enqueue_indirect_dma source(%arg12 : memref<1000x16xf32, #tpu.memory_space<vmem>>) target(%dma_start3A_44 : memref<100096x16xf32, #tpu.memory_space<vmem_shared>>) offsets(%arg11 : memref<1000xi32, #tpu.memory_space<vmem>>) semaphore(%run_scoped3A : memref<!tpu.dma_semaphore, #tpu.memory_space<semaphore_mem>>) {add = true}
          %dma_wait3A_45 = arith.constant 0 : i32
          %dma_wait3A_46 = arith.constant 0 : i32
          %dma_wait3A_47 = tpu.memref_slice %arg9[%dma_wait3A_45, %dma_wait3A_46] : memref<100096x16xf32, #tpu.memory_space<vmem_shared>> -> memref<100096x16xf32, #tpu.memory_space<vmem_shared>>
          tpu.wait_indirect_dma semaphore(%run_scoped3A : memref<!tpu.dma_semaphore, #tpu.memory_space<semaphore_mem>>) src(%arg12 : memref<1000x16xf32, #tpu.memory_space<vmem>>) dst(%dma_wait3A_47 : memref<100096x16xf32, #tpu.memory_space<vmem_shared>>)
          tpu.yield
        }) : () -> ()
      }
      %scan3A_23 = arith.constant 50 : i32
      %barrier3A_24 = arith.constant 0 : index
      tpu.barrier barrier_id(%barrier3A_24)
      %scan3A_25 = arith.constant 0 : i32
      %scan3A_26 = arith.constant 6 : i32
      %scan3A_27 = arith.addi %scan3A_25, %scan3A_26 : i32
      %scan3A_28 = arith.constant 1 : i32
      scf.for %scan3A_34 = %scan3A_25 to %scan3A_27 step %scan3A_28  : i32 {
        %mul3A_35 = arith.constant 1000 : i32
        %mul3A_36 = arith.muli %scan3A_34, %mul3A_35 : i32
        %add3A_37 = arith.addi %mul3A_0, %mul3A_36 : i32
        "tpu.region"() ({
          %run_scoped3A = tpu.sem_alloc : memref<!tpu.dma_semaphore, #tpu.memory_space<semaphore_mem>>
          %dma_start3A = arith.constant 0 : i32
          %dma_start3A_41 = tpu.memref_slice %arg9[%add3A_37, %dma_start3A] : memref<100096x16xf32, #tpu.memory_space<vmem_shared>> -> memref<1000x16xf32, #tpu.memory_space<vmem_shared>>
          %dma_start3A_42 = arith.constant 0 : i32
          %dma_start3A_43 = tpu.memref_slice %arg9[%add3A_37, %dma_start3A_42] : memref<100096x16xf32, #tpu.memory_space<vmem_shared>> -> memref<1000x16xf32, #tpu.memory_space<vmem_shared>>
          tpu.enqueue_dma source(%dma_start3A_43 : memref<1000x16xf32, #tpu.memory_space<vmem_shared>>) target(%arg12 : memref<1000x16xf32, #tpu.memory_space<vmem>>) target_semaphore(%run_scoped3A : memref<!tpu.dma_semaphore, #tpu.memory_space<semaphore_mem>>)
          %dma_wait3A = arith.constant 0 : i32
          %dma_wait3A_44 = tpu.memref_slice %arg9[%add3A_37, %dma_wait3A] : memref<100096x16xf32, #tpu.memory_space<vmem_shared>> -> memref<1000x16xf32, #tpu.memory_space<vmem_shared>>
          %dma_wait3A_45 = arith.constant 0 : i32
          %dma_wait3A_46 = tpu.memref_slice %arg9[%add3A_37, %dma_wait3A_45] : memref<100096x16xf32, #tpu.memory_space<vmem_shared>> -> memref<1000x16xf32, #tpu.memory_space<vmem_shared>>
          tpu.wait_dma2 semaphore(%run_scoped3A : memref<!tpu.dma_semaphore, #tpu.memory_space<semaphore_mem>>) src(%dma_wait3A_46 : memref<1000x16xf32, #tpu.memory_space<vmem_shared>>) dst(%arg12 : memref<1000x16xf32, #tpu.memory_space<vmem>>)
          tpu.yield
        }) : () -> ()
        %mul3A_38 = arith.constant 1000 : i32
        %mul3A_39 = arith.muli %scan3A_34, %mul3A_38 : i32
        %add3A_40 = arith.addi %mul3A_0, %mul3A_39 : i32
        "tpu.region"() ({
          %run_scoped3A = tpu.sem_alloc : memref<!tpu.dma_semaphore, #tpu.memory_space<semaphore_mem>>
          %dma_start3A = arith.constant 0 : i32
          %dma_start3A_41 = tpu.memref_slice %arg7[%add3A_40, %dma_start3A] : memref<100096x16xf32, #tpu.memory_space<hbm>> -> memref<1000x16xf32, #tpu.memory_space<hbm>>
          %dma_start3A_42 = arith.constant 0 : i32
          %dma_start3A_43 = tpu.memref_slice %arg7[%add3A_40, %dma_start3A_42] : memref<100096x16xf32, #tpu.memory_space<hbm>> -> memref<1000x16xf32, #tpu.memory_space<hbm>>
          tpu.enqueue_dma source(%arg12 : memref<1000x16xf32, #tpu.memory_space<vmem>>) target(%dma_start3A_43 : memref<1000x16xf32, #tpu.memory_space<hbm>>) target_semaphore(%run_scoped3A : memref<!tpu.dma_semaphore, #tpu.memory_space<semaphore_mem>>)
          %dma_wait3A = arith.constant 0 : i32
          %dma_wait3A_44 = tpu.memref_slice %arg7[%add3A_40, %dma_wait3A] : memref<100096x16xf32, #tpu.memory_space<hbm>> -> memref<1000x16xf32, #tpu.memory_space<hbm>>
          %dma_wait3A_45 = arith.constant 0 : i32
          %dma_wait3A_46 = tpu.memref_slice %arg7[%add3A_40, %dma_wait3A_45] : memref<100096x16xf32, #tpu.memory_space<hbm>> -> memref<1000x16xf32, #tpu.memory_space<hbm>>
          tpu.wait_dma2 semaphore(%run_scoped3A : memref<!tpu.dma_semaphore, #tpu.memory_space<semaphore_mem>>) src(%arg12 : memref<1000x16xf32, #tpu.memory_space<vmem>>) dst(%dma_wait3A_46 : memref<1000x16xf32, #tpu.memory_space<hbm>>)
          tpu.yield
        }) : () -> ()
      }
      %scan3A_29 = arith.constant 6 : i32
      %add3A_30 = arith.constant 6000 : i32
      %add3A_31 = arith.addi %mul3A_0, %add3A_30 : i32
      "tpu.region"() ({
        %run_scoped3A = tpu.sem_alloc : memref<!tpu.dma_semaphore, #tpu.memory_space<semaphore_mem>>
        %dma_start3A = arith.constant 0 : i32
        %dma_start3A_34 = tpu.memref_slice %arg9[%add3A_31, %dma_start3A] : memref<100096x16xf32, #tpu.memory_space<vmem_shared>> -> memref<256x16xf32, #tpu.memory_space<vmem_shared>>
        %dma_start3A_35 = arith.constant 0 : i32
        %dma_start3A_36 = tpu.memref_slice %arg9[%add3A_31, %dma_start3A_35] : memref<100096x16xf32, #tpu.memory_space<vmem_shared>> -> memref<256x16xf32, #tpu.memory_space<vmem_shared>>
        tpu.enqueue_dma source(%dma_start3A_36 : memref<256x16xf32, #tpu.memory_space<vmem_shared>>) target(%arg13 : memref<256x16xf32, #tpu.memory_space<vmem>>) target_semaphore(%run_scoped3A : memref<!tpu.dma_semaphore, #tpu.memory_space<semaphore_mem>>)
        %dma_wait3A = arith.constant 0 : i32
        %dma_wait3A_37 = tpu.memref_slice %arg9[%add3A_31, %dma_wait3A] : memref<100096x16xf32, #tpu.memory_space<vmem_shared>> -> memref<256x16xf32, #tpu.memory_space<vmem_shared>>
        %dma_wait3A_38 = arith.constant 0 : i32
        %dma_wait3A_39 = tpu.memref_slice %arg9[%add3A_31, %dma_wait3A_38] : memref<100096x16xf32, #tpu.memory_space<vmem_shared>> -> memref<256x16xf32, #tpu.memory_space<vmem_shared>>
        tpu.wait_dma2 semaphore(%run_scoped3A : memref<!tpu.dma_semaphore, #tpu.memory_space<semaphore_mem>>) src(%dma_wait3A_39 : memref<256x16xf32, #tpu.memory_space<vmem_shared>>) dst(%arg13 : memref<256x16xf32, #tpu.memory_space<vmem>>)
        tpu.yield
      }) : () -> ()
      %add3A_32 = arith.constant 6000 : i32
      %add3A_33 = arith.addi %mul3A_0, %add3A_32 : i32
      "tpu.region"() ({
        %run_scoped3A = tpu.sem_alloc : memref<!tpu.dma_semaphore, #tpu.memory_space<semaphore_mem>>
        %dma_start3A = arith.constant 0 : i32
        %dma_start3A_34 = tpu.memref_slice %arg7[%add3A_33, %dma_start3A] : memref<100096x16xf32, #tpu.memory_space<hbm>> -> memref<256x16xf32, #tpu.memory_space<hbm>>
        %dma_start3A_35 = arith.constant 0 : i32
        %dma_start3A_36 = tpu.memref_slice %arg7[%add3A_33, %dma_start3A_35] : memref<100096x16xf32, #tpu.memory_space<hbm>> -> memref<256x16xf32, #tpu.memory_space<hbm>>
        tpu.enqueue_dma source(%arg13 : memref<256x16xf32, #tpu.memory_space<vmem>>) target(%dma_start3A_36 : memref<256x16xf32, #tpu.memory_space<hbm>>) target_semaphore(%run_scoped3A : memref<!tpu.dma_semaphore, #tpu.memory_space<semaphore_mem>>)
        %dma_wait3A = arith.constant 0 : i32
        %dma_wait3A_37 = tpu.memref_slice %arg7[%add3A_33, %dma_wait3A] : memref<100096x16xf32, #tpu.memory_space<hbm>> -> memref<256x16xf32, #tpu.memory_space<hbm>>
        %dma_wait3A_38 = arith.constant 0 : i32
        %dma_wait3A_39 = tpu.memref_slice %arg7[%add3A_33, %dma_wait3A_38] : memref<100096x16xf32, #tpu.memory_space<hbm>> -> memref<256x16xf32, #tpu.memory_space<hbm>>
        tpu.wait_dma2 semaphore(%run_scoped3A : memref<!tpu.dma_semaphore, #tpu.memory_space<semaphore_mem>>) src(%arg13 : memref<256x16xf32, #tpu.memory_space<vmem>>) dst(%dma_wait3A_39 : memref<256x16xf32, #tpu.memory_space<hbm>>)
        tpu.yield
      }) : () -> ()
    } else {
    }
    %eq3A_3 = arith.constant 1 : i32
    %eq3A_4 = arith.cmpi eq, %arg0, %eq3A_3 : i32
    %convert_element_type3A_5 = arith.extui %eq3A_4 : i1 to i32
    %cond3A_6 = arith.constant 0 : i32
    %cond3A_7 = arith.cmpi ne, %convert_element_type3A_5, %cond3A_6 : i32
    scf.if %cond3A_7 {
      %scan3A = arith.constant 0 : i32
      %scan3A_8 = arith.constant 6 : i32
      %scan3A_9 = arith.addi %scan3A, %scan3A_8 : i32
      %scan3A_10 = arith.constant 1 : i32
      scf.for %scan3A_32 = %scan3A to %scan3A_9 step %scan3A_10  : i32 {
        "tpu.region"() ({
          %run_scoped3A = tpu.sem_alloc : memref<!tpu.dma_semaphore, #tpu.memory_space<semaphore_mem>>
          %dma_start3A = arith.constant 0 : i32
          %dma_start3A_36 = arith.constant 0 : i32
          %dma_start3A_37 = tpu.memref_slice %arg4[%dma_start3A, %dma_start3A_36] : memref<1000x16xf32, #tpu.memory_space<hbm>> -> memref<1000x16xf32, #tpu.memory_space<hbm>>
          %dma_start3A_38 = arith.constant 0 : i32
          %dma_start3A_39 = arith.constant 0 : i32
          %dma_start3A_40 = tpu.memref_slice %arg4[%dma_start3A_38, %dma_start3A_39] : memref<1000x16xf32, #tpu.memory_space<hbm>> -> memref<1000x16xf32, #tpu.memory_space<hbm>>
          tpu.enqueue_dma source(%dma_start3A_40 : memref<1000x16xf32, #tpu.memory_space<hbm>>) target(%arg12 : memref<1000x16xf32, #tpu.memory_space<vmem>>) target_semaphore(%run_scoped3A : memref<!tpu.dma_semaphore, #tpu.memory_space<semaphore_mem>>)
          %dma_wait3A = arith.constant 0 : i32
          %dma_wait3A_41 = arith.constant 0 : i32
          %dma_wait3A_42 = tpu.memref_slice %arg4[%dma_wait3A, %dma_wait3A_41] : memref<1000x16xf32, #tpu.memory_space<hbm>> -> memref<1000x16xf32, #tpu.memory_space<hbm>>
          %dma_wait3A_43 = arith.constant 0 : i32
          %dma_wait3A_44 = arith.constant 0 : i32
          %dma_wait3A_45 = tpu.memref_slice %arg4[%dma_wait3A_43, %dma_wait3A_44] : memref<1000x16xf32, #tpu.memory_space<hbm>> -> memref<1000x16xf32, #tpu.memory_space<hbm>>
          tpu.wait_dma2 semaphore(%run_scoped3A : memref<!tpu.dma_semaphore, #tpu.memory_space<semaphore_mem>>) src(%dma_wait3A_45 : memref<1000x16xf32, #tpu.memory_space<hbm>>) dst(%arg12 : memref<1000x16xf32, #tpu.memory_space<vmem>>)
          tpu.yield
        }) : () -> ()
        %mul3A_33 = arith.constant 1000 : i32
        %mul3A_34 = arith.muli %scan3A_32, %mul3A_33 : i32
        %add3A_35 = arith.addi %mul3A_0, %mul3A_34 : i32
        "tpu.region"() ({
          %run_scoped3A = tpu.sem_alloc : memref<!tpu.dma_semaphore, #tpu.memory_space<semaphore_mem>>
          %dma_start3A = arith.constant 0 : i32
          %dma_start3A_36 = tpu.memref_slice %arg9[%add3A_35, %dma_start3A] : memref<100096x16xf32, #tpu.memory_space<vmem_shared>> -> memref<1000x16xf32, #tpu.memory_space<vmem_shared>>
          %dma_start3A_37 = arith.constant 0 : i32
          %dma_start3A_38 = tpu.memref_slice %arg9[%add3A_35, %dma_start3A_37] : memref<100096x16xf32, #tpu.memory_space<vmem_shared>> -> memref<1000x16xf32, #tpu.memory_space<vmem_shared>>
          tpu.enqueue_dma source(%arg12 : memref<1000x16xf32, #tpu.memory_space<vmem>>) target(%dma_start3A_38 : memref<1000x16xf32, #tpu.memory_space<vmem_shared>>) target_semaphore(%run_scoped3A : memref<!tpu.dma_semaphore, #tpu.memory_space<semaphore_mem>>)
          %dma_wait3A = arith.constant 0 : i32
          %dma_wait3A_39 = tpu.memref_slice %arg9[%add3A_35, %dma_wait3A] : memref<100096x16xf32, #tpu.memory_space<vmem_shared>> -> memref<1000x16xf32, #tpu.memory_space<vmem_shared>>
          %dma_wait3A_40 = arith.constant 0 : i32
          %dma_wait3A_41 = tpu.memref_slice %arg9[%add3A_35, %dma_wait3A_40] : memref<100096x16xf32, #tpu.memory_space<vmem_shared>> -> memref<1000x16xf32, #tpu.memory_space<vmem_shared>>
          tpu.wait_dma2 semaphore(%run_scoped3A : memref<!tpu.dma_semaphore, #tpu.memory_space<semaphore_mem>>) src(%arg12 : memref<1000x16xf32, #tpu.memory_space<vmem>>) dst(%dma_wait3A_41 : memref<1000x16xf32, #tpu.memory_space<vmem_shared>>)
          tpu.yield
        }) : () -> ()
      }
      %scan3A_11 = arith.constant 6 : i32
      "tpu.region"() ({
        %run_scoped3A = tpu.sem_alloc : memref<!tpu.dma_semaphore, #tpu.memory_space<semaphore_mem>>
        %dma_start3A = arith.constant 0 : i32
        %dma_start3A_32 = arith.constant 0 : i32
        %dma_start3A_33 = tpu.memref_slice %arg4[%dma_start3A, %dma_start3A_32] : memref<1000x16xf32, #tpu.memory_space<hbm>> -> memref<256x16xf32, #tpu.memory_space<hbm>>
        %dma_start3A_34 = arith.constant 0 : i32
        %dma_start3A_35 = arith.constant 0 : i32
        %dma_start3A_36 = tpu.memref_slice %arg4[%dma_start3A_34, %dma_start3A_35] : memref<1000x16xf32, #tpu.memory_space<hbm>> -> memref<256x16xf32, #tpu.memory_space<hbm>>
        tpu.enqueue_dma source(%dma_start3A_36 : memref<256x16xf32, #tpu.memory_space<hbm>>) target(%arg13 : memref<256x16xf32, #tpu.memory_space<vmem>>) target_semaphore(%run_scoped3A : memref<!tpu.dma_semaphore, #tpu.memory_space<semaphore_mem>>)
        %dma_wait3A = arith.constant 0 : i32
        %dma_wait3A_37 = arith.constant 0 : i32
        %dma_wait3A_38 = tpu.memref_slice %arg4[%dma_wait3A, %dma_wait3A_37] : memref<1000x16xf32, #tpu.memory_space<hbm>> -> memref<256x16xf32, #tpu.memory_space<hbm>>
        %dma_wait3A_39 = arith.constant 0 : i32
        %dma_wait3A_40 = arith.constant 0 : i32
        %dma_wait3A_41 = tpu.memref_slice %arg4[%dma_wait3A_39, %dma_wait3A_40] : memref<1000x16xf32, #tpu.memory_space<hbm>> -> memref<256x16xf32, #tpu.memory_space<hbm>>
        tpu.wait_dma2 semaphore(%run_scoped3A : memref<!tpu.dma_semaphore, #tpu.memory_space<semaphore_mem>>) src(%dma_wait3A_41 : memref<256x16xf32, #tpu.memory_space<hbm>>) dst(%arg13 : memref<256x16xf32, #tpu.memory_space<vmem>>)
        tpu.yield
      }) : () -> ()
      %add3A = arith.constant 6000 : i32
      %add3A_12 = arith.addi %mul3A_0, %add3A : i32
      "tpu.region"() ({
        %run_scoped3A = tpu.sem_alloc : memref<!tpu.dma_semaphore, #tpu.memory_space<semaphore_mem>>
        %dma_start3A = arith.constant 0 : i32
        %dma_start3A_32 = tpu.memref_slice %arg9[%add3A_12, %dma_start3A] : memref<100096x16xf32, #tpu.memory_space<vmem_shared>> -> memref<256x16xf32, #tpu.memory_space<vmem_shared>>
        %dma_start3A_33 = arith.constant 0 : i32
        %dma_start3A_34 = tpu.memref_slice %arg9[%add3A_12, %dma_start3A_33] : memref<100096x16xf32, #tpu.memory_space<vmem_shared>> -> memref<256x16xf32, #tpu.memory_space<vmem_shared>>
        tpu.enqueue_dma source(%arg13 : memref<256x16xf32, #tpu.memory_space<vmem>>) target(%dma_start3A_34 : memref<256x16xf32, #tpu.memory_space<vmem_shared>>) target_semaphore(%run_scoped3A : memref<!tpu.dma_semaphore, #tpu.memory_space<semaphore_mem>>)
        %dma_wait3A = arith.constant 0 : i32
        %dma_wait3A_35 = tpu.memref_slice %arg9[%add3A_12, %dma_wait3A] : memref<100096x16xf32, #tpu.memory_space<vmem_shared>> -> memref<256x16xf32, #tpu.memory_space<vmem_shared>>
        %dma_wait3A_36 = arith.constant 0 : i32
        %dma_wait3A_37 = tpu.memref_slice %arg9[%add3A_12, %dma_wait3A_36] : memref<100096x16xf32, #tpu.memory_space<vmem_shared>> -> memref<256x16xf32, #tpu.memory_space<vmem_shared>>
        tpu.wait_dma2 semaphore(%run_scoped3A : memref<!tpu.dma_semaphore, #tpu.memory_space<semaphore_mem>>) src(%arg13 : memref<256x16xf32, #tpu.memory_space<vmem>>) dst(%dma_wait3A_37 : memref<256x16xf32, #tpu.memory_space<vmem_shared>>)
        tpu.yield
      }) : () -> ()
      %barrier3A = arith.constant 0 : index
      tpu.barrier barrier_id(%barrier3A)
      %mul3A_13 = arith.constant 50000 : i32
      %mul3A_14 = arith.muli %arg1, %mul3A_13 : i32
      %add3A_15 = arith.constant 800000 : i32
      %add3A_16 = arith.addi %add3A_15, %mul3A_14 : i32
      %scan3A_17 = arith.constant 0 : i32
      %scan3A_18 = arith.constant 50 : i32
      %scan3A_19 = arith.addi %scan3A_17, %scan3A_18 : i32
      %scan3A_20 = arith.constant 1 : i32
      scf.for %scan3A_32 = %scan3A_17 to %scan3A_19 step %scan3A_20  : i32 {
        %mul3A_33 = arith.constant 1000 : i32
        %mul3A_34 = arith.muli %scan3A_32, %mul3A_33 : i32
        %add3A_35 = arith.addi %add3A_16, %mul3A_34 : i32
        "tpu.region"() ({
          %run_scoped3A = tpu.sem_alloc : memref<!tpu.dma_semaphore, #tpu.memory_space<semaphore_mem>>
          %dma_start3A_40 = tpu.memref_slice %arg5[%add3A_35] : memref<1600000xi32, #tpu.memory_space<hbm>> -> memref<1000xi32, #tpu.memory_space<hbm>>
          %dma_start3A_41 = tpu.memref_slice %arg5[%add3A_35] : memref<1600000xi32, #tpu.memory_space<hbm>> -> memref<1000xi32, #tpu.memory_space<hbm>>
          tpu.enqueue_dma source(%dma_start3A_41 : memref<1000xi32, #tpu.memory_space<hbm>>) target(%arg10 : memref<1000xi32, #tpu.memory_space<vmem>>) target_semaphore(%run_scoped3A : memref<!tpu.dma_semaphore, #tpu.memory_space<semaphore_mem>>)
          %dma_wait3A_42 = tpu.memref_slice %arg5[%add3A_35] : memref<1600000xi32, #tpu.memory_space<hbm>> -> memref<1000xi32, #tpu.memory_space<hbm>>
          %dma_wait3A_43 = tpu.memref_slice %arg5[%add3A_35] : memref<1600000xi32, #tpu.memory_space<hbm>> -> memref<1000xi32, #tpu.memory_space<hbm>>
          tpu.wait_dma2 semaphore(%run_scoped3A : memref<!tpu.dma_semaphore, #tpu.memory_space<semaphore_mem>>) src(%dma_wait3A_43 : memref<1000xi32, #tpu.memory_space<hbm>>) dst(%arg10 : memref<1000xi32, #tpu.memory_space<vmem>>)
          tpu.yield
        }) : () -> ()
        %dma_start3A = arith.constant 0 : i32
        %dma_start3A_36 = arith.constant 0 : i32
        %dma_start3A_37 = tpu.memref_slice %arg3[%dma_start3A, %dma_start3A_36] : memref<100096x16xf32, #tpu.memory_space<hbm>> -> memref<100096x16xf32, #tpu.memory_space<hbm>>
        tpu.enqueue_indirect_dma source(%dma_start3A_37 : memref<100096x16xf32, #tpu.memory_space<hbm>>) target(%arg12 : memref<1000x16xf32, #tpu.memory_space<vmem>>) offsets(%arg10 : memref<1000xi32, #tpu.memory_space<vmem>>) semaphore(%arg14 : memref<!tpu.dma_semaphore, #tpu.memory_space<semaphore_mem>>)
        %dma_wait3A = arith.constant 0 : i32
        %dma_wait3A_38 = arith.constant 0 : i32
        %dma_wait3A_39 = tpu.memref_slice %arg3[%dma_wait3A, %dma_wait3A_38] : memref<100096x16xf32, #tpu.memory_space<hbm>> -> memref<100096x16xf32, #tpu.memory_space<hbm>>
        tpu.wait_indirect_dma semaphore(%arg14 : memref<!tpu.dma_semaphore, #tpu.memory_space<semaphore_mem>>) src(%dma_wait3A_39 : memref<100096x16xf32, #tpu.memory_space<hbm>>) dst(%arg12 : memref<1000x16xf32, #tpu.memory_space<vmem>>)
        "tpu.region"() ({
          %run_scoped3A = tpu.sem_alloc : memref<!tpu.dma_semaphore, #tpu.memory_space<semaphore_mem>>
          %dma_start3A_40 = tpu.memref_slice %arg6[%add3A_35] : memref<1600000xi32, #tpu.memory_space<hbm>> -> memref<1000xi32, #tpu.memory_space<hbm>>
          %dma_start3A_41 = tpu.memref_slice %arg6[%add3A_35] : memref<1600000xi32, #tpu.memory_space<hbm>> -> memref<1000xi32, #tpu.memory_space<hbm>>
          tpu.enqueue_dma source(%dma_start3A_41 : memref<1000xi32, #tpu.memory_space<hbm>>) target(%arg11 : memref<1000xi32, #tpu.memory_space<vmem>>) target_semaphore(%run_scoped3A : memref<!tpu.dma_semaphore, #tpu.memory_space<semaphore_mem>>)
          %dma_wait3A_42 = tpu.memref_slice %arg6[%add3A_35] : memref<1600000xi32, #tpu.memory_space<hbm>> -> memref<1000xi32, #tpu.memory_space<hbm>>
          %dma_wait3A_43 = tpu.memref_slice %arg6[%add3A_35] : memref<1600000xi32, #tpu.memory_space<hbm>> -> memref<1000xi32, #tpu.memory_space<hbm>>
          tpu.wait_dma2 semaphore(%run_scoped3A : memref<!tpu.dma_semaphore, #tpu.memory_space<semaphore_mem>>) src(%dma_wait3A_43 : memref<1000xi32, #tpu.memory_space<hbm>>) dst(%arg11 : memref<1000xi32, #tpu.memory_space<vmem>>)
          tpu.yield
        }) : () -> ()
        "tpu.region"() ({
          %run_scoped3A = tpu.sem_alloc : memref<!tpu.dma_semaphore, #tpu.memory_space<semaphore_mem>>
          %dma_start3A_40 = arith.constant 0 : i32
          %dma_start3A_41 = arith.constant 0 : i32
          %dma_start3A_42 = tpu.memref_slice %arg9[%dma_start3A_40, %dma_start3A_41] : memref<100096x16xf32, #tpu.memory_space<vmem_shared>> -> memref<100096x16xf32, #tpu.memory_space<vmem_shared>>
          tpu.enqueue_indirect_dma source(%arg12 : memref<1000x16xf32, #tpu.memory_space<vmem>>) target(%dma_start3A_42 : memref<100096x16xf32, #tpu.memory_space<vmem_shared>>) offsets(%arg11 : memref<1000xi32, #tpu.memory_space<vmem>>) semaphore(%run_scoped3A : memref<!tpu.dma_semaphore, #tpu.memory_space<semaphore_mem>>) {add = true}
          %dma_wait3A_43 = arith.constant 0 : i32
          %dma_wait3A_44 = arith.constant 0 : i32
          %dma_wait3A_45 = tpu.memref_slice %arg9[%dma_wait3A_43, %dma_wait3A_44] : memref<100096x16xf32, #tpu.memory_space<vmem_shared>> -> memref<100096x16xf32, #tpu.memory_space<vmem_shared>>
          tpu.wait_indirect_dma semaphore(%run_scoped3A : memref<!tpu.dma_semaphore, #tpu.memory_space<semaphore_mem>>) src(%arg12 : memref<1000x16xf32, #tpu.memory_space<vmem>>) dst(%dma_wait3A_45 : memref<100096x16xf32, #tpu.memory_space<vmem_shared>>)
          tpu.yield
        }) : () -> ()
      }
      %scan3A_21 = arith.constant 50 : i32
      %barrier3A_22 = arith.constant 0 : index
      tpu.barrier barrier_id(%barrier3A_22)
      %scan3A_23 = arith.constant 0 : i32
      %scan3A_24 = arith.constant 6 : i32
      %scan3A_25 = arith.addi %scan3A_23, %scan3A_24 : i32
      %scan3A_26 = arith.constant 1 : i32
      scf.for %scan3A_32 = %scan3A_23 to %scan3A_25 step %scan3A_26  : i32 {
        %mul3A_33 = arith.constant 1000 : i32
        %mul3A_34 = arith.muli %scan3A_32, %mul3A_33 : i32
        %add3A_35 = arith.addi %mul3A_0, %mul3A_34 : i32
        "tpu.region"() ({
          %run_scoped3A = tpu.sem_alloc : memref<!tpu.dma_semaphore, #tpu.memory_space<semaphore_mem>>
          %dma_start3A = arith.constant 0 : i32
          %dma_start3A_39 = tpu.memref_slice %arg9[%add3A_35, %dma_start3A] : memref<100096x16xf32, #tpu.memory_space<vmem_shared>> -> memref<1000x16xf32, #tpu.memory_space<vmem_shared>>
          %dma_start3A_40 = arith.constant 0 : i32
          %dma_start3A_41 = tpu.memref_slice %arg9[%add3A_35, %dma_start3A_40] : memref<100096x16xf32, #tpu.memory_space<vmem_shared>> -> memref<1000x16xf32, #tpu.memory_space<vmem_shared>>
          tpu.enqueue_dma source(%dma_start3A_41 : memref<1000x16xf32, #tpu.memory_space<vmem_shared>>) target(%arg12 : memref<1000x16xf32, #tpu.memory_space<vmem>>) target_semaphore(%run_scoped3A : memref<!tpu.dma_semaphore, #tpu.memory_space<semaphore_mem>>)
          %dma_wait3A = arith.constant 0 : i32
          %dma_wait3A_42 = tpu.memref_slice %arg9[%add3A_35, %dma_wait3A] : memref<100096x16xf32, #tpu.memory_space<vmem_shared>> -> memref<1000x16xf32, #tpu.memory_space<vmem_shared>>
          %dma_wait3A_43 = arith.constant 0 : i32
          %dma_wait3A_44 = tpu.memref_slice %arg9[%add3A_35, %dma_wait3A_43] : memref<100096x16xf32, #tpu.memory_space<vmem_shared>> -> memref<1000x16xf32, #tpu.memory_space<vmem_shared>>
          tpu.wait_dma2 semaphore(%run_scoped3A : memref<!tpu.dma_semaphore, #tpu.memory_space<semaphore_mem>>) src(%dma_wait3A_44 : memref<1000x16xf32, #tpu.memory_space<vmem_shared>>) dst(%arg12 : memref<1000x16xf32, #tpu.memory_space<vmem>>)
          tpu.yield
        }) : () -> ()
        %mul3A_36 = arith.constant 1000 : i32
        %mul3A_37 = arith.muli %scan3A_32, %mul3A_36 : i32
        %add3A_38 = arith.addi %mul3A_0, %mul3A_37 : i32
        "tpu.region"() ({
          %run_scoped3A = tpu.sem_alloc : memref<!tpu.dma_semaphore, #tpu.memory_space<semaphore_mem>>
          %dma_start3A = arith.constant 0 : i32
          %dma_start3A_39 = tpu.memref_slice %arg8[%add3A_38, %dma_start3A] : memref<100096x16xf32, #tpu.memory_space<hbm>> -> memref<1000x16xf32, #tpu.memory_space<hbm>>
          %dma_start3A_40 = arith.constant 0 : i32
          %dma_start3A_41 = tpu.memref_slice %arg8[%add3A_38, %dma_start3A_40] : memref<100096x16xf32, #tpu.memory_space<hbm>> -> memref<1000x16xf32, #tpu.memory_space<hbm>>
          tpu.enqueue_dma source(%arg12 : memref<1000x16xf32, #tpu.memory_space<vmem>>) target(%dma_start3A_41 : memref<1000x16xf32, #tpu.memory_space<hbm>>) target_semaphore(%run_scoped3A : memref<!tpu.dma_semaphore, #tpu.memory_space<semaphore_mem>>)
          %dma_wait3A = arith.constant 0 : i32
          %dma_wait3A_42 = tpu.memref_slice %arg8[%add3A_38, %dma_wait3A] : memref<100096x16xf32, #tpu.memory_space<hbm>> -> memref<1000x16xf32, #tpu.memory_space<hbm>>
          %dma_wait3A_43 = arith.constant 0 : i32
          %dma_wait3A_44 = tpu.memref_slice %arg8[%add3A_38, %dma_wait3A_43] : memref<100096x16xf32, #tpu.memory_space<hbm>> -> memref<1000x16xf32, #tpu.memory_space<hbm>>
          tpu.wait_dma2 semaphore(%run_scoped3A : memref<!tpu.dma_semaphore, #tpu.memory_space<semaphore_mem>>) src(%arg12 : memref<1000x16xf32, #tpu.memory_space<vmem>>) dst(%dma_wait3A_44 : memref<1000x16xf32, #tpu.memory_space<hbm>>)
          tpu.yield
        }) : () -> ()
      }
      %scan3A_27 = arith.constant 6 : i32
      %add3A_28 = arith.constant 6000 : i32
      %add3A_29 = arith.addi %mul3A_0, %add3A_28 : i32
      "tpu.region"() ({
        %run_scoped3A = tpu.sem_alloc : memref<!tpu.dma_semaphore, #tpu.memory_space<semaphore_mem>>
        %dma_start3A = arith.constant 0 : i32
        %dma_start3A_32 = tpu.memref_slice %arg9[%add3A_29, %dma_start3A] : memref<100096x16xf32, #tpu.memory_space<vmem_shared>> -> memref<256x16xf32, #tpu.memory_space<vmem_shared>>
        %dma_start3A_33 = arith.constant 0 : i32
        %dma_start3A_34 = tpu.memref_slice %arg9[%add3A_29, %dma_start3A_33] : memref<100096x16xf32, #tpu.memory_space<vmem_shared>> -> memref<256x16xf32, #tpu.memory_space<vmem_shared>>
        tpu.enqueue_dma source(%dma_start3A_34 : memref<256x16xf32, #tpu.memory_space<vmem_shared>>) target(%arg13 : memref<256x16xf32, #tpu.memory_space<vmem>>) target_semaphore(%run_scoped3A : memref<!tpu.dma_semaphore, #tpu.memory_space<semaphore_mem>>)
        %dma_wait3A = arith.constant 0 : i32
        %dma_wait3A_35 = tpu.memref_slice %arg9[%add3A_29, %dma_wait3A] : memref<100096x16xf32, #tpu.memory_space<vmem_shared>> -> memref<256x16xf32, #tpu.memory_space<vmem_shared>>
        %dma_wait3A_36 = arith.constant 0 : i32
        %dma_wait3A_37 = tpu.memref_slice %arg9[%add3A_29, %dma_wait3A_36] : memref<100096x16xf32, #tpu.memory_space<vmem_shared>> -> memref<256x16xf32, #tpu.memory_space<vmem_shared>>
        tpu.wait_dma2 semaphore(%run_scoped3A : memref<!tpu.dma_semaphore, #tpu.memory_space<semaphore_mem>>) src(%dma_wait3A_37 : memref<256x16xf32, #tpu.memory_space<vmem_shared>>) dst(%arg13 : memref<256x16xf32, #tpu.memory_space<vmem>>)
        tpu.yield
      }) : () -> ()
      %add3A_30 = arith.constant 6000 : i32
      %add3A_31 = arith.addi %mul3A_0, %add3A_30 : i32
      "tpu.region"() ({
        %run_scoped3A = tpu.sem_alloc : memref<!tpu.dma_semaphore, #tpu.memory_space<semaphore_mem>>
        %dma_start3A = arith.constant 0 : i32
        %dma_start3A_32 = tpu.memref_slice %arg8[%add3A_31, %dma_start3A] : memref<100096x16xf32, #tpu.memory_space<hbm>> -> memref<256x16xf32, #tpu.memory_space<hbm>>
        %dma_start3A_33 = arith.constant 0 : i32
        %dma_start3A_34 = tpu.memref_slice %arg8[%add3A_31, %dma_start3A_33] : memref<100096x16xf32, #tpu.memory_space<hbm>> -> memref<256x16xf32, #tpu.memory_space<hbm>>
        tpu.enqueue_dma source(%arg13 : memref<256x16xf32, #tpu.memory_space<vmem>>) target(%dma_start3A_34 : memref<256x16xf32, #tpu.memory_space<hbm>>) target_semaphore(%run_scoped3A : memref<!tpu.dma_semaphore, #tpu.memory_space<semaphore_mem>>)
        %dma_wait3A = arith.constant 0 : i32
        %dma_wait3A_35 = tpu.memref_slice %arg8[%add3A_31, %dma_wait3A] : memref<100096x16xf32, #tpu.memory_space<hbm>> -> memref<256x16xf32, #tpu.memory_space<hbm>>
        %dma_wait3A_36 = arith.constant 0 : i32
        %dma_wait3A_37 = tpu.memref_slice %arg8[%add3A_31, %dma_wait3A_36] : memref<100096x16xf32, #tpu.memory_space<hbm>> -> memref<256x16xf32, #tpu.memory_space<hbm>>
        tpu.wait_dma2 semaphore(%run_scoped3A : memref<!tpu.dma_semaphore, #tpu.memory_space<semaphore_mem>>) src(%arg13 : memref<256x16xf32, #tpu.memory_space<vmem>>) dst(%dma_wait3A_37 : memref<256x16xf32, #tpu.memory_space<hbm>>)
        tpu.yield
      }) : () -> ()
    } else {
    }
    return
  }
}

#map = affine_map<(d0, d1) -> (0)>
module attributes {stable_mosaic.version = 14 : i64} {
  func.func @_deg_body(%arg0: i32, %arg1: i32, %arg2: memref<1600000xi32, #tpu.memory_space<hbm>>, %arg3: memref<2000xf32, #tpu.memory_space<hbm>>, %arg4: memref<2000xf32, #tpu.memory_space<hbm>>, %arg5: memref<100096xf32, #tpu.memory_space<hbm>>, %arg6: memref<100096xf32, #tpu.memory_space<hbm>>, %arg7: memref<100096xf32, #tpu.memory_space<vmem_shared>>, %arg8: memref<2000xi32, #tpu.memory_space<vmem>>, %arg9: memref<2000xf32, #tpu.memory_space<vmem>>, %arg10: memref<2000xf32, #tpu.memory_space<vmem>>, %arg11: memref<256xf32, #tpu.memory_space<vmem>>) attributes {dimension_semantics = [#tpu.dimension_semantics<core_parallel>, #tpu.dimension_semantics<subcore_parallel>], iteration_bounds = array<i64: 2, 16>, scalar_prefetch = 0 : i64, scratch_operands = 5 : i64, tpu.core_type = #tpu.core_type<sc_vector_subcore>, window_params = [{transform_indices = #map}, {transform_indices = #map}, {transform_indices = #map}, {transform_indices = #map}, {transform_indices = #map}]} {
    %mul3A = arith.constant 6256 : i32
    %mul3A_0 = arith.muli %arg1, %mul3A : i32
    "tpu.region"() ({
      %run_scoped3A = tpu.sem_alloc : memref<!tpu.dma_semaphore, #tpu.memory_space<semaphore_mem>>
      tpu.enqueue_dma source(%arg3 : memref<2000xf32, #tpu.memory_space<hbm>>) target(%arg9 : memref<2000xf32, #tpu.memory_space<vmem>>) target_semaphore(%run_scoped3A : memref<!tpu.dma_semaphore, #tpu.memory_space<semaphore_mem>>)
      tpu.wait_dma2 semaphore(%run_scoped3A : memref<!tpu.dma_semaphore, #tpu.memory_space<semaphore_mem>>) src(%arg3 : memref<2000xf32, #tpu.memory_space<hbm>>) dst(%arg9 : memref<2000xf32, #tpu.memory_space<vmem>>)
      tpu.yield
    }) : () -> ()
    %scan3A = arith.constant 0 : i32
    %scan3A_1 = arith.constant 3 : i32
    %scan3A_2 = arith.addi %scan3A, %scan3A_1 : i32
    %scan3A_3 = arith.constant 1 : i32
    scf.for %scan3A_24 = %scan3A to %scan3A_2 step %scan3A_3  : i32 {
      "tpu.region"() ({
        %run_scoped3A = tpu.sem_alloc : memref<!tpu.dma_semaphore, #tpu.memory_space<semaphore_mem>>
        %dma_start3A = arith.constant 0 : i32
        %dma_start3A_28 = tpu.memref_slice %arg4[%dma_start3A] : memref<2000xf32, #tpu.memory_space<hbm>> -> memref<2000xf32, #tpu.memory_space<hbm>>
        %dma_start3A_29 = arith.constant 0 : i32
        %dma_start3A_30 = tpu.memref_slice %arg4[%dma_start3A_29] : memref<2000xf32, #tpu.memory_space<hbm>> -> memref<2000xf32, #tpu.memory_space<hbm>>
        tpu.enqueue_dma source(%dma_start3A_30 : memref<2000xf32, #tpu.memory_space<hbm>>) target(%arg10 : memref<2000xf32, #tpu.memory_space<vmem>>) target_semaphore(%run_scoped3A : memref<!tpu.dma_semaphore, #tpu.memory_space<semaphore_mem>>)
        %dma_wait3A = arith.constant 0 : i32
        %dma_wait3A_31 = tpu.memref_slice %arg4[%dma_wait3A] : memref<2000xf32, #tpu.memory_space<hbm>> -> memref<2000xf32, #tpu.memory_space<hbm>>
        %dma_wait3A_32 = arith.constant 0 : i32
        %dma_wait3A_33 = tpu.memref_slice %arg4[%dma_wait3A_32] : memref<2000xf32, #tpu.memory_space<hbm>> -> memref<2000xf32, #tpu.memory_space<hbm>>
        tpu.wait_dma2 semaphore(%run_scoped3A : memref<!tpu.dma_semaphore, #tpu.memory_space<semaphore_mem>>) src(%dma_wait3A_33 : memref<2000xf32, #tpu.memory_space<hbm>>) dst(%arg10 : memref<2000xf32, #tpu.memory_space<vmem>>)
        tpu.yield
      }) : () -> ()
      %mul3A_25 = arith.constant 2000 : i32
      %mul3A_26 = arith.muli %scan3A_24, %mul3A_25 : i32
      %add3A_27 = arith.addi %mul3A_0, %mul3A_26 : i32
      "tpu.region"() ({
        %run_scoped3A = tpu.sem_alloc : memref<!tpu.dma_semaphore, #tpu.memory_space<semaphore_mem>>
        %dma_start3A = tpu.memref_slice %arg7[%add3A_27] : memref<100096xf32, #tpu.memory_space<vmem_shared>> -> memref<2000xf32, #tpu.memory_space<vmem_shared>>
        %dma_start3A_28 = tpu.memref_slice %arg7[%add3A_27] : memref<100096xf32, #tpu.memory_space<vmem_shared>> -> memref<2000xf32, #tpu.memory_space<vmem_shared>>
        tpu.enqueue_dma source(%arg10 : memref<2000xf32, #tpu.memory_space<vmem>>) target(%dma_start3A_28 : memref<2000xf32, #tpu.memory_space<vmem_shared>>) target_semaphore(%run_scoped3A : memref<!tpu.dma_semaphore, #tpu.memory_space<semaphore_mem>>)
        %dma_wait3A = tpu.memref_slice %arg7[%add3A_27] : memref<100096xf32, #tpu.memory_space<vmem_shared>> -> memref<2000xf32, #tpu.memory_space<vmem_shared>>
        %dma_wait3A_29 = tpu.memref_slice %arg7[%add3A_27] : memref<100096xf32, #tpu.memory_space<vmem_shared>> -> memref<2000xf32, #tpu.memory_space<vmem_shared>>
        tpu.wait_dma2 semaphore(%run_scoped3A : memref<!tpu.dma_semaphore, #tpu.memory_space<semaphore_mem>>) src(%arg10 : memref<2000xf32, #tpu.memory_space<vmem>>) dst(%dma_wait3A_29 : memref<2000xf32, #tpu.memory_space<vmem_shared>>)
        tpu.yield
      }) : () -> ()
    }
    %scan3A_4 = arith.constant 3 : i32
    "tpu.region"() ({
      %run_scoped3A = tpu.sem_alloc : memref<!tpu.dma_semaphore, #tpu.memory_space<semaphore_mem>>
      %dma_start3A = arith.constant 0 : i32
      %dma_start3A_24 = tpu.memref_slice %arg4[%dma_start3A] : memref<2000xf32, #tpu.memory_space<hbm>> -> memref<256xf32, #tpu.memory_space<hbm>>
      %dma_start3A_25 = arith.constant 0 : i32
      %dma_start3A_26 = tpu.memref_slice %arg4[%dma_start3A_25] : memref<2000xf32, #tpu.memory_space<hbm>> -> memref<256xf32, #tpu.memory_space<hbm>>
      tpu.enqueue_dma source(%dma_start3A_26 : memref<256xf32, #tpu.memory_space<hbm>>) target(%arg11 : memref<256xf32, #tpu.memory_space<vmem>>) target_semaphore(%run_scoped3A : memref<!tpu.dma_semaphore, #tpu.memory_space<semaphore_mem>>)
      %dma_wait3A = arith.constant 0 : i32
      %dma_wait3A_27 = tpu.memref_slice %arg4[%dma_wait3A] : memref<2000xf32, #tpu.memory_space<hbm>> -> memref<256xf32, #tpu.memory_space<hbm>>
      %dma_wait3A_28 = arith.constant 0 : i32
      %dma_wait3A_29 = tpu.memref_slice %arg4[%dma_wait3A_28] : memref<2000xf32, #tpu.memory_space<hbm>> -> memref<256xf32, #tpu.memory_space<hbm>>
      tpu.wait_dma2 semaphore(%run_scoped3A : memref<!tpu.dma_semaphore, #tpu.memory_space<semaphore_mem>>) src(%dma_wait3A_29 : memref<256xf32, #tpu.memory_space<hbm>>) dst(%arg11 : memref<256xf32, #tpu.memory_space<vmem>>)
      tpu.yield
    }) : () -> ()
    %add3A = arith.constant 6000 : i32
    %add3A_5 = arith.addi %mul3A_0, %add3A : i32
    "tpu.region"() ({
      %run_scoped3A = tpu.sem_alloc : memref<!tpu.dma_semaphore, #tpu.memory_space<semaphore_mem>>
      %dma_start3A = tpu.memref_slice %arg7[%add3A_5] : memref<100096xf32, #tpu.memory_space<vmem_shared>> -> memref<256xf32, #tpu.memory_space<vmem_shared>>
      %dma_start3A_24 = tpu.memref_slice %arg7[%add3A_5] : memref<100096xf32, #tpu.memory_space<vmem_shared>> -> memref<256xf32, #tpu.memory_space<vmem_shared>>
      tpu.enqueue_dma source(%arg11 : memref<256xf32, #tpu.memory_space<vmem>>) target(%dma_start3A_24 : memref<256xf32, #tpu.memory_space<vmem_shared>>) target_semaphore(%run_scoped3A : memref<!tpu.dma_semaphore, #tpu.memory_space<semaphore_mem>>)
      %dma_wait3A = tpu.memref_slice %arg7[%add3A_5] : memref<100096xf32, #tpu.memory_space<vmem_shared>> -> memref<256xf32, #tpu.memory_space<vmem_shared>>
      %dma_wait3A_25 = tpu.memref_slice %arg7[%add3A_5] : memref<100096xf32, #tpu.memory_space<vmem_shared>> -> memref<256xf32, #tpu.memory_space<vmem_shared>>
      tpu.wait_dma2 semaphore(%run_scoped3A : memref<!tpu.dma_semaphore, #tpu.memory_space<semaphore_mem>>) src(%arg11 : memref<256xf32, #tpu.memory_space<vmem>>) dst(%dma_wait3A_25 : memref<256xf32, #tpu.memory_space<vmem_shared>>)
      tpu.yield
    }) : () -> ()
    %barrier3A = arith.constant 0 : index
    tpu.barrier barrier_id(%barrier3A)
    %mul3A_6 = arith.constant 16 : i32
    %mul3A_7 = arith.muli %arg0, %mul3A_6 : i32
    %add3A_8 = arith.addi %mul3A_7, %arg1 : i32
    %mul3A_9 = arith.constant 50000 : i32
    %mul3A_10 = arith.muli %add3A_8, %mul3A_9 : i32
    %scan3A_11 = arith.constant 0 : i32
    %scan3A_12 = arith.constant 25 : i32
    %scan3A_13 = arith.addi %scan3A_11, %scan3A_12 : i32
    %scan3A_14 = arith.constant 1 : i32
    scf.for %scan3A_24 = %scan3A_11 to %scan3A_13 step %scan3A_14  : i32 {
      %mul3A_25 = arith.constant 2000 : i32
      %mul3A_26 = arith.muli %scan3A_24, %mul3A_25 : i32
      %add3A_27 = arith.addi %mul3A_10, %mul3A_26 : i32
      "tpu.region"() ({
        %run_scoped3A = tpu.sem_alloc : memref<!tpu.dma_semaphore, #tpu.memory_space<semaphore_mem>>
        %dma_start3A = tpu.memref_slice %arg2[%add3A_27] : memref<1600000xi32, #tpu.memory_space<hbm>> -> memref<2000xi32, #tpu.memory_space<hbm>>
        %dma_start3A_28 = tpu.memref_slice %arg2[%add3A_27] : memref<1600000xi32, #tpu.memory_space<hbm>> -> memref<2000xi32, #tpu.memory_space<hbm>>
        tpu.enqueue_dma source(%dma_start3A_28 : memref<2000xi32, #tpu.memory_space<hbm>>) target(%arg8 : memref<2000xi32, #tpu.memory_space<vmem>>) target_semaphore(%run_scoped3A : memref<!tpu.dma_semaphore, #tpu.memory_space<semaphore_mem>>)
        %dma_wait3A = tpu.memref_slice %arg2[%add3A_27] : memref<1600000xi32, #tpu.memory_space<hbm>> -> memref<2000xi32, #tpu.memory_space<hbm>>
        %dma_wait3A_29 = tpu.memref_slice %arg2[%add3A_27] : memref<1600000xi32, #tpu.memory_space<hbm>> -> memref<2000xi32, #tpu.memory_space<hbm>>
        tpu.wait_dma2 semaphore(%run_scoped3A : memref<!tpu.dma_semaphore, #tpu.memory_space<semaphore_mem>>) src(%dma_wait3A_29 : memref<2000xi32, #tpu.memory_space<hbm>>) dst(%arg8 : memref<2000xi32, #tpu.memory_space<vmem>>)
        tpu.yield
      }) : () -> ()
      "tpu.region"() ({
        %run_scoped3A = tpu.sem_alloc : memref<!tpu.dma_semaphore, #tpu.memory_space<semaphore_mem>>
        %dma_start3A = arith.constant 0 : i32
        %dma_start3A_28 = tpu.memref_slice %arg7[%dma_start3A] : memref<100096xf32, #tpu.memory_space<vmem_shared>> -> memref<100096xf32, #tpu.memory_space<vmem_shared>>
        tpu.enqueue_indirect_dma source(%arg9 : memref<2000xf32, #tpu.memory_space<vmem>>) target(%dma_start3A_28 : memref<100096xf32, #tpu.memory_space<vmem_shared>>) offsets(%arg8 : memref<2000xi32, #tpu.memory_space<vmem>>) semaphore(%run_scoped3A : memref<!tpu.dma_semaphore, #tpu.memory_space<semaphore_mem>>) {add = true}
        %dma_wait3A = arith.constant 0 : i32
        %dma_wait3A_29 = tpu.memref_slice %arg7[%dma_wait3A] : memref<100096xf32, #tpu.memory_space<vmem_shared>> -> memref<100096xf32, #tpu.memory_space<vmem_shared>>
        tpu.wait_indirect_dma semaphore(%run_scoped3A : memref<!tpu.dma_semaphore, #tpu.memory_space<semaphore_mem>>) src(%arg9 : memref<2000xf32, #tpu.memory_space<vmem>>) dst(%dma_wait3A_29 : memref<100096xf32, #tpu.memory_space<vmem_shared>>)
        tpu.yield
      }) : () -> ()
    }
    %scan3A_15 = arith.constant 25 : i32
    %barrier3A_16 = arith.constant 0 : index
    tpu.barrier barrier_id(%barrier3A_16)
    %eq3A = arith.constant 0 : i32
    %eq3A_17 = arith.cmpi eq, %arg0, %eq3A : i32
    %convert_element_type3A = arith.extui %eq3A_17 : i1 to i32
    %cond3A = arith.constant 0 : i32
    %cond3A_18 = arith.cmpi ne, %convert_element_type3A, %cond3A : i32
    scf.if %cond3A_18 {
      %scan3A_24 = arith.constant 0 : i32
      %scan3A_25 = arith.constant 3 : i32
      %scan3A_26 = arith.addi %scan3A_24, %scan3A_25 : i32
      %scan3A_27 = arith.constant 1 : i32
      scf.for %scan3A_33 = %scan3A_24 to %scan3A_26 step %scan3A_27  : i32 {
        %mul3A_34 = arith.constant 2000 : i32
        %mul3A_35 = arith.muli %scan3A_33, %mul3A_34 : i32
        %add3A_36 = arith.addi %mul3A_0, %mul3A_35 : i32
        "tpu.region"() ({
          %run_scoped3A = tpu.sem_alloc : memref<!tpu.dma_semaphore, #tpu.memory_space<semaphore_mem>>
          %dma_start3A = tpu.memref_slice %arg7[%add3A_36] : memref<100096xf32, #tpu.memory_space<vmem_shared>> -> memref<2000xf32, #tpu.memory_space<vmem_shared>>
          %dma_start3A_40 = tpu.memref_slice %arg7[%add3A_36] : memref<100096xf32, #tpu.memory_space<vmem_shared>> -> memref<2000xf32, #tpu.memory_space<vmem_shared>>
          tpu.enqueue_dma source(%dma_start3A_40 : memref<2000xf32, #tpu.memory_space<vmem_shared>>) target(%arg10 : memref<2000xf32, #tpu.memory_space<vmem>>) target_semaphore(%run_scoped3A : memref<!tpu.dma_semaphore, #tpu.memory_space<semaphore_mem>>)
          %dma_wait3A = tpu.memref_slice %arg7[%add3A_36] : memref<100096xf32, #tpu.memory_space<vmem_shared>> -> memref<2000xf32, #tpu.memory_space<vmem_shared>>
          %dma_wait3A_41 = tpu.memref_slice %arg7[%add3A_36] : memref<100096xf32, #tpu.memory_space<vmem_shared>> -> memref<2000xf32, #tpu.memory_space<vmem_shared>>
          tpu.wait_dma2 semaphore(%run_scoped3A : memref<!tpu.dma_semaphore, #tpu.memory_space<semaphore_mem>>) src(%dma_wait3A_41 : memref<2000xf32, #tpu.memory_space<vmem_shared>>) dst(%arg10 : memref<2000xf32, #tpu.memory_space<vmem>>)
          tpu.yield
        }) : () -> ()
        %mul3A_37 = arith.constant 2000 : i32
        %mul3A_38 = arith.muli %scan3A_33, %mul3A_37 : i32
        %add3A_39 = arith.addi %mul3A_0, %mul3A_38 : i32
        "tpu.region"() ({
          %run_scoped3A = tpu.sem_alloc : memref<!tpu.dma_semaphore, #tpu.memory_space<semaphore_mem>>
          %dma_start3A = tpu.memref_slice %arg5[%add3A_39] : memref<100096xf32, #tpu.memory_space<hbm>> -> memref<2000xf32, #tpu.memory_space<hbm>>
          %dma_start3A_40 = tpu.memref_slice %arg5[%add3A_39] : memref<100096xf32, #tpu.memory_space<hbm>> -> memref<2000xf32, #tpu.memory_space<hbm>>
          tpu.enqueue_dma source(%arg10 : memref<2000xf32, #tpu.memory_space<vmem>>) target(%dma_start3A_40 : memref<2000xf32, #tpu.memory_space<hbm>>) target_semaphore(%run_scoped3A : memref<!tpu.dma_semaphore, #tpu.memory_space<semaphore_mem>>)
          %dma_wait3A = tpu.memref_slice %arg5[%add3A_39] : memref<100096xf32, #tpu.memory_space<hbm>> -> memref<2000xf32, #tpu.memory_space<hbm>>
          %dma_wait3A_41 = tpu.memref_slice %arg5[%add3A_39] : memref<100096xf32, #tpu.memory_space<hbm>> -> memref<2000xf32, #tpu.memory_space<hbm>>
          tpu.wait_dma2 semaphore(%run_scoped3A : memref<!tpu.dma_semaphore, #tpu.memory_space<semaphore_mem>>) src(%arg10 : memref<2000xf32, #tpu.memory_space<vmem>>) dst(%dma_wait3A_41 : memref<2000xf32, #tpu.memory_space<hbm>>)
          tpu.yield
        }) : () -> ()
      }
      %scan3A_28 = arith.constant 3 : i32
      %add3A_29 = arith.constant 6000 : i32
      %add3A_30 = arith.addi %mul3A_0, %add3A_29 : i32
      "tpu.region"() ({
        %run_scoped3A = tpu.sem_alloc : memref<!tpu.dma_semaphore, #tpu.memory_space<semaphore_mem>>
        %dma_start3A = tpu.memref_slice %arg7[%add3A_30] : memref<100096xf32, #tpu.memory_space<vmem_shared>> -> memref<256xf32, #tpu.memory_space<vmem_shared>>
        %dma_start3A_33 = tpu.memref_slice %arg7[%add3A_30] : memref<100096xf32, #tpu.memory_space<vmem_shared>> -> memref<256xf32, #tpu.memory_space<vmem_shared>>
        tpu.enqueue_dma source(%dma_start3A_33 : memref<256xf32, #tpu.memory_space<vmem_shared>>) target(%arg11 : memref<256xf32, #tpu.memory_space<vmem>>) target_semaphore(%run_scoped3A : memref<!tpu.dma_semaphore, #tpu.memory_space<semaphore_mem>>)
        %dma_wait3A = tpu.memref_slice %arg7[%add3A_30] : memref<100096xf32, #tpu.memory_space<vmem_shared>> -> memref<256xf32, #tpu.memory_space<vmem_shared>>
        %dma_wait3A_34 = tpu.memref_slice %arg7[%add3A_30] : memref<100096xf32, #tpu.memory_space<vmem_shared>> -> memref<256xf32, #tpu.memory_space<vmem_shared>>
        tpu.wait_dma2 semaphore(%run_scoped3A : memref<!tpu.dma_semaphore, #tpu.memory_space<semaphore_mem>>) src(%dma_wait3A_34 : memref<256xf32, #tpu.memory_space<vmem_shared>>) dst(%arg11 : memref<256xf32, #tpu.memory_space<vmem>>)
        tpu.yield
      }) : () -> ()
      %add3A_31 = arith.constant 6000 : i32
      %add3A_32 = arith.addi %mul3A_0, %add3A_31 : i32
      "tpu.region"() ({
        %run_scoped3A = tpu.sem_alloc : memref<!tpu.dma_semaphore, #tpu.memory_space<semaphore_mem>>
        %dma_start3A = tpu.memref_slice %arg5[%add3A_32] : memref<100096xf32, #tpu.memory_space<hbm>> -> memref<256xf32, #tpu.memory_space<hbm>>
        %dma_start3A_33 = tpu.memref_slice %arg5[%add3A_32] : memref<100096xf32, #tpu.memory_space<hbm>> -> memref<256xf32, #tpu.memory_space<hbm>>
        tpu.enqueue_dma source(%arg11 : memref<256xf32, #tpu.memory_space<vmem>>) target(%dma_start3A_33 : memref<256xf32, #tpu.memory_space<hbm>>) target_semaphore(%run_scoped3A : memref<!tpu.dma_semaphore, #tpu.memory_space<semaphore_mem>>)
        %dma_wait3A = tpu.memref_slice %arg5[%add3A_32] : memref<100096xf32, #tpu.memory_space<hbm>> -> memref<256xf32, #tpu.memory_space<hbm>>
        %dma_wait3A_34 = tpu.memref_slice %arg5[%add3A_32] : memref<100096xf32, #tpu.memory_space<hbm>> -> memref<256xf32, #tpu.memory_space<hbm>>
        tpu.wait_dma2 semaphore(%run_scoped3A : memref<!tpu.dma_semaphore, #tpu.memory_space<semaphore_mem>>) src(%arg11 : memref<256xf32, #tpu.memory_space<vmem>>) dst(%dma_wait3A_34 : memref<256xf32, #tpu.memory_space<hbm>>)
        tpu.yield
      }) : () -> ()
    } else {
    }
    %eq3A_19 = arith.constant 1 : i32
    %eq3A_20 = arith.cmpi eq, %arg0, %eq3A_19 : i32
    %convert_element_type3A_21 = arith.extui %eq3A_20 : i1 to i32
    %cond3A_22 = arith.constant 0 : i32
    %cond3A_23 = arith.cmpi ne, %convert_element_type3A_21, %cond3A_22 : i32
    scf.if %cond3A_23 {
      %scan3A_24 = arith.constant 0 : i32
      %scan3A_25 = arith.constant 3 : i32
      %scan3A_26 = arith.addi %scan3A_24, %scan3A_25 : i32
      %scan3A_27 = arith.constant 1 : i32
      scf.for %scan3A_33 = %scan3A_24 to %scan3A_26 step %scan3A_27  : i32 {
        %mul3A_34 = arith.constant 2000 : i32
        %mul3A_35 = arith.muli %scan3A_33, %mul3A_34 : i32
        %add3A_36 = arith.addi %mul3A_0, %mul3A_35 : i32
        "tpu.region"() ({
          %run_scoped3A = tpu.sem_alloc : memref<!tpu.dma_semaphore, #tpu.memory_space<semaphore_mem>>
          %dma_start3A = tpu.memref_slice %arg7[%add3A_36] : memref<100096xf32, #tpu.memory_space<vmem_shared>> -> memref<2000xf32, #tpu.memory_space<vmem_shared>>
          %dma_start3A_40 = tpu.memref_slice %arg7[%add3A_36] : memref<100096xf32, #tpu.memory_space<vmem_shared>> -> memref<2000xf32, #tpu.memory_space<vmem_shared>>
          tpu.enqueue_dma source(%dma_start3A_40 : memref<2000xf32, #tpu.memory_space<vmem_shared>>) target(%arg10 : memref<2000xf32, #tpu.memory_space<vmem>>) target_semaphore(%run_scoped3A : memref<!tpu.dma_semaphore, #tpu.memory_space<semaphore_mem>>)
          %dma_wait3A = tpu.memref_slice %arg7[%add3A_36] : memref<100096xf32, #tpu.memory_space<vmem_shared>> -> memref<2000xf32, #tpu.memory_space<vmem_shared>>
          %dma_wait3A_41 = tpu.memref_slice %arg7[%add3A_36] : memref<100096xf32, #tpu.memory_space<vmem_shared>> -> memref<2000xf32, #tpu.memory_space<vmem_shared>>
          tpu.wait_dma2 semaphore(%run_scoped3A : memref<!tpu.dma_semaphore, #tpu.memory_space<semaphore_mem>>) src(%dma_wait3A_41 : memref<2000xf32, #tpu.memory_space<vmem_shared>>) dst(%arg10 : memref<2000xf32, #tpu.memory_space<vmem>>)
          tpu.yield
        }) : () -> ()
        %mul3A_37 = arith.constant 2000 : i32
        %mul3A_38 = arith.muli %scan3A_33, %mul3A_37 : i32
        %add3A_39 = arith.addi %mul3A_0, %mul3A_38 : i32
        "tpu.region"() ({
          %run_scoped3A = tpu.sem_alloc : memref<!tpu.dma_semaphore, #tpu.memory_space<semaphore_mem>>
          %dma_start3A = tpu.memref_slice %arg6[%add3A_39] : memref<100096xf32, #tpu.memory_space<hbm>> -> memref<2000xf32, #tpu.memory_space<hbm>>
          %dma_start3A_40 = tpu.memref_slice %arg6[%add3A_39] : memref<100096xf32, #tpu.memory_space<hbm>> -> memref<2000xf32, #tpu.memory_space<hbm>>
          tpu.enqueue_dma source(%arg10 : memref<2000xf32, #tpu.memory_space<vmem>>) target(%dma_start3A_40 : memref<2000xf32, #tpu.memory_space<hbm>>) target_semaphore(%run_scoped3A : memref<!tpu.dma_semaphore, #tpu.memory_space<semaphore_mem>>)
          %dma_wait3A = tpu.memref_slice %arg6[%add3A_39] : memref<100096xf32, #tpu.memory_space<hbm>> -> memref<2000xf32, #tpu.memory_space<hbm>>
          %dma_wait3A_41 = tpu.memref_slice %arg6[%add3A_39] : memref<100096xf32, #tpu.memory_space<hbm>> -> memref<2000xf32, #tpu.memory_space<hbm>>
          tpu.wait_dma2 semaphore(%run_scoped3A : memref<!tpu.dma_semaphore, #tpu.memory_space<semaphore_mem>>) src(%arg10 : memref<2000xf32, #tpu.memory_space<vmem>>) dst(%dma_wait3A_41 : memref<2000xf32, #tpu.memory_space<hbm>>)
          tpu.yield
        }) : () -> ()
      }
      %scan3A_28 = arith.constant 3 : i32
      %add3A_29 = arith.constant 6000 : i32
      %add3A_30 = arith.addi %mul3A_0, %add3A_29 : i32
      "tpu.region"() ({
        %run_scoped3A = tpu.sem_alloc : memref<!tpu.dma_semaphore, #tpu.memory_space<semaphore_mem>>
        %dma_start3A = tpu.memref_slice %arg7[%add3A_30] : memref<100096xf32, #tpu.memory_space<vmem_shared>> -> memref<256xf32, #tpu.memory_space<vmem_shared>>
        %dma_start3A_33 = tpu.memref_slice %arg7[%add3A_30] : memref<100096xf32, #tpu.memory_space<vmem_shared>> -> memref<256xf32, #tpu.memory_space<vmem_shared>>
        tpu.enqueue_dma source(%dma_start3A_33 : memref<256xf32, #tpu.memory_space<vmem_shared>>) target(%arg11 : memref<256xf32, #tpu.memory_space<vmem>>) target_semaphore(%run_scoped3A : memref<!tpu.dma_semaphore, #tpu.memory_space<semaphore_mem>>)
        %dma_wait3A = tpu.memref_slice %arg7[%add3A_30] : memref<100096xf32, #tpu.memory_space<vmem_shared>> -> memref<256xf32, #tpu.memory_space<vmem_shared>>
        %dma_wait3A_34 = tpu.memref_slice %arg7[%add3A_30] : memref<100096xf32, #tpu.memory_space<vmem_shared>> -> memref<256xf32, #tpu.memory_space<vmem_shared>>
        tpu.wait_dma2 semaphore(%run_scoped3A : memref<!tpu.dma_semaphore, #tpu.memory_space<semaphore_mem>>) src(%dma_wait3A_34 : memref<256xf32, #tpu.memory_space<vmem_shared>>) dst(%arg11 : memref<256xf32, #tpu.memory_space<vmem>>)
        tpu.yield
      }) : () -> ()
      %add3A_31 = arith.constant 6000 : i32
      %add3A_32 = arith.addi %mul3A_0, %add3A_31 : i32
      "tpu.region"() ({
        %run_scoped3A = tpu.sem_alloc : memref<!tpu.dma_semaphore, #tpu.memory_space<semaphore_mem>>
        %dma_start3A = tpu.memref_slice %arg6[%add3A_32] : memref<100096xf32, #tpu.memory_space<hbm>> -> memref<256xf32, #tpu.memory_space<hbm>>
        %dma_start3A_33 = tpu.memref_slice %arg6[%add3A_32] : memref<100096xf32, #tpu.memory_space<hbm>> -> memref<256xf32, #tpu.memory_space<hbm>>
        tpu.enqueue_dma source(%arg11 : memref<256xf32, #tpu.memory_space<vmem>>) target(%dma_start3A_33 : memref<256xf32, #tpu.memory_space<hbm>>) target_semaphore(%run_scoped3A : memref<!tpu.dma_semaphore, #tpu.memory_space<semaphore_mem>>)
        %dma_wait3A = tpu.memref_slice %arg6[%add3A_32] : memref<100096xf32, #tpu.memory_space<hbm>> -> memref<256xf32, #tpu.memory_space<hbm>>
        %dma_wait3A_34 = tpu.memref_slice %arg6[%add3A_32] : memref<100096xf32, #tpu.memory_space<hbm>> -> memref<256xf32, #tpu.memory_space<hbm>>
        tpu.wait_dma2 semaphore(%run_scoped3A : memref<!tpu.dma_semaphore, #tpu.memory_space<semaphore_mem>>) src(%arg11 : memref<256xf32, #tpu.memory_space<vmem>>) dst(%dma_wait3A_34 : memref<256xf32, #tpu.memory_space<hbm>>)
        tpu.yield
      }) : () -> ()
    } else {
    }
    return
  }
}

#map = affine_map<(d0, d1) -> (0, 0)>
#map1 = affine_map<(d0, d1) -> (0)>
module attributes {stable_mosaic.version = 14 : i64} {
  func.func @_prop_body(%arg0: i32, %arg1: i32, %arg2: memref<100096x16xf32, #tpu.memory_space<hbm>>, %arg3: memref<100096x16xf32, #tpu.memory_space<hbm>>, %arg4: memref<1000x16xf32, #tpu.memory_space<hbm>>, %arg5: memref<1600000xi32, #tpu.memory_space<hbm>>, %arg6: memref<1600000xi32, #tpu.memory_space<hbm>>, %arg7: memref<100096x16xf32, #tpu.memory_space<hbm>>, %arg8: memref<100096x16xf32, #tpu.memory_space<hbm>>, %arg9: memref<100096x16xf32, #tpu.memory_space<vmem_shared>>, %arg10: memref<1000xi32, #tpu.memory_space<vmem>>, %arg11: memref<1000xi32, #tpu.memory_space<vmem>>, %arg12: memref<1000x16xf32, #tpu.memory_space<vmem>>, %arg13: memref<256x16xf32, #tpu.memory_space<vmem>>, %arg14: memref<!tpu.dma_semaphore, #tpu.memory_space<semaphore_mem>>) attributes {dimension_semantics = [#tpu.dimension_semantics<core_parallel>, #tpu.dimension_semantics<subcore_parallel>], iteration_bounds = array<i64: 2, 16>, scalar_prefetch = 0 : i64, scratch_operands = 6 : i64, tpu.core_type = #tpu.core_type<sc_vector_subcore>, window_params = [{transform_indices = #map}, {transform_indices = #map}, {transform_indices = #map}, {transform_indices = #map1}, {transform_indices = #map1}, {transform_indices = #map}, {transform_indices = #map}]} {
    %mul3A = arith.constant 6256 : i32
    %mul3A_0 = arith.muli %arg1, %mul3A : i32
    %eq3A = arith.constant 0 : i32
    %eq3A_1 = arith.cmpi eq, %arg0, %eq3A : i32
    %convert_element_type3A = arith.extui %eq3A_1 : i1 to i32
    %cond3A = arith.constant 0 : i32
    %cond3A_2 = arith.cmpi ne, %convert_element_type3A, %cond3A : i32
    scf.if %cond3A_2 {
      %scan3A = arith.constant 0 : i32
      %scan3A_8 = arith.constant 6 : i32
      %scan3A_9 = arith.addi %scan3A, %scan3A_8 : i32
      %scan3A_10 = arith.constant 1 : i32
      scf.for %scan3A_34 = %scan3A to %scan3A_9 step %scan3A_10  : i32 {
        %mul3A_35 = arith.constant 1000 : i32
        %mul3A_36 = arith.muli %scan3A_34, %mul3A_35 : i32
        %add3A_37 = arith.addi %mul3A_0, %mul3A_36 : i32
        "tpu.region"() ({
          %run_scoped3A = tpu.sem_alloc : memref<!tpu.dma_semaphore, #tpu.memory_space<semaphore_mem>>
          %dma_start3A = arith.constant 0 : i32
          %dma_start3A_41 = tpu.memref_slice %arg2[%add3A_37, %dma_start3A] : memref<100096x16xf32, #tpu.memory_space<hbm>> -> memref<1000x16xf32, #tpu.memory_space<hbm>>
          %dma_start3A_42 = arith.constant 0 : i32
          %dma_start3A_43 = tpu.memref_slice %arg2[%add3A_37, %dma_start3A_42] : memref<100096x16xf32, #tpu.memory_space<hbm>> -> memref<1000x16xf32, #tpu.memory_space<hbm>>
          tpu.enqueue_dma source(%dma_start3A_43 : memref<1000x16xf32, #tpu.memory_space<hbm>>) target(%arg12 : memref<1000x16xf32, #tpu.memory_space<vmem>>) target_semaphore(%run_scoped3A : memref<!tpu.dma_semaphore, #tpu.memory_space<semaphore_mem>>)
          %dma_wait3A = arith.constant 0 : i32
          %dma_wait3A_44 = tpu.memref_slice %arg2[%add3A_37, %dma_wait3A] : memref<100096x16xf32, #tpu.memory_space<hbm>> -> memref<1000x16xf32, #tpu.memory_space<hbm>>
          %dma_wait3A_45 = arith.constant 0 : i32
          %dma_wait3A_46 = tpu.memref_slice %arg2[%add3A_37, %dma_wait3A_45] : memref<100096x16xf32, #tpu.memory_space<hbm>> -> memref<1000x16xf32, #tpu.memory_space<hbm>>
          tpu.wait_dma2 semaphore(%run_scoped3A : memref<!tpu.dma_semaphore, #tpu.memory_space<semaphore_mem>>) src(%dma_wait3A_46 : memref<1000x16xf32, #tpu.memory_space<hbm>>) dst(%arg12 : memref<1000x16xf32, #tpu.memory_space<vmem>>)
          tpu.yield
        }) : () -> ()
        %mul3A_38 = arith.constant 1000 : i32
        %mul3A_39 = arith.muli %scan3A_34, %mul3A_38 : i32
        %add3A_40 = arith.addi %mul3A_0, %mul3A_39 : i32
        "tpu.region"() ({
          %run_scoped3A = tpu.sem_alloc : memref<!tpu.dma_semaphore, #tpu.memory_space<semaphore_mem>>
          %dma_start3A = arith.constant 0 : i32
          %dma_start3A_41 = tpu.memref_slice %arg9[%add3A_40, %dma_start3A] : memref<100096x16xf32, #tpu.memory_space<vmem_shared>> -> memref<1000x16xf32, #tpu.memory_space<vmem_shared>>
          %dma_start3A_42 = arith.constant 0 : i32
          %dma_start3A_43 = tpu.memref_slice %arg9[%add3A_40, %dma_start3A_42] : memref<100096x16xf32, #tpu.memory_space<vmem_shared>> -> memref<1000x16xf32, #tpu.memory_space<vmem_shared>>
          tpu.enqueue_dma source(%arg12 : memref<1000x16xf32, #tpu.memory_space<vmem>>) target(%dma_start3A_43 : memref<1000x16xf32, #tpu.memory_space<vmem_shared>>) target_semaphore(%run_scoped3A : memref<!tpu.dma_semaphore, #tpu.memory_space<semaphore_mem>>)
          %dma_wait3A = arith.constant 0 : i32
          %dma_wait3A_44 = tpu.memref_slice %arg9[%add3A_40, %dma_wait3A] : memref<100096x16xf32, #tpu.memory_space<vmem_shared>> -> memref<1000x16xf32, #tpu.memory_space<vmem_shared>>
          %dma_wait3A_45 = arith.constant 0 : i32
          %dma_wait3A_46 = tpu.memref_slice %arg9[%add3A_40, %dma_wait3A_45] : memref<100096x16xf32, #tpu.memory_space<vmem_shared>> -> memref<1000x16xf32, #tpu.memory_space<vmem_shared>>
          tpu.wait_dma2 semaphore(%run_scoped3A : memref<!tpu.dma_semaphore, #tpu.memory_space<semaphore_mem>>) src(%arg12 : memref<1000x16xf32, #tpu.memory_space<vmem>>) dst(%dma_wait3A_46 : memref<1000x16xf32, #tpu.memory_space<vmem_shared>>)
          tpu.yield
        }) : () -> ()
      }
      %scan3A_11 = arith.constant 6 : i32
      %add3A = arith.constant 6000 : i32
      %add3A_12 = arith.addi %mul3A_0, %add3A : i32
      "tpu.region"() ({
        %run_scoped3A = tpu.sem_alloc : memref<!tpu.dma_semaphore, #tpu.memory_space<semaphore_mem>>
        %dma_start3A = arith.constant 0 : i32
        %dma_start3A_34 = tpu.memref_slice %arg2[%add3A_12, %dma_start3A] : memref<100096x16xf32, #tpu.memory_space<hbm>> -> memref<256x16xf32, #tpu.memory_space<hbm>>
        %dma_start3A_35 = arith.constant 0 : i32
        %dma_start3A_36 = tpu.memref_slice %arg2[%add3A_12, %dma_start3A_35] : memref<100096x16xf32, #tpu.memory_space<hbm>> -> memref<256x16xf32, #tpu.memory_space<hbm>>
        tpu.enqueue_dma source(%dma_start3A_36 : memref<256x16xf32, #tpu.memory_space<hbm>>) target(%arg13 : memref<256x16xf32, #tpu.memory_space<vmem>>) target_semaphore(%run_scoped3A : memref<!tpu.dma_semaphore, #tpu.memory_space<semaphore_mem>>)
        %dma_wait3A = arith.constant 0 : i32
        %dma_wait3A_37 = tpu.memref_slice %arg2[%add3A_12, %dma_wait3A] : memref<100096x16xf32, #tpu.memory_space<hbm>> -> memref<256x16xf32, #tpu.memory_space<hbm>>
        %dma_wait3A_38 = arith.constant 0 : i32
        %dma_wait3A_39 = tpu.memref_slice %arg2[%add3A_12, %dma_wait3A_38] : memref<100096x16xf32, #tpu.memory_space<hbm>> -> memref<256x16xf32, #tpu.memory_space<hbm>>
        tpu.wait_dma2 semaphore(%run_scoped3A : memref<!tpu.dma_semaphore, #tpu.memory_space<semaphore_mem>>) src(%dma_wait3A_39 : memref<256x16xf32, #tpu.memory_space<hbm>>) dst(%arg13 : memref<256x16xf32, #tpu.memory_space<vmem>>)
        tpu.yield
      }) : () -> ()
      %add3A_13 = arith.constant 6000 : i32
      %add3A_14 = arith.addi %mul3A_0, %add3A_13 : i32
      "tpu.region"() ({
        %run_scoped3A = tpu.sem_alloc : memref<!tpu.dma_semaphore, #tpu.memory_space<semaphore_mem>>
        %dma_start3A = arith.constant 0 : i32
        %dma_start3A_34 = tpu.memref_slice %arg9[%add3A_14, %dma_start3A] : memref<100096x16xf32, #tpu.memory_space<vmem_shared>> -> memref<256x16xf32, #tpu.memory_space<vmem_shared>>
        %dma_start3A_35 = arith.constant 0 : i32
        %dma_start3A_36 = tpu.memref_slice %arg9[%add3A_14, %dma_start3A_35] : memref<100096x16xf32, #tpu.memory_space<vmem_shared>> -> memref<256x16xf32, #tpu.memory_space<vmem_shared>>
        tpu.enqueue_dma source(%arg13 : memref<256x16xf32, #tpu.memory_space<vmem>>) target(%dma_start3A_36 : memref<256x16xf32, #tpu.memory_space<vmem_shared>>) target_semaphore(%run_scoped3A : memref<!tpu.dma_semaphore, #tpu.memory_space<semaphore_mem>>)
        %dma_wait3A = arith.constant 0 : i32
        %dma_wait3A_37 = tpu.memref_slice %arg9[%add3A_14, %dma_wait3A] : memref<100096x16xf32, #tpu.memory_space<vmem_shared>> -> memref<256x16xf32, #tpu.memory_space<vmem_shared>>
        %dma_wait3A_38 = arith.constant 0 : i32
        %dma_wait3A_39 = tpu.memref_slice %arg9[%add3A_14, %dma_wait3A_38] : memref<100096x16xf32, #tpu.memory_space<vmem_shared>> -> memref<256x16xf32, #tpu.memory_space<vmem_shared>>
        tpu.wait_dma2 semaphore(%run_scoped3A : memref<!tpu.dma_semaphore, #tpu.memory_space<semaphore_mem>>) src(%arg13 : memref<256x16xf32, #tpu.memory_space<vmem>>) dst(%dma_wait3A_39 : memref<256x16xf32, #tpu.memory_space<vmem_shared>>)
        tpu.yield
      }) : () -> ()
      %barrier3A = arith.constant 0 : index
      tpu.barrier barrier_id(%barrier3A)
      %mul3A_15 = arith.constant 100000 : i32
      %mul3A_16 = arith.muli %arg1, %mul3A_15 : i32
      %add3A_17 = arith.constant 0 : i32
      %add3A_18 = arith.addi %add3A_17, %mul3A_16 : i32
      %scan3A_19 = arith.constant 0 : i32
      %scan3A_20 = arith.constant 100 : i32
      %scan3A_21 = arith.addi %scan3A_19, %scan3A_20 : i32
      %scan3A_22 = arith.constant 1 : i32
      scf.for %scan3A_34 = %scan3A_19 to %scan3A_21 step %scan3A_22  : i32 {
        %mul3A_35 = arith.constant 1000 : i32
        %mul3A_36 = arith.muli %scan3A_34, %mul3A_35 : i32
        %add3A_37 = arith.addi %add3A_18, %mul3A_36 : i32
        "tpu.region"() ({
          %run_scoped3A = tpu.sem_alloc : memref<!tpu.dma_semaphore, #tpu.memory_space<semaphore_mem>>
          %dma_start3A_42 = tpu.memref_slice %arg5[%add3A_37] : memref<1600000xi32, #tpu.memory_space<hbm>> -> memref<1000xi32, #tpu.memory_space<hbm>>
          %dma_start3A_43 = tpu.memref_slice %arg5[%add3A_37] : memref<1600000xi32, #tpu.memory_space<hbm>> -> memref<1000xi32, #tpu.memory_space<hbm>>
          tpu.enqueue_dma source(%dma_start3A_43 : memref<1000xi32, #tpu.memory_space<hbm>>) target(%arg10 : memref<1000xi32, #tpu.memory_space<vmem>>) target_semaphore(%run_scoped3A : memref<!tpu.dma_semaphore, #tpu.memory_space<semaphore_mem>>)
          %dma_wait3A_44 = tpu.memref_slice %arg5[%add3A_37] : memref<1600000xi32, #tpu.memory_space<hbm>> -> memref<1000xi32, #tpu.memory_space<hbm>>
          %dma_wait3A_45 = tpu.memref_slice %arg5[%add3A_37] : memref<1600000xi32, #tpu.memory_space<hbm>> -> memref<1000xi32, #tpu.memory_space<hbm>>
          tpu.wait_dma2 semaphore(%run_scoped3A : memref<!tpu.dma_semaphore, #tpu.memory_space<semaphore_mem>>) src(%dma_wait3A_45 : memref<1000xi32, #tpu.memory_space<hbm>>) dst(%arg10 : memref<1000xi32, #tpu.memory_space<vmem>>)
          tpu.yield
        }) : () -> ()
        %dma_start3A = arith.constant 0 : i32
        %dma_start3A_38 = arith.constant 0 : i32
        %dma_start3A_39 = tpu.memref_slice %arg2[%dma_start3A, %dma_start3A_38] : memref<100096x16xf32, #tpu.memory_space<hbm>> -> memref<100096x16xf32, #tpu.memory_space<hbm>>
        tpu.enqueue_indirect_dma source(%dma_start3A_39 : memref<100096x16xf32, #tpu.memory_space<hbm>>) target(%arg12 : memref<1000x16xf32, #tpu.memory_space<vmem>>) offsets(%arg10 : memref<1000xi32, #tpu.memory_space<vmem>>) semaphore(%arg14 : memref<!tpu.dma_semaphore, #tpu.memory_space<semaphore_mem>>)
        %dma_wait3A = arith.constant 0 : i32
        %dma_wait3A_40 = arith.constant 0 : i32
        %dma_wait3A_41 = tpu.memref_slice %arg2[%dma_wait3A, %dma_wait3A_40] : memref<100096x16xf32, #tpu.memory_space<hbm>> -> memref<100096x16xf32, #tpu.memory_space<hbm>>
        tpu.wait_indirect_dma semaphore(%arg14 : memref<!tpu.dma_semaphore, #tpu.memory_space<semaphore_mem>>) src(%dma_wait3A_41 : memref<100096x16xf32, #tpu.memory_space<hbm>>) dst(%arg12 : memref<1000x16xf32, #tpu.memory_space<vmem>>)
        "tpu.region"() ({
          %run_scoped3A = tpu.sem_alloc : memref<!tpu.dma_semaphore, #tpu.memory_space<semaphore_mem>>
          %dma_start3A_42 = tpu.memref_slice %arg6[%add3A_37] : memref<1600000xi32, #tpu.memory_space<hbm>> -> memref<1000xi32, #tpu.memory_space<hbm>>
          %dma_start3A_43 = tpu.memref_slice %arg6[%add3A_37] : memref<1600000xi32, #tpu.memory_space<hbm>> -> memref<1000xi32, #tpu.memory_space<hbm>>
          tpu.enqueue_dma source(%dma_start3A_43 : memref<1000xi32, #tpu.memory_space<hbm>>) target(%arg11 : memref<1000xi32, #tpu.memory_space<vmem>>) target_semaphore(%run_scoped3A : memref<!tpu.dma_semaphore, #tpu.memory_space<semaphore_mem>>)
          %dma_wait3A_44 = tpu.memref_slice %arg6[%add3A_37] : memref<1600000xi32, #tpu.memory_space<hbm>> -> memref<1000xi32, #tpu.memory_space<hbm>>
          %dma_wait3A_45 = tpu.memref_slice %arg6[%add3A_37] : memref<1600000xi32, #tpu.memory_space<hbm>> -> memref<1000xi32, #tpu.memory_space<hbm>>
          tpu.wait_dma2 semaphore(%run_scoped3A : memref<!tpu.dma_semaphore, #tpu.memory_space<semaphore_mem>>) src(%dma_wait3A_45 : memref<1000xi32, #tpu.memory_space<hbm>>) dst(%arg11 : memref<1000xi32, #tpu.memory_space<vmem>>)
          tpu.yield
        }) : () -> ()
        "tpu.region"() ({
          %run_scoped3A = tpu.sem_alloc : memref<!tpu.dma_semaphore, #tpu.memory_space<semaphore_mem>>
          %dma_start3A_42 = arith.constant 0 : i32
          %dma_start3A_43 = arith.constant 0 : i32
          %dma_start3A_44 = tpu.memref_slice %arg9[%dma_start3A_42, %dma_start3A_43] : memref<100096x16xf32, #tpu.memory_space<vmem_shared>> -> memref<100096x16xf32, #tpu.memory_space<vmem_shared>>
          tpu.enqueue_indirect_dma source(%arg12 : memref<1000x16xf32, #tpu.memory_space<vmem>>) target(%dma_start3A_44 : memref<100096x16xf32, #tpu.memory_space<vmem_shared>>) offsets(%arg11 : memref<1000xi32, #tpu.memory_space<vmem>>) semaphore(%run_scoped3A : memref<!tpu.dma_semaphore, #tpu.memory_space<semaphore_mem>>) {add = true}
          %dma_wait3A_45 = arith.constant 0 : i32
          %dma_wait3A_46 = arith.constant 0 : i32
          %dma_wait3A_47 = tpu.memref_slice %arg9[%dma_wait3A_45, %dma_wait3A_46] : memref<100096x16xf32, #tpu.memory_space<vmem_shared>> -> memref<100096x16xf32, #tpu.memory_space<vmem_shared>>
          tpu.wait_indirect_dma semaphore(%run_scoped3A : memref<!tpu.dma_semaphore, #tpu.memory_space<semaphore_mem>>) src(%arg12 : memref<1000x16xf32, #tpu.memory_space<vmem>>) dst(%dma_wait3A_47 : memref<100096x16xf32, #tpu.memory_space<vmem_shared>>)
          tpu.yield
        }) : () -> ()
      }
      %scan3A_23 = arith.constant 100 : i32
      %barrier3A_24 = arith.constant 0 : index
      tpu.barrier barrier_id(%barrier3A_24)
      %scan3A_25 = arith.constant 0 : i32
      %scan3A_26 = arith.constant 6 : i32
      %scan3A_27 = arith.addi %scan3A_25, %scan3A_26 : i32
      %scan3A_28 = arith.constant 1 : i32
      scf.for %scan3A_34 = %scan3A_25 to %scan3A_27 step %scan3A_28  : i32 {
        %mul3A_35 = arith.constant 1000 : i32
        %mul3A_36 = arith.muli %scan3A_34, %mul3A_35 : i32
        %add3A_37 = arith.addi %mul3A_0, %mul3A_36 : i32
        "tpu.region"() ({
          %run_scoped3A = tpu.sem_alloc : memref<!tpu.dma_semaphore, #tpu.memory_space<semaphore_mem>>
          %dma_start3A = arith.constant 0 : i32
          %dma_start3A_41 = tpu.memref_slice %arg9[%add3A_37, %dma_start3A] : memref<100096x16xf32, #tpu.memory_space<vmem_shared>> -> memref<1000x16xf32, #tpu.memory_space<vmem_shared>>
          %dma_start3A_42 = arith.constant 0 : i32
          %dma_start3A_43 = tpu.memref_slice %arg9[%add3A_37, %dma_start3A_42] : memref<100096x16xf32, #tpu.memory_space<vmem_shared>> -> memref<1000x16xf32, #tpu.memory_space<vmem_shared>>
          tpu.enqueue_dma source(%dma_start3A_43 : memref<1000x16xf32, #tpu.memory_space<vmem_shared>>) target(%arg12 : memref<1000x16xf32, #tpu.memory_space<vmem>>) target_semaphore(%run_scoped3A : memref<!tpu.dma_semaphore, #tpu.memory_space<semaphore_mem>>)
          %dma_wait3A = arith.constant 0 : i32
          %dma_wait3A_44 = tpu.memref_slice %arg9[%add3A_37, %dma_wait3A] : memref<100096x16xf32, #tpu.memory_space<vmem_shared>> -> memref<1000x16xf32, #tpu.memory_space<vmem_shared>>
          %dma_wait3A_45 = arith.constant 0 : i32
          %dma_wait3A_46 = tpu.memref_slice %arg9[%add3A_37, %dma_wait3A_45] : memref<100096x16xf32, #tpu.memory_space<vmem_shared>> -> memref<1000x16xf32, #tpu.memory_space<vmem_shared>>
          tpu.wait_dma2 semaphore(%run_scoped3A : memref<!tpu.dma_semaphore, #tpu.memory_space<semaphore_mem>>) src(%dma_wait3A_46 : memref<1000x16xf32, #tpu.memory_space<vmem_shared>>) dst(%arg12 : memref<1000x16xf32, #tpu.memory_space<vmem>>)
          tpu.yield
        }) : () -> ()
        %mul3A_38 = arith.constant 1000 : i32
        %mul3A_39 = arith.muli %scan3A_34, %mul3A_38 : i32
        %add3A_40 = arith.addi %mul3A_0, %mul3A_39 : i32
        "tpu.region"() ({
          %run_scoped3A = tpu.sem_alloc : memref<!tpu.dma_semaphore, #tpu.memory_space<semaphore_mem>>
          %dma_start3A = arith.constant 0 : i32
          %dma_start3A_41 = tpu.memref_slice %arg7[%add3A_40, %dma_start3A] : memref<100096x16xf32, #tpu.memory_space<hbm>> -> memref<1000x16xf32, #tpu.memory_space<hbm>>
          %dma_start3A_42 = arith.constant 0 : i32
          %dma_start3A_43 = tpu.memref_slice %arg7[%add3A_40, %dma_start3A_42] : memref<100096x16xf32, #tpu.memory_space<hbm>> -> memref<1000x16xf32, #tpu.memory_space<hbm>>
          tpu.enqueue_dma source(%arg12 : memref<1000x16xf32, #tpu.memory_space<vmem>>) target(%dma_start3A_43 : memref<1000x16xf32, #tpu.memory_space<hbm>>) target_semaphore(%run_scoped3A : memref<!tpu.dma_semaphore, #tpu.memory_space<semaphore_mem>>)
          %dma_wait3A = arith.constant 0 : i32
          %dma_wait3A_44 = tpu.memref_slice %arg7[%add3A_40, %dma_wait3A] : memref<100096x16xf32, #tpu.memory_space<hbm>> -> memref<1000x16xf32, #tpu.memory_space<hbm>>
          %dma_wait3A_45 = arith.constant 0 : i32
          %dma_wait3A_46 = tpu.memref_slice %arg7[%add3A_40, %dma_wait3A_45] : memref<100096x16xf32, #tpu.memory_space<hbm>> -> memref<1000x16xf32, #tpu.memory_space<hbm>>
          tpu.wait_dma2 semaphore(%run_scoped3A : memref<!tpu.dma_semaphore, #tpu.memory_space<semaphore_mem>>) src(%arg12 : memref<1000x16xf32, #tpu.memory_space<vmem>>) dst(%dma_wait3A_46 : memref<1000x16xf32, #tpu.memory_space<hbm>>)
          tpu.yield
        }) : () -> ()
      }
      %scan3A_29 = arith.constant 6 : i32
      %add3A_30 = arith.constant 6000 : i32
      %add3A_31 = arith.addi %mul3A_0, %add3A_30 : i32
      "tpu.region"() ({
        %run_scoped3A = tpu.sem_alloc : memref<!tpu.dma_semaphore, #tpu.memory_space<semaphore_mem>>
        %dma_start3A = arith.constant 0 : i32
        %dma_start3A_34 = tpu.memref_slice %arg9[%add3A_31, %dma_start3A] : memref<100096x16xf32, #tpu.memory_space<vmem_shared>> -> memref<256x16xf32, #tpu.memory_space<vmem_shared>>
        %dma_start3A_35 = arith.constant 0 : i32
        %dma_start3A_36 = tpu.memref_slice %arg9[%add3A_31, %dma_start3A_35] : memref<100096x16xf32, #tpu.memory_space<vmem_shared>> -> memref<256x16xf32, #tpu.memory_space<vmem_shared>>
        tpu.enqueue_dma source(%dma_start3A_36 : memref<256x16xf32, #tpu.memory_space<vmem_shared>>) target(%arg13 : memref<256x16xf32, #tpu.memory_space<vmem>>) target_semaphore(%run_scoped3A : memref<!tpu.dma_semaphore, #tpu.memory_space<semaphore_mem>>)
        %dma_wait3A = arith.constant 0 : i32
        %dma_wait3A_37 = tpu.memref_slice %arg9[%add3A_31, %dma_wait3A] : memref<100096x16xf32, #tpu.memory_space<vmem_shared>> -> memref<256x16xf32, #tpu.memory_space<vmem_shared>>
        %dma_wait3A_38 = arith.constant 0 : i32
        %dma_wait3A_39 = tpu.memref_slice %arg9[%add3A_31, %dma_wait3A_38] : memref<100096x16xf32, #tpu.memory_space<vmem_shared>> -> memref<256x16xf32, #tpu.memory_space<vmem_shared>>
        tpu.wait_dma2 semaphore(%run_scoped3A : memref<!tpu.dma_semaphore, #tpu.memory_space<semaphore_mem>>) src(%dma_wait3A_39 : memref<256x16xf32, #tpu.memory_space<vmem_shared>>) dst(%arg13 : memref<256x16xf32, #tpu.memory_space<vmem>>)
        tpu.yield
      }) : () -> ()
      %add3A_32 = arith.constant 6000 : i32
      %add3A_33 = arith.addi %mul3A_0, %add3A_32 : i32
      "tpu.region"() ({
        %run_scoped3A = tpu.sem_alloc : memref<!tpu.dma_semaphore, #tpu.memory_space<semaphore_mem>>
        %dma_start3A = arith.constant 0 : i32
        %dma_start3A_34 = tpu.memref_slice %arg7[%add3A_33, %dma_start3A] : memref<100096x16xf32, #tpu.memory_space<hbm>> -> memref<256x16xf32, #tpu.memory_space<hbm>>
        %dma_start3A_35 = arith.constant 0 : i32
        %dma_start3A_36 = tpu.memref_slice %arg7[%add3A_33, %dma_start3A_35] : memref<100096x16xf32, #tpu.memory_space<hbm>> -> memref<256x16xf32, #tpu.memory_space<hbm>>
        tpu.enqueue_dma source(%arg13 : memref<256x16xf32, #tpu.memory_space<vmem>>) target(%dma_start3A_36 : memref<256x16xf32, #tpu.memory_space<hbm>>) target_semaphore(%run_scoped3A : memref<!tpu.dma_semaphore, #tpu.memory_space<semaphore_mem>>)
        %dma_wait3A = arith.constant 0 : i32
        %dma_wait3A_37 = tpu.memref_slice %arg7[%add3A_33, %dma_wait3A] : memref<100096x16xf32, #tpu.memory_space<hbm>> -> memref<256x16xf32, #tpu.memory_space<hbm>>
        %dma_wait3A_38 = arith.constant 0 : i32
        %dma_wait3A_39 = tpu.memref_slice %arg7[%add3A_33, %dma_wait3A_38] : memref<100096x16xf32, #tpu.memory_space<hbm>> -> memref<256x16xf32, #tpu.memory_space<hbm>>
        tpu.wait_dma2 semaphore(%run_scoped3A : memref<!tpu.dma_semaphore, #tpu.memory_space<semaphore_mem>>) src(%arg13 : memref<256x16xf32, #tpu.memory_space<vmem>>) dst(%dma_wait3A_39 : memref<256x16xf32, #tpu.memory_space<hbm>>)
        tpu.yield
      }) : () -> ()
    } else {
    }
    %eq3A_3 = arith.constant 1 : i32
    %eq3A_4 = arith.cmpi eq, %arg0, %eq3A_3 : i32
    %convert_element_type3A_5 = arith.extui %eq3A_4 : i1 to i32
    %cond3A_6 = arith.constant 0 : i32
    %cond3A_7 = arith.cmpi ne, %convert_element_type3A_5, %cond3A_6 : i32
    scf.if %cond3A_7 {
      %scan3A = arith.constant 0 : i32
      %scan3A_8 = arith.constant 6 : i32
      %scan3A_9 = arith.addi %scan3A, %scan3A_8 : i32
      %scan3A_10 = arith.constant 1 : i32
      scf.for %scan3A_34 = %scan3A to %scan3A_9 step %scan3A_10  : i32 {
        %mul3A_35 = arith.constant 1000 : i32
        %mul3A_36 = arith.muli %scan3A_34, %mul3A_35 : i32
        %add3A_37 = arith.addi %mul3A_0, %mul3A_36 : i32
        "tpu.region"() ({
          %run_scoped3A = tpu.sem_alloc : memref<!tpu.dma_semaphore, #tpu.memory_space<semaphore_mem>>
          %dma_start3A = arith.constant 0 : i32
          %dma_start3A_41 = tpu.memref_slice %arg3[%add3A_37, %dma_start3A] : memref<100096x16xf32, #tpu.memory_space<hbm>> -> memref<1000x16xf32, #tpu.memory_space<hbm>>
          %dma_start3A_42 = arith.constant 0 : i32
          %dma_start3A_43 = tpu.memref_slice %arg3[%add3A_37, %dma_start3A_42] : memref<100096x16xf32, #tpu.memory_space<hbm>> -> memref<1000x16xf32, #tpu.memory_space<hbm>>
          tpu.enqueue_dma source(%dma_start3A_43 : memref<1000x16xf32, #tpu.memory_space<hbm>>) target(%arg12 : memref<1000x16xf32, #tpu.memory_space<vmem>>) target_semaphore(%run_scoped3A : memref<!tpu.dma_semaphore, #tpu.memory_space<semaphore_mem>>)
          %dma_wait3A = arith.constant 0 : i32
          %dma_wait3A_44 = tpu.memref_slice %arg3[%add3A_37, %dma_wait3A] : memref<100096x16xf32, #tpu.memory_space<hbm>> -> memref<1000x16xf32, #tpu.memory_space<hbm>>
          %dma_wait3A_45 = arith.constant 0 : i32
          %dma_wait3A_46 = tpu.memref_slice %arg3[%add3A_37, %dma_wait3A_45] : memref<100096x16xf32, #tpu.memory_space<hbm>> -> memref<1000x16xf32, #tpu.memory_space<hbm>>
          tpu.wait_dma2 semaphore(%run_scoped3A : memref<!tpu.dma_semaphore, #tpu.memory_space<semaphore_mem>>) src(%dma_wait3A_46 : memref<1000x16xf32, #tpu.memory_space<hbm>>) dst(%arg12 : memref<1000x16xf32, #tpu.memory_space<vmem>>)
          tpu.yield
        }) : () -> ()
        %mul3A_38 = arith.constant 1000 : i32
        %mul3A_39 = arith.muli %scan3A_34, %mul3A_38 : i32
        %add3A_40 = arith.addi %mul3A_0, %mul3A_39 : i32
        "tpu.region"() ({
          %run_scoped3A = tpu.sem_alloc : memref<!tpu.dma_semaphore, #tpu.memory_space<semaphore_mem>>
          %dma_start3A = arith.constant 0 : i32
          %dma_start3A_41 = tpu.memref_slice %arg9[%add3A_40, %dma_start3A] : memref<100096x16xf32, #tpu.memory_space<vmem_shared>> -> memref<1000x16xf32, #tpu.memory_space<vmem_shared>>
          %dma_start3A_42 = arith.constant 0 : i32
          %dma_start3A_43 = tpu.memref_slice %arg9[%add3A_40, %dma_start3A_42] : memref<100096x16xf32, #tpu.memory_space<vmem_shared>> -> memref<1000x16xf32, #tpu.memory_space<vmem_shared>>
          tpu.enqueue_dma source(%arg12 : memref<1000x16xf32, #tpu.memory_space<vmem>>) target(%dma_start3A_43 : memref<1000x16xf32, #tpu.memory_space<vmem_shared>>) target_semaphore(%run_scoped3A : memref<!tpu.dma_semaphore, #tpu.memory_space<semaphore_mem>>)
          %dma_wait3A = arith.constant 0 : i32
          %dma_wait3A_44 = tpu.memref_slice %arg9[%add3A_40, %dma_wait3A] : memref<100096x16xf32, #tpu.memory_space<vmem_shared>> -> memref<1000x16xf32, #tpu.memory_space<vmem_shared>>
          %dma_wait3A_45 = arith.constant 0 : i32
          %dma_wait3A_46 = tpu.memref_slice %arg9[%add3A_40, %dma_wait3A_45] : memref<100096x16xf32, #tpu.memory_space<vmem_shared>> -> memref<1000x16xf32, #tpu.memory_space<vmem_shared>>
          tpu.wait_dma2 semaphore(%run_scoped3A : memref<!tpu.dma_semaphore, #tpu.memory_space<semaphore_mem>>) src(%arg12 : memref<1000x16xf32, #tpu.memory_space<vmem>>) dst(%dma_wait3A_46 : memref<1000x16xf32, #tpu.memory_space<vmem_shared>>)
          tpu.yield
        }) : () -> ()
      }
      %scan3A_11 = arith.constant 6 : i32
      %add3A = arith.constant 6000 : i32
      %add3A_12 = arith.addi %mul3A_0, %add3A : i32
      "tpu.region"() ({
        %run_scoped3A = tpu.sem_alloc : memref<!tpu.dma_semaphore, #tpu.memory_space<semaphore_mem>>
        %dma_start3A = arith.constant 0 : i32
        %dma_start3A_34 = tpu.memref_slice %arg3[%add3A_12, %dma_start3A] : memref<100096x16xf32, #tpu.memory_space<hbm>> -> memref<256x16xf32, #tpu.memory_space<hbm>>
        %dma_start3A_35 = arith.constant 0 : i32
        %dma_start3A_36 = tpu.memref_slice %arg3[%add3A_12, %dma_start3A_35] : memref<100096x16xf32, #tpu.memory_space<hbm>> -> memref<256x16xf32, #tpu.memory_space<hbm>>
        tpu.enqueue_dma source(%dma_start3A_36 : memref<256x16xf32, #tpu.memory_space<hbm>>) target(%arg13 : memref<256x16xf32, #tpu.memory_space<vmem>>) target_semaphore(%run_scoped3A : memref<!tpu.dma_semaphore, #tpu.memory_space<semaphore_mem>>)
        %dma_wait3A = arith.constant 0 : i32
        %dma_wait3A_37 = tpu.memref_slice %arg3[%add3A_12, %dma_wait3A] : memref<100096x16xf32, #tpu.memory_space<hbm>> -> memref<256x16xf32, #tpu.memory_space<hbm>>
        %dma_wait3A_38 = arith.constant 0 : i32
        %dma_wait3A_39 = tpu.memref_slice %arg3[%add3A_12, %dma_wait3A_38] : memref<100096x16xf32, #tpu.memory_space<hbm>> -> memref<256x16xf32, #tpu.memory_space<hbm>>
        tpu.wait_dma2 semaphore(%run_scoped3A : memref<!tpu.dma_semaphore, #tpu.memory_space<semaphore_mem>>) src(%dma_wait3A_39 : memref<256x16xf32, #tpu.memory_space<hbm>>) dst(%arg13 : memref<256x16xf32, #tpu.memory_space<vmem>>)
        tpu.yield
      }) : () -> ()
      %add3A_13 = arith.constant 6000 : i32
      %add3A_14 = arith.addi %mul3A_0, %add3A_13 : i32
      "tpu.region"() ({
        %run_scoped3A = tpu.sem_alloc : memref<!tpu.dma_semaphore, #tpu.memory_space<semaphore_mem>>
        %dma_start3A = arith.constant 0 : i32
        %dma_start3A_34 = tpu.memref_slice %arg9[%add3A_14, %dma_start3A] : memref<100096x16xf32, #tpu.memory_space<vmem_shared>> -> memref<256x16xf32, #tpu.memory_space<vmem_shared>>
        %dma_start3A_35 = arith.constant 0 : i32
        %dma_start3A_36 = tpu.memref_slice %arg9[%add3A_14, %dma_start3A_35] : memref<100096x16xf32, #tpu.memory_space<vmem_shared>> -> memref<256x16xf32, #tpu.memory_space<vmem_shared>>
        tpu.enqueue_dma source(%arg13 : memref<256x16xf32, #tpu.memory_space<vmem>>) target(%dma_start3A_36 : memref<256x16xf32, #tpu.memory_space<vmem_shared>>) target_semaphore(%run_scoped3A : memref<!tpu.dma_semaphore, #tpu.memory_space<semaphore_mem>>)
        %dma_wait3A = arith.constant 0 : i32
        %dma_wait3A_37 = tpu.memref_slice %arg9[%add3A_14, %dma_wait3A] : memref<100096x16xf32, #tpu.memory_space<vmem_shared>> -> memref<256x16xf32, #tpu.memory_space<vmem_shared>>
        %dma_wait3A_38 = arith.constant 0 : i32
        %dma_wait3A_39 = tpu.memref_slice %arg9[%add3A_14, %dma_wait3A_38] : memref<100096x16xf32, #tpu.memory_space<vmem_shared>> -> memref<256x16xf32, #tpu.memory_space<vmem_shared>>
        tpu.wait_dma2 semaphore(%run_scoped3A : memref<!tpu.dma_semaphore, #tpu.memory_space<semaphore_mem>>) src(%arg13 : memref<256x16xf32, #tpu.memory_space<vmem>>) dst(%dma_wait3A_39 : memref<256x16xf32, #tpu.memory_space<vmem_shared>>)
        tpu.yield
      }) : () -> ()
      %barrier3A = arith.constant 0 : index
      tpu.barrier barrier_id(%barrier3A)
      %mul3A_15 = arith.constant 100000 : i32
      %mul3A_16 = arith.muli %arg1, %mul3A_15 : i32
      %add3A_17 = arith.constant 0 : i32
      %add3A_18 = arith.addi %add3A_17, %mul3A_16 : i32
      %scan3A_19 = arith.constant 0 : i32
      %scan3A_20 = arith.constant 100 : i32
      %scan3A_21 = arith.addi %scan3A_19, %scan3A_20 : i32
      %scan3A_22 = arith.constant 1 : i32
      scf.for %scan3A_34 = %scan3A_19 to %scan3A_21 step %scan3A_22  : i32 {
        %mul3A_35 = arith.constant 1000 : i32
        %mul3A_36 = arith.muli %scan3A_34, %mul3A_35 : i32
        %add3A_37 = arith.addi %add3A_18, %mul3A_36 : i32
        "tpu.region"() ({
          %run_scoped3A = tpu.sem_alloc : memref<!tpu.dma_semaphore, #tpu.memory_space<semaphore_mem>>
          %dma_start3A_42 = tpu.memref_slice %arg5[%add3A_37] : memref<1600000xi32, #tpu.memory_space<hbm>> -> memref<1000xi32, #tpu.memory_space<hbm>>
          %dma_start3A_43 = tpu.memref_slice %arg5[%add3A_37] : memref<1600000xi32, #tpu.memory_space<hbm>> -> memref<1000xi32, #tpu.memory_space<hbm>>
          tpu.enqueue_dma source(%dma_start3A_43 : memref<1000xi32, #tpu.memory_space<hbm>>) target(%arg10 : memref<1000xi32, #tpu.memory_space<vmem>>) target_semaphore(%run_scoped3A : memref<!tpu.dma_semaphore, #tpu.memory_space<semaphore_mem>>)
          %dma_wait3A_44 = tpu.memref_slice %arg5[%add3A_37] : memref<1600000xi32, #tpu.memory_space<hbm>> -> memref<1000xi32, #tpu.memory_space<hbm>>
          %dma_wait3A_45 = tpu.memref_slice %arg5[%add3A_37] : memref<1600000xi32, #tpu.memory_space<hbm>> -> memref<1000xi32, #tpu.memory_space<hbm>>
          tpu.wait_dma2 semaphore(%run_scoped3A : memref<!tpu.dma_semaphore, #tpu.memory_space<semaphore_mem>>) src(%dma_wait3A_45 : memref<1000xi32, #tpu.memory_space<hbm>>) dst(%arg10 : memref<1000xi32, #tpu.memory_space<vmem>>)
          tpu.yield
        }) : () -> ()
        %dma_start3A = arith.constant 0 : i32
        %dma_start3A_38 = arith.constant 0 : i32
        %dma_start3A_39 = tpu.memref_slice %arg3[%dma_start3A, %dma_start3A_38] : memref<100096x16xf32, #tpu.memory_space<hbm>> -> memref<100096x16xf32, #tpu.memory_space<hbm>>
        tpu.enqueue_indirect_dma source(%dma_start3A_39 : memref<100096x16xf32, #tpu.memory_space<hbm>>) target(%arg12 : memref<1000x16xf32, #tpu.memory_space<vmem>>) offsets(%arg10 : memref<1000xi32, #tpu.memory_space<vmem>>) semaphore(%arg14 : memref<!tpu.dma_semaphore, #tpu.memory_space<semaphore_mem>>)
        %dma_wait3A = arith.constant 0 : i32
        %dma_wait3A_40 = arith.constant 0 : i32
        %dma_wait3A_41 = tpu.memref_slice %arg3[%dma_wait3A, %dma_wait3A_40] : memref<100096x16xf32, #tpu.memory_space<hbm>> -> memref<100096x16xf32, #tpu.memory_space<hbm>>
        tpu.wait_indirect_dma semaphore(%arg14 : memref<!tpu.dma_semaphore, #tpu.memory_space<semaphore_mem>>) src(%dma_wait3A_41 : memref<100096x16xf32, #tpu.memory_space<hbm>>) dst(%arg12 : memref<1000x16xf32, #tpu.memory_space<vmem>>)
        "tpu.region"() ({
          %run_scoped3A = tpu.sem_alloc : memref<!tpu.dma_semaphore, #tpu.memory_space<semaphore_mem>>
          %dma_start3A_42 = tpu.memref_slice %arg6[%add3A_37] : memref<1600000xi32, #tpu.memory_space<hbm>> -> memref<1000xi32, #tpu.memory_space<hbm>>
          %dma_start3A_43 = tpu.memref_slice %arg6[%add3A_37] : memref<1600000xi32, #tpu.memory_space<hbm>> -> memref<1000xi32, #tpu.memory_space<hbm>>
          tpu.enqueue_dma source(%dma_start3A_43 : memref<1000xi32, #tpu.memory_space<hbm>>) target(%arg11 : memref<1000xi32, #tpu.memory_space<vmem>>) target_semaphore(%run_scoped3A : memref<!tpu.dma_semaphore, #tpu.memory_space<semaphore_mem>>)
          %dma_wait3A_44 = tpu.memref_slice %arg6[%add3A_37] : memref<1600000xi32, #tpu.memory_space<hbm>> -> memref<1000xi32, #tpu.memory_space<hbm>>
          %dma_wait3A_45 = tpu.memref_slice %arg6[%add3A_37] : memref<1600000xi32, #tpu.memory_space<hbm>> -> memref<1000xi32, #tpu.memory_space<hbm>>
          tpu.wait_dma2 semaphore(%run_scoped3A : memref<!tpu.dma_semaphore, #tpu.memory_space<semaphore_mem>>) src(%dma_wait3A_45 : memref<1000xi32, #tpu.memory_space<hbm>>) dst(%arg11 : memref<1000xi32, #tpu.memory_space<vmem>>)
          tpu.yield
        }) : () -> ()
        "tpu.region"() ({
          %run_scoped3A = tpu.sem_alloc : memref<!tpu.dma_semaphore, #tpu.memory_space<semaphore_mem>>
          %dma_start3A_42 = arith.constant 0 : i32
          %dma_start3A_43 = arith.constant 0 : i32
          %dma_start3A_44 = tpu.memref_slice %arg9[%dma_start3A_42, %dma_start3A_43] : memref<100096x16xf32, #tpu.memory_space<vmem_shared>> -> memref<100096x16xf32, #tpu.memory_space<vmem_shared>>
          tpu.enqueue_indirect_dma source(%arg12 : memref<1000x16xf32, #tpu.memory_space<vmem>>) target(%dma_start3A_44 : memref<100096x16xf32, #tpu.memory_space<vmem_shared>>) offsets(%arg11 : memref<1000xi32, #tpu.memory_space<vmem>>) semaphore(%run_scoped3A : memref<!tpu.dma_semaphore, #tpu.memory_space<semaphore_mem>>) {add = true}
          %dma_wait3A_45 = arith.constant 0 : i32
          %dma_wait3A_46 = arith.constant 0 : i32
          %dma_wait3A_47 = tpu.memref_slice %arg9[%dma_wait3A_45, %dma_wait3A_46] : memref<100096x16xf32, #tpu.memory_space<vmem_shared>> -> memref<100096x16xf32, #tpu.memory_space<vmem_shared>>
          tpu.wait_indirect_dma semaphore(%run_scoped3A : memref<!tpu.dma_semaphore, #tpu.memory_space<semaphore_mem>>) src(%arg12 : memref<1000x16xf32, #tpu.memory_space<vmem>>) dst(%dma_wait3A_47 : memref<100096x16xf32, #tpu.memory_space<vmem_shared>>)
          tpu.yield
        }) : () -> ()
      }
      %scan3A_23 = arith.constant 100 : i32
      %barrier3A_24 = arith.constant 0 : index
      tpu.barrier barrier_id(%barrier3A_24)
      %scan3A_25 = arith.constant 0 : i32
      %scan3A_26 = arith.constant 6 : i32
      %scan3A_27 = arith.addi %scan3A_25, %scan3A_26 : i32
      %scan3A_28 = arith.constant 1 : i32
      scf.for %scan3A_34 = %scan3A_25 to %scan3A_27 step %scan3A_28  : i32 {
        %mul3A_35 = arith.constant 1000 : i32
        %mul3A_36 = arith.muli %scan3A_34, %mul3A_35 : i32
        %add3A_37 = arith.addi %mul3A_0, %mul3A_36 : i32
        "tpu.region"() ({
          %run_scoped3A = tpu.sem_alloc : memref<!tpu.dma_semaphore, #tpu.memory_space<semaphore_mem>>
          %dma_start3A = arith.constant 0 : i32
          %dma_start3A_41 = tpu.memref_slice %arg9[%add3A_37, %dma_start3A] : memref<100096x16xf32, #tpu.memory_space<vmem_shared>> -> memref<1000x16xf32, #tpu.memory_space<vmem_shared>>
          %dma_start3A_42 = arith.constant 0 : i32
          %dma_start3A_43 = tpu.memref_slice %arg9[%add3A_37, %dma_start3A_42] : memref<100096x16xf32, #tpu.memory_space<vmem_shared>> -> memref<1000x16xf32, #tpu.memory_space<vmem_shared>>
          tpu.enqueue_dma source(%dma_start3A_43 : memref<1000x16xf32, #tpu.memory_space<vmem_shared>>) target(%arg12 : memref<1000x16xf32, #tpu.memory_space<vmem>>) target_semaphore(%run_scoped3A : memref<!tpu.dma_semaphore, #tpu.memory_space<semaphore_mem>>)
          %dma_wait3A = arith.constant 0 : i32
          %dma_wait3A_44 = tpu.memref_slice %arg9[%add3A_37, %dma_wait3A] : memref<100096x16xf32, #tpu.memory_space<vmem_shared>> -> memref<1000x16xf32, #tpu.memory_space<vmem_shared>>
          %dma_wait3A_45 = arith.constant 0 : i32
          %dma_wait3A_46 = tpu.memref_slice %arg9[%add3A_37, %dma_wait3A_45] : memref<100096x16xf32, #tpu.memory_space<vmem_shared>> -> memref<1000x16xf32, #tpu.memory_space<vmem_shared>>
          tpu.wait_dma2 semaphore(%run_scoped3A : memref<!tpu.dma_semaphore, #tpu.memory_space<semaphore_mem>>) src(%dma_wait3A_46 : memref<1000x16xf32, #tpu.memory_space<vmem_shared>>) dst(%arg12 : memref<1000x16xf32, #tpu.memory_space<vmem>>)
          tpu.yield
        }) : () -> ()
        %mul3A_38 = arith.constant 1000 : i32
        %mul3A_39 = arith.muli %scan3A_34, %mul3A_38 : i32
        %add3A_40 = arith.addi %mul3A_0, %mul3A_39 : i32
        "tpu.region"() ({
          %run_scoped3A = tpu.sem_alloc : memref<!tpu.dma_semaphore, #tpu.memory_space<semaphore_mem>>
          %dma_start3A = arith.constant 0 : i32
          %dma_start3A_41 = tpu.memref_slice %arg8[%add3A_40, %dma_start3A] : memref<100096x16xf32, #tpu.memory_space<hbm>> -> memref<1000x16xf32, #tpu.memory_space<hbm>>
          %dma_start3A_42 = arith.constant 0 : i32
          %dma_start3A_43 = tpu.memref_slice %arg8[%add3A_40, %dma_start3A_42] : memref<100096x16xf32, #tpu.memory_space<hbm>> -> memref<1000x16xf32, #tpu.memory_space<hbm>>
          tpu.enqueue_dma source(%arg12 : memref<1000x16xf32, #tpu.memory_space<vmem>>) target(%dma_start3A_43 : memref<1000x16xf32, #tpu.memory_space<hbm>>) target_semaphore(%run_scoped3A : memref<!tpu.dma_semaphore, #tpu.memory_space<semaphore_mem>>)
          %dma_wait3A = arith.constant 0 : i32
          %dma_wait3A_44 = tpu.memref_slice %arg8[%add3A_40, %dma_wait3A] : memref<100096x16xf32, #tpu.memory_space<hbm>> -> memref<1000x16xf32, #tpu.memory_space<hbm>>
          %dma_wait3A_45 = arith.constant 0 : i32
          %dma_wait3A_46 = tpu.memref_slice %arg8[%add3A_40, %dma_wait3A_45] : memref<100096x16xf32, #tpu.memory_space<hbm>> -> memref<1000x16xf32, #tpu.memory_space<hbm>>
          tpu.wait_dma2 semaphore(%run_scoped3A : memref<!tpu.dma_semaphore, #tpu.memory_space<semaphore_mem>>) src(%arg12 : memref<1000x16xf32, #tpu.memory_space<vmem>>) dst(%dma_wait3A_46 : memref<1000x16xf32, #tpu.memory_space<hbm>>)
          tpu.yield
        }) : () -> ()
      }
      %scan3A_29 = arith.constant 6 : i32
      %add3A_30 = arith.constant 6000 : i32
      %add3A_31 = arith.addi %mul3A_0, %add3A_30 : i32
      "tpu.region"() ({
        %run_scoped3A = tpu.sem_alloc : memref<!tpu.dma_semaphore, #tpu.memory_space<semaphore_mem>>
        %dma_start3A = arith.constant 0 : i32
        %dma_start3A_34 = tpu.memref_slice %arg9[%add3A_31, %dma_start3A] : memref<100096x16xf32, #tpu.memory_space<vmem_shared>> -> memref<256x16xf32, #tpu.memory_space<vmem_shared>>
        %dma_start3A_35 = arith.constant 0 : i32
        %dma_start3A_36 = tpu.memref_slice %arg9[%add3A_31, %dma_start3A_35] : memref<100096x16xf32, #tpu.memory_space<vmem_shared>> -> memref<256x16xf32, #tpu.memory_space<vmem_shared>>
        tpu.enqueue_dma source(%dma_start3A_36 : memref<256x16xf32, #tpu.memory_space<vmem_shared>>) target(%arg13 : memref<256x16xf32, #tpu.memory_space<vmem>>) target_semaphore(%run_scoped3A : memref<!tpu.dma_semaphore, #tpu.memory_space<semaphore_mem>>)
        %dma_wait3A = arith.constant 0 : i32
        %dma_wait3A_37 = tpu.memref_slice %arg9[%add3A_31, %dma_wait3A] : memref<100096x16xf32, #tpu.memory_space<vmem_shared>> -> memref<256x16xf32, #tpu.memory_space<vmem_shared>>
        %dma_wait3A_38 = arith.constant 0 : i32
        %dma_wait3A_39 = tpu.memref_slice %arg9[%add3A_31, %dma_wait3A_38] : memref<100096x16xf32, #tpu.memory_space<vmem_shared>> -> memref<256x16xf32, #tpu.memory_space<vmem_shared>>
        tpu.wait_dma2 semaphore(%run_scoped3A : memref<!tpu.dma_semaphore, #tpu.memory_space<semaphore_mem>>) src(%dma_wait3A_39 : memref<256x16xf32, #tpu.memory_space<vmem_shared>>) dst(%arg13 : memref<256x16xf32, #tpu.memory_space<vmem>>)
        tpu.yield
      }) : () -> ()
      %add3A_32 = arith.constant 6000 : i32
      %add3A_33 = arith.addi %mul3A_0, %add3A_32 : i32
      "tpu.region"() ({
        %run_scoped3A = tpu.sem_alloc : memref<!tpu.dma_semaphore, #tpu.memory_space<semaphore_mem>>
        %dma_start3A = arith.constant 0 : i32
        %dma_start3A_34 = tpu.memref_slice %arg8[%add3A_33, %dma_start3A] : memref<100096x16xf32, #tpu.memory_space<hbm>> -> memref<256x16xf32, #tpu.memory_space<hbm>>
        %dma_start3A_35 = arith.constant 0 : i32
        %dma_start3A_36 = tpu.memref_slice %arg8[%add3A_33, %dma_start3A_35] : memref<100096x16xf32, #tpu.memory_space<hbm>> -> memref<256x16xf32, #tpu.memory_space<hbm>>
        tpu.enqueue_dma source(%arg13 : memref<256x16xf32, #tpu.memory_space<vmem>>) target(%dma_start3A_36 : memref<256x16xf32, #tpu.memory_space<hbm>>) target_semaphore(%run_scoped3A : memref<!tpu.dma_semaphore, #tpu.memory_space<semaphore_mem>>)
        %dma_wait3A = arith.constant 0 : i32
        %dma_wait3A_37 = tpu.memref_slice %arg8[%add3A_33, %dma_wait3A] : memref<100096x16xf32, #tpu.memory_space<hbm>> -> memref<256x16xf32, #tpu.memory_space<hbm>>
        %dma_wait3A_38 = arith.constant 0 : i32
        %dma_wait3A_39 = tpu.memref_slice %arg8[%add3A_33, %dma_wait3A_38] : memref<100096x16xf32, #tpu.memory_space<hbm>> -> memref<256x16xf32, #tpu.memory_space<hbm>>
        tpu.wait_dma2 semaphore(%run_scoped3A : memref<!tpu.dma_semaphore, #tpu.memory_space<semaphore_mem>>) src(%arg13 : memref<256x16xf32, #tpu.memory_space<vmem>>) dst(%dma_wait3A_39 : memref<256x16xf32, #tpu.memory_space<hbm>>)
        tpu.yield
      }) : () -> ()
    } else {
    }
    return
  }
}

module attributes {stable_mosaic.version = 14 : i64} {
  func.func @_dinv_kernel(%arg0: memref<782x128xf32, #tpu.memory_space<vmem>>, %arg1: memref<782x128xf32, #tpu.memory_space<vmem>>, %arg2: memref<782x128xf32, #tpu.memory_space<vmem>>) attributes {dimension_semantics = [], scalar_prefetch = 0 : i64, scratch_operands = 0 : i64, tpu.core_type = #tpu.core_type<tc>} {
    %get3A = arith.constant 0 : index
    %get3A_0 = arith.constant 0 : index
    %get3A_1 = vector.load %arg0[%get3A, %get3A_0] : memref<782x128xf32, #tpu.memory_space<vmem>>, vector<782x128xf32>
    %get3A_2 = arith.constant 0 : index
    %get3A_3 = arith.constant 0 : index
    %get3A_4 = vector.load %arg1[%get3A_2, %get3A_3] : memref<782x128xf32, #tpu.memory_space<vmem>>, vector<782x128xf32>
    %add3A = arith.addf %get3A_1, %get3A_4 : vector<782x128xf32>
    %add3A_5 = arith.constant 1.000000e+00 : f32
    %add3A_6 = vector.broadcast %add3A_5 : f32 to vector<782x128xf32>
    %add3A_7 = arith.addf %add3A, %add3A_6 : vector<782x128xf32>
    %rsqrt3A = math.rsqrt %add3A_7 : vector<782x128xf32>
    %swap3A = arith.constant 0 : index
    %swap3A_8 = arith.constant 0 : index
    %swap3A_9 = vector.load %arg2[%swap3A, %swap3A_8] : memref<782x128xf32, #tpu.memory_space<vmem>>, vector<782x128xf32>
    tpu.vector_store %arg2[%swap3A, %swap3A_8], %rsqrt3A {strides = array<i32>} : memref<782x128xf32, #tpu.memory_space<vmem>>, vector<782x128xf32>,
    return
  }
}

module attributes {stable_mosaic.version = 14 : i64} {
  func.func @_scale_split_kernel(%arg0: i32, %arg1: memref<2000x768xf32, #tpu.memory_space<vmem>>, %arg2: memref<768x64xf32, #tpu.memory_space<vmem>>, %arg3: memref<2000x1xf32, #tpu.memory_space<vmem>>, %arg4: memref<2000x16xf32, #tpu.memory_space<vmem>>, %arg5: memref<2000x16xf32, #tpu.memory_space<vmem>>, %arg6: memref<2000x16xf32, #tpu.memory_space<vmem>>, %arg7: memref<2000x16xf32, #tpu.memory_space<vmem>>) attributes {dimension_semantics = [#tpu.dimension_semantics<arbitrary>], iteration_bounds = array<i64: 50>, scalar_prefetch = 0 : i64, scratch_operands = 0 : i64, tpu.core_type = #tpu.core_type<tc>, window_params = [{transform_indices = @transform_0, window_bounds = array<i64: 2000, 768>}, {pipeline_mode = #tpu.pipeline_mode<synchronous>, transform_indices = @transform_1, window_bounds = array<i64: 768, 64>}, {transform_indices = @transform_2, window_bounds = array<i64: 2000, 1>}, {transform_indices = @transform_3, window_bounds = array<i64: 2000, 16>}, {transform_indices = @transform_4, window_bounds = array<i64: 2000, 16>}, {transform_indices = @transform_5, window_bounds = array<i64: 2000, 16>}, {transform_indices = @transform_6, window_bounds = array<i64: 2000, 16>}]} {
    %get3A = arith.constant 0 : index
    %get3A_0 = arith.constant 0 : index
    %get3A_1 = vector.load %arg1[%get3A, %get3A_0] : memref<2000x768xf32, #tpu.memory_space<vmem>>, vector<2000x768xf32>
    %get3A_2 = arith.constant 0 : index
    %get3A_3 = arith.constant 0 : index
    %get3A_4 = vector.load %arg2[%get3A_2, %get3A_3] : memref<768x64xf32, #tpu.memory_space<vmem>>, vector<768x64xf32>
    %dot_general3A = arith.constant dense<0.000000e+00> : vector<2000x64xf32>
    %dot_general3A_5 = tpu.matmul %get3A_1, %get3A_4, %dot_general3A {dimension_numbers = #tpu.dot_dimension_numbers<[1], [0], [0], [1], [0, 0, 1, 1], [], []>, transpose_lhs_hint = false} : vector<2000x768xf32>, vector<768x64xf32>, vector<2000x64xf32> -> vector<2000x64xf32>
    %get3A_6 = arith.constant 0 : index
    %get3A_7 = arith.constant 0 : index
    %get3A_8 = vector.load %arg3[%get3A_6, %get3A_7] : memref<2000x1xf32, #tpu.memory_space<vmem>>, vector<2000x1xf32>
    %mul3A = vector.broadcast %get3A_8 : vector<2000x1xf32> to vector<2000x64xf32>
    %mul3A_9 = arith.mulf %dot_general3A_5, %mul3A : vector<2000x64xf32>
    %slice3A = vector.extract_strided_slice %mul3A_9 {offsets = [0, 0], sizes = [2000, 16], strides = [1, 1]} : vector<2000x64xf32> to vector<2000x16xf32>
    %swap3A = arith.constant 0 : index
    %swap3A_10 = arith.constant 0 : index
    %swap3A_11 = vector.load %arg4[%swap3A, %swap3A_10] : memref<2000x16xf32, #tpu.memory_space<vmem>>, vector<2000x16xf32>
    tpu.vector_store %arg4[%swap3A, %swap3A_10], %slice3A {strides = array<i32>} : memref<2000x16xf32, #tpu.memory_space<vmem>>, vector<2000x16xf32>,
    %slice3A_12 = vector.extract_strided_slice %mul3A_9 {offsets = [0, 16], sizes = [2000, 16], strides = [1, 1]} : vector<2000x64xf32> to vector<2000x16xf32>
    %swap3A_13 = arith.constant 0 : index
    %swap3A_14 = arith.constant 0 : index
    %swap3A_15 = vector.load %arg5[%swap3A_13, %swap3A_14] : memref<2000x16xf32, #tpu.memory_space<vmem>>, vector<2000x16xf32>
    tpu.vector_store %arg5[%swap3A_13, %swap3A_14], %slice3A_12 {strides = array<i32>} : memref<2000x16xf32, #tpu.memory_space<vmem>>, vector<2000x16xf32>,
    %slice3A_16 = vector.extract_strided_slice %mul3A_9 {offsets = [0, 32], sizes = [2000, 16], strides = [1, 1]} : vector<2000x64xf32> to vector<2000x16xf32>
    %swap3A_17 = arith.constant 0 : index
    %swap3A_18 = arith.constant 0 : index
    %swap3A_19 = vector.load %arg6[%swap3A_17, %swap3A_18] : memref<2000x16xf32, #tpu.memory_space<vmem>>, vector<2000x16xf32>
    tpu.vector_store %arg6[%swap3A_17, %swap3A_18], %slice3A_16 {strides = array<i32>} : memref<2000x16xf32, #tpu.memory_space<vmem>>, vector<2000x16xf32>,
    %slice3A_20 = vector.extract_strided_slice %mul3A_9 {offsets = [0, 48], sizes = [2000, 16], strides = [1, 1]} : vector<2000x64xf32> to vector<2000x16xf32>
    %swap3A_21 = arith.constant 0 : index
    %swap3A_22 = arith.constant 0 : index
    %swap3A_23 = vector.load %arg7[%swap3A_21, %swap3A_22] : memref<2000x16xf32, #tpu.memory_space<vmem>>, vector<2000x16xf32>
    tpu.vector_store %arg7[%swap3A_21, %swap3A_22], %slice3A_20 {strides = array<i32>} : memref<2000x16xf32, #tpu.memory_space<vmem>>, vector<2000x16xf32>,
    return
  }
  func.func @transform_0(%arg0: i32) -> (i32, i32) {
    %c0_i32 = arith.constant 0 : i32
    %c0_i32_0 = arith.constant 0 : i32
    return %arg0, %c0_i32 : i32, i32
  }
  func.func @transform_1(%arg0: i32) -> (i32, i32) {
    %c0_i32 = arith.constant 0 : i32
    %c0_i32_0 = arith.constant 0 : i32
    %c0_i32_1 = arith.constant 0 : i32
    return %c0_i32, %c0_i32_0 : i32, i32
  }
  func.func @transform_2(%arg0: i32) -> (i32, i32) {
    %c0_i32 = arith.constant 0 : i32
    %c0_i32_0 = arith.constant 0 : i32
    return %arg0, %c0_i32 : i32, i32
  }
  func.func @transform_3(%arg0: i32) -> (i32, i32) {
    %c0_i32 = arith.constant 0 : i32
    %c0_i32_0 = arith.constant 0 : i32
    return %arg0, %c0_i32 : i32, i32
  }
  func.func @transform_4(%arg0: i32) -> (i32, i32) {
    %c0_i32 = arith.constant 0 : i32
    %c0_i32_0 = arith.constant 0 : i32
    return %arg0, %c0_i32 : i32, i32
  }
  func.func @transform_5(%arg0: i32) -> (i32, i32) {
    %c0_i32 = arith.constant 0 : i32
    %c0_i32_0 = arith.constant 0 : i32
    return %arg0, %c0_i32 : i32, i32
  }
  func.func @transform_6(%arg0: i32) -> (i32, i32) {
    %c0_i32 = arith.constant 0 : i32
    %c0_i32_0 = arith.constant 0 : i32
    return %arg0, %c0_i32 : i32, i32
  }
}

module attributes {stable_mosaic.version = 14 : i64} {
  func.func @_mid_kernel(%arg0: i32, %arg1: memref<2000x16xf32, #tpu.memory_space<vmem>>, %arg2: memref<2000x16xf32, #tpu.memory_space<vmem>>, %arg3: memref<2000x16xf32, #tpu.memory_space<vmem>>, %arg4: memref<2000x16xf32, #tpu.memory_space<vmem>>, %arg5: memref<2000x1xf32, #tpu.memory_space<vmem>>, %arg6: memref<1x64xf32, #tpu.memory_space<vmem>>, %arg7: memref<64x16xf32, #tpu.memory_space<vmem>>, %arg8: memref<2000x16xf32, #tpu.memory_space<vmem>>) attributes {dimension_semantics = [#tpu.dimension_semantics<arbitrary>], iteration_bounds = array<i64: 50>, scalar_prefetch = 0 : i64, scratch_operands = 0 : i64, tpu.core_type = #tpu.core_type<tc>, window_params = [{transform_indices = @transform_0, window_bounds = array<i64: 2000, 16>}, {transform_indices = @transform_1, window_bounds = array<i64: 2000, 16>}, {transform_indices = @transform_2, window_bounds = array<i64: 2000, 16>}, {transform_indices = @transform_3, window_bounds = array<i64: 2000, 16>}, {transform_indices = @transform_4, window_bounds = array<i64: 2000, 1>}, {pipeline_mode = #tpu.pipeline_mode<synchronous>, transform_indices = @transform_5, window_bounds = array<i64: 1, 64>}, {pipeline_mode = #tpu.pipeline_mode<synchronous>, transform_indices = @transform_6, window_bounds = array<i64: 64, 16>}, {transform_indices = @transform_7, window_bounds = array<i64: 2000, 16>}]} {
    %get3A = arith.constant 0 : index
    %get3A_0 = arith.constant 0 : index
    %get3A_1 = vector.load %arg1[%get3A, %get3A_0] : memref<2000x16xf32, #tpu.memory_space<vmem>>, vector<2000x16xf32>
    %get3A_2 = arith.constant 0 : index
    %get3A_3 = arith.constant 0 : index
    %get3A_4 = vector.load %arg2[%get3A_2, %get3A_3] : memref<2000x16xf32, #tpu.memory_space<vmem>>, vector<2000x16xf32>
    %get3A_5 = arith.constant 0 : index
    %get3A_6 = arith.constant 0 : index
    %get3A_7 = vector.load %arg3[%get3A_5, %get3A_6] : memref<2000x16xf32, #tpu.memory_space<vmem>>, vector<2000x16xf32>
    %get3A_8 = arith.constant 0 : index
    %get3A_9 = arith.constant 0 : index
    %get3A_10 = vector.load %arg4[%get3A_8, %get3A_9] : memref<2000x16xf32, #tpu.memory_space<vmem>>, vector<2000x16xf32>
    %concatenate3A = tpu.concatenate %get3A_1, %get3A_4, %get3A_7, %get3A_10 in 1 : vector<2000x16xf32>, vector<2000x16xf32>, vector<2000x16xf32>, vector<2000x16xf32> -> vector<2000x64xf32>
    %get3A_11 = arith.constant 0 : index
    %get3A_12 = arith.constant 0 : index
    %get3A_13 = vector.load %arg5[%get3A_11, %get3A_12] : memref<2000x1xf32, #tpu.memory_space<vmem>>, vector<2000x1xf32>
    %mul3A = vector.broadcast %get3A_13 : vector<2000x1xf32> to vector<2000x64xf32>
    %mul3A_14 = arith.mulf %concatenate3A, %mul3A : vector<2000x64xf32>
    %get3A_15 = arith.constant 0 : index
    %get3A_16 = arith.constant 0 : index
    %get3A_17 = vector.load %arg6[%get3A_15, %get3A_16] : memref<1x64xf32, #tpu.memory_space<vmem>>, vector<1x64xf32>
    %add3A = vector.broadcast %get3A_17 : vector<1x64xf32> to vector<2000x64xf32>
    %add3A_18 = arith.addf %mul3A_14, %add3A : vector<2000x64xf32>
    %max3A = arith.constant 0.000000e+00 : f32
    %max3A_19 = vector.broadcast %max3A : f32 to vector<2000x64xf32>
    %max3A_20 = arith.maximumf %add3A_18, %max3A_19 : vector<2000x64xf32>
    %get3A_21 = arith.constant 0 : index
    %get3A_22 = arith.constant 0 : index
    %get3A_23 = vector.load %arg7[%get3A_21, %get3A_22] : memref<64x16xf32, #tpu.memory_space<vmem>>, vector<64x16xf32>
    %dot_general3A = arith.constant dense<0.000000e+00> : vector<2000x16xf32>
    %dot_general3A_24 = tpu.matmul %max3A_20, %get3A_23, %dot_general3A {dimension_numbers = #tpu.dot_dimension_numbers<[1], [0], [0], [1], [0, 0, 1, 1], [], []>, transpose_lhs_hint = false} : vector<2000x64xf32>, vector<64x16xf32>, vector<2000x16xf32> -> vector<2000x16xf32>
    %get3A_25 = arith.constant 0 : index
    %get3A_26 = arith.constant 0 : index
    %get3A_27 = vector.load %arg5[%get3A_25, %get3A_26] : memref<2000x1xf32, #tpu.memory_space<vmem>>, vector<2000x1xf32>
    %mul3A_28 = vector.broadcast %get3A_27 : vector<2000x1xf32> to vector<2000x16xf32>
    %mul3A_29 = arith.mulf %dot_general3A_24, %mul3A_28 : vector<2000x16xf32>
    %swap3A = arith.constant 0 : index
    %swap3A_30 = arith.constant 0 : index
    %swap3A_31 = vector.load %arg8[%swap3A, %swap3A_30] : memref<2000x16xf32, #tpu.memory_space<vmem>>, vector<2000x16xf32>
    tpu.vector_store %arg8[%swap3A, %swap3A_30], %mul3A_29 {strides = array<i32>} : memref<2000x16xf32, #tpu.memory_space<vmem>>, vector<2000x16xf32>,
    return
  }
  func.func @transform_0(%arg0: i32) -> (i32, i32) {
    %c0_i32 = arith.constant 0 : i32
    %c0_i32_0 = arith.constant 0 : i32
    return %arg0, %c0_i32 : i32, i32
  }
  func.func @transform_1(%arg0: i32) -> (i32, i32) {
    %c0_i32 = arith.constant 0 : i32
    %c0_i32_0 = arith.constant 0 : i32
    return %arg0, %c0_i32 : i32, i32
  }
  func.func @transform_2(%arg0: i32) -> (i32, i32) {
    %c0_i32 = arith.constant 0 : i32
    %c0_i32_0 = arith.constant 0 : i32
    return %arg0, %c0_i32 : i32, i32
  }
  func.func @transform_3(%arg0: i32) -> (i32, i32) {
    %c0_i32 = arith.constant 0 : i32
    %c0_i32_0 = arith.constant 0 : i32
    return %arg0, %c0_i32 : i32, i32
  }
  func.func @transform_4(%arg0: i32) -> (i32, i32) {
    %c0_i32 = arith.constant 0 : i32
    %c0_i32_0 = arith.constant 0 : i32
    return %arg0, %c0_i32 : i32, i32
  }
  func.func @transform_5(%arg0: i32) -> (i32, i32) {
    %c0_i32 = arith.constant 0 : i32
    %c0_i32_0 = arith.constant 0 : i32
    %c0_i32_1 = arith.constant 0 : i32
    return %c0_i32, %c0_i32_0 : i32, i32
  }
  func.func @transform_6(%arg0: i32) -> (i32, i32) {
    %c0_i32 = arith.constant 0 : i32
    %c0_i32_0 = arith.constant 0 : i32
    %c0_i32_1 = arith.constant 0 : i32
    return %c0_i32, %c0_i32_0 : i32, i32
  }
  func.func @transform_7(%arg0: i32) -> (i32, i32) {
    %c0_i32 = arith.constant 0 : i32
    %c0_i32_0 = arith.constant 0 : i32
    return %arg0, %c0_i32 : i32, i32
  }
}

module attributes {stable_mosaic.version = 14 : i64} {
  func.func @_final_kernel(%arg0: i32, %arg1: memref<2000x16xf32, #tpu.memory_space<vmem>>, %arg2: memref<2000x16xf32, #tpu.memory_space<vmem>>, %arg3: memref<2000x1xf32, #tpu.memory_space<vmem>>, %arg4: memref<1x2xf32, #tpu.memory_space<vmem>>, %arg5: memref<2000x2xf32, #tpu.memory_space<vmem>>) attributes {dimension_semantics = [#tpu.dimension_semantics<arbitrary>], iteration_bounds = array<i64: 50>, scalar_prefetch = 0 : i64, scratch_operands = 0 : i64, tpu.core_type = #tpu.core_type<tc>, window_params = [{transform_indices = @transform_0, window_bounds = array<i64: 2000, 16>}, {transform_indices = @transform_1, window_bounds = array<i64: 2000, 16>}, {transform_indices = @transform_2, window_bounds = array<i64: 2000, 1>}, {pipeline_mode = #tpu.pipeline_mode<synchronous>, transform_indices = @transform_3, window_bounds = array<i64: 1, 2>}, {transform_indices = @transform_4, window_bounds = array<i64: 2000, 2>}]} {
    %get3A = arith.constant 0 : index
    %get3A_0 = arith.constant 0 : index
    %get3A_1 = vector.load %arg1[%get3A, %get3A_0] : memref<2000x16xf32, #tpu.memory_space<vmem>>, vector<2000x16xf32>
    %get3A_2 = arith.constant 0 : index
    %get3A_3 = arith.constant 0 : index
    %get3A_4 = vector.load %arg2[%get3A_2, %get3A_3] : memref<2000x16xf32, #tpu.memory_space<vmem>>, vector<2000x16xf32>
    %add3A = arith.addf %get3A_1, %get3A_4 : vector<2000x16xf32>
    %get3A_5 = arith.constant 0 : index
    %get3A_6 = arith.constant 0 : index
    %get3A_7 = vector.load %arg3[%get3A_5, %get3A_6] : memref<2000x1xf32, #tpu.memory_space<vmem>>, vector<2000x1xf32>
    %mul3A = vector.broadcast %get3A_7 : vector<2000x1xf32> to vector<2000x16xf32>
    %mul3A_8 = arith.mulf %add3A, %mul3A : vector<2000x16xf32>
    %slice3A = vector.extract_strided_slice %mul3A_8 {offsets = [0, 0], sizes = [2000, 2], strides = [1, 1]} : vector<2000x16xf32> to vector<2000x2xf32>
    %get3A_9 = arith.constant 0 : index
    %get3A_10 = arith.constant 0 : index
    %get3A_11 = vector.load %arg4[%get3A_9, %get3A_10] : memref<1x2xf32, #tpu.memory_space<vmem>>, vector<1x2xf32>
    %add3A_12 = vector.broadcast %get3A_11 : vector<1x2xf32> to vector<2000x2xf32>
    %add3A_13 = arith.addf %slice3A, %add3A_12 : vector<2000x2xf32>
    %logistic3A = arith.negf %add3A_13 : vector<2000x2xf32>
    %logistic3A_14 = math.exp %logistic3A : vector<2000x2xf32>
    %logistic3A_15 = arith.constant 1.000000e+00 : f32
    %logistic3A_16 = vector.broadcast %logistic3A_15 : f32 to vector<2000x2xf32>
    %logistic3A_17 = arith.addf %logistic3A_16, %logistic3A_14 : vector<2000x2xf32>
    %logistic3A_18 = arith.divf %logistic3A_16, %logistic3A_17 : vector<2000x2xf32>
    %swap3A = arith.constant 0 : index
    %swap3A_19 = arith.constant 0 : index
    %swap3A_20 = vector.load %arg5[%swap3A, %swap3A_19] : memref<2000x2xf32, #tpu.memory_space<vmem>>, vector<2000x2xf32>
    tpu.vector_store %arg5[%swap3A, %swap3A_19], %logistic3A_18 {strides = array<i32>} : memref<2000x2xf32, #tpu.memory_space<vmem>>, vector<2000x2xf32>,
    return
  }
  func.func @transform_0(%arg0: i32) -> (i32, i32) {
    %c0_i32 = arith.constant 0 : i32
    %c0_i32_0 = arith.constant 0 : i32
    return %arg0, %c0_i32 : i32, i32
  }
  func.func @transform_1(%arg0: i32) -> (i32, i32) {
    %c0_i32 = arith.constant 0 : i32
    %c0_i32_0 = arith.constant 0 : i32
    return %arg0, %c0_i32 : i32, i32
  }
  func.func @transform_2(%arg0: i32) -> (i32, i32) {
    %c0_i32 = arith.constant 0 : i32
    %c0_i32_0 = arith.constant 0 : i32
    return %arg0, %c0_i32 : i32, i32
  }
  func.func @transform_3(%arg0: i32) -> (i32, i32) {
    %c0_i32 = arith.constant 0 : i32
    %c0_i32_0 = arith.constant 0 : i32
    %c0_i32_1 = arith.constant 0 : i32
    return %c0_i32, %c0_i32_0 : i32, i32
  }
  func.func @transform_4(%arg0: i32) -> (i32, i32) {
    %c0_i32 = arith.constant 0 : i32
    %c0_i32_0 = arith.constant 0 : i32
    return %arg0, %c0_i32 : i32, i32
  }
}

</mosaic_0001>

<sc_bundles>
// kernel: kernel.10.cloned.1.call-start
scs
__scs_entry_jumppad:
0x0: {  	(pc) =	sbr.rel $0x88, $3  }
0x1: {  	(tag) =	ssettag $0x0;
	lr =	simm.s32 $0x1  }
0x2: {  	[smem:$0x3F9B] =	sst lr;
	_ =	strace $0xD0000000  }
0x3: {  	_ = 	snop  }
0x4: {  	_ = 	snop  }
0x5: {  	_ = 	snop  }
0x6: {  	_ = 	snop  }
0x7: {  	_ = 	snop  }
__scs_overlays_trampoline_lowered:
0x8: {  	[smem:$0x3FAA] =	sst s0  }
0x9: {  	[smem:$0x3FAB] =	sst s1  }
0xa: {  	[smem:$0x3FAC] =	sst s2  }
0xb: {  	[smem:$0x3FAD] =	sst s3  }
0xc: {  	[smem:$0x3FAE] =	sst s4  }
0xd: {  	[smem:$0x3FAF] =	sst s5  }
0xe: {  	[smem:$0x3FB0] =	sst s6  }
0xf: {  	[smem:$0x3FB1] =	sst s7  }
0x10: {  	[smem:$0x3FB2] =	sst s8  }
0x11: {  	[smem:$0x3FB3] =	sst s9;
	s0 =	simm.s32 @!p0 $0x0  }
0x12: {  	s1 =	sld [smem:$0x3F99];
	s0 =	simm.s32 @p0 $0x1  }
0x13: {  	[smem:$0x3FB4] =	sst s0;
	s0 =	simm.s32 @!p1 $0x0  }
0x14: {  	s2 =	sld [smem:$0x3F98];
	s0 =	simm.s32 @p1 $0x1  }
0x15: {  	[smem:$0x3FB5] =	sst s0;
	s0 =	simm.s32 @!p2 $0x0  }
0x16: {  	s3 =	sld [smem:$0x3FDB];
	s0 =	simm.s32 @p2 $0x1  }
0x17: {  	s4 =	simm.s32 $0x1BF5;
	[smem:$0x3FB7] =	sst s0  }
0x18: {  	s0 =	sld [smem:$0x3F9A];
	_ =	swait.ge [sflag:s4], $0x0  }
0x19: {  	s7 =	sld [smem:$0x3F9B]  }
0x1a: {  	s8 =	sadd.s32 $0xFFFFE003, lr  }
0x1b: {  	s9 =	sadd.s32 $0xFFFFFEF7, lr;
	s5 =	simm.s32 $0xFFFFFFFF;
	p2 =	slt.u32 s8, $0xFFFFF086  }
0x1c: {  	p1 =	slt.u32 s9, $0xF7A;
	s5 =	simm.s32 @!p2 $0x0  }
0x1d: {  	s5 =	simm.s32 @p1 $0x1;
	p0 =	seq.s32 s7, s2  }
0x1e: {  	s7 =	smul.u32 @!p0 $0xF7A, s2;
	p2 =	seq.s32 @!p0 s5, $0x0  }
0x1f: {  	s9 =	smul.u32 $0xF7A, s1;
	s8 =	simm.s32 @!p0 $0x1BF5;
	p2 =	por !p2, p0  }
0x20: {  	[sflag:s8] =	ssyncset.s32 @!p0 $0xFFFFF086;
	s6 =	sadd.s32 @!p0 s3, s7;
	s7 =	simm.s32 @!p0 $0x108  }
0x21: {  	s3 =	sadd.s32 s3, s9;
	s6 =	sadd.s32 @!p0 $0x88, s6;
	s7 =	simm.s32 @p2 $0x1082  }
0x22: {  	[simem:s7], [sflag:s8] =	dma.local @!p0 [hbm:s6], $0xF7A  }
0x23: {  	s9 =	sor.u32 $0xD0000000, s2;
	s6 =	simm.s32 $0x108;
	_ =	swait.ge @!p0 [sflag:s8], $0x0  }
0x24: {  	s3 =	sadd.s32 $0x88, s3;
	s6 =	simm.s32 @!p1 $0x1082;
	[sflag:s4] =	ssyncset.s32 $0xFFFFF086  }
0x25: {  	[simem:s6], [sflag:s4] =	dma.local [hbm:s3], $0xF7A  }
0x26: {  	[smem:$0x3F9B] =	sst s1;
	(tag) =	ssettag s2;
	_ =	strace s9  }
0x27: {  	s1 =	sld [smem:$0x3FAB]  }
0x28: {  	s2 =	sld [smem:$0x3FAC]  }
0x29: {  	s4 =	sld [smem:$0x3FAE]  }
0x2a: {  	p0 =	seq.s32 s5, $0x0;
	s5 =	sld [smem:$0x3FAF]  }
0x2b: {  	s6 =	sld [smem:$0x3FB0]  }
0x2c: {  	s7 =	sld [smem:$0x3FB1]  }
0x2d: {  	s3 =	simm.s32 $0x108;
	s8 =	sld [smem:$0x3FB2]  }
0x2e: {  	s3 =	simm.s32 @!p0 $0x1082;
	s9 =	sld [smem:$0x3FB3]  }
0x2f: {  	lr =	sadd.s32 s0, s3;
	s0 =	sld [smem:$0x3FAA]  }
0x30: {  	s3 =	sld [smem:$0x3FAD]  }
0x31: {  	[smem:$0x3FB6] =	sst s10  }
0x32: {  	s10 =	sld [smem:$0x3FB4];
	_ =	sdelay $0x3  }
0x33: {  	p0 =	seq.s32 s10, $0x1;
	s10 =	sld [smem:$0x3FB6];
	_ =	sdelay $0x3  }
0x34: {  	[smem:$0x3FB6] =	sst s10  }
0x35: {  	s10 =	sld [smem:$0x3FB5];
	_ =	sdelay $0x3  }
0x36: {  	p1 =	seq.s32 s10, $0x1;
	s10 =	sld [smem:$0x3FB6];
	_ =	sdelay $0x3  }
0x37: {  	[smem:$0x3FB6] =	sst s10  }
0x38: {  	s10 =	sld [smem:$0x3FB7]  }
0x39: {  	_ = 	snop;
	(pc) =	sbr.ind lr, $3  }
0x3a: {  	_ = 	snop  }
0x3b: {  	_ = 	snop  }
0x3c: {  	p2 =	seq.s32 s10, $0x1;
	s10 =	sld [smem:$0x3FB6]  }
0x3d: {  	_ =	shalt  }
0x3e: {  	_ =	shalt  }
0x3f: {  	_ =	shalt  }
0x40: {  	_ =	shalt  }
0x41: {  	_ =	shalt  }
0x42: {  	_ =	shalt  }
0x43: {  	_ =	shalt  }
0x44: {  	_ =	shalt  }
0x45: {  	_ =	shalt  }
0x46: {  	_ =	shalt  }
0x47: {  	_ =	shalt  }
0x48: {  	_ =	shalt  }
0x49: {  	_ =	shalt  }
0x4a: {  	_ =	shalt  }
0x4b: {  	_ =	shalt  }
0x4c: {  	_ =	shalt  }
0x4d: {  	_ =	shalt  }
0x4e: {  	_ =	shalt  }
0x4f: {  	_ =	shalt  }
0x50: {  	_ =	shalt  }
0x51: {  	_ =	shalt  }
0x52: {  	_ =	shalt  }
0x53: {  	_ =	shalt  }
0x54: {  	_ =	shalt  }
0x55: {  	_ =	shalt  }
0x56: {  	_ =	shalt  }
0x57: {  	_ =	shalt  }
0x58: {  	_ =	shalt  }
0x59: {  	_ =	shalt  }
0x5a: {  	_ =	shalt  }
0x5b: {  	_ =	shalt  }
0x5c: {  	_ =	shalt  }
0x5d: {  	_ =	shalt  }
0x5e: {  	_ =	shalt  }
0x5f: {  	_ =	shalt  }
0x60: {  	_ =	shalt  }
0x61: {  	_ =	shalt  }
0x62: {  	_ =	shalt  }
0x63: {  	_ =	shalt  }
0x64: {  	_ =	shalt  }
0x65: {  	_ =	shalt  }
0x66: {  	_ =	shalt  }
0x67: {  	_ =	shalt  }
0x68: {  	_ =	shalt  }
0x69: {  	_ =	shalt  }
0x6a: {  	_ =	shalt  }
0x6b: {  	_ =	shalt  }
0x6c: {  	_ =	shalt  }
0x6d: {  	_ =	shalt  }
0x6e: {  	_ =	shalt  }
0x6f: {  	_ =	shalt  }
0x70: {  	_ =	shalt  }
0x71: {  	_ =	shalt  }
0x72: {  	_ =	shalt  }
0x73: {  	_ =	shalt  }
0x74: {  	_ =	shalt  }
0x75: {  	_ =	shalt  }
0x76: {  	_ =	shalt  }
0x77: {  	_ =	shalt  }
0x78: {  	_ =	shalt  }
0x79: {  	_ =	shalt  }
0x7a: {  	_ =	shalt  }
0x7b: {  	_ =	shalt  }
0x7c: {  	_ =	shalt  }
0x7d: {  	_ =	shalt  }
0x7e: {  	_ =	shalt  }
0x7f: {  	_ =	shalt  }
0x80: {  	_ =	shalt  }
0x81: {  	_ =	shalt  }
0x82: {  	_ =	shalt  }
0x83: {  	_ =	shalt  }
0x84: {  	_ =	shalt  }
0x85: {  	_ =	shalt  }
0x86: {  	_ =	shalt  }
0x87: {  	_ =	shalt  }
.Lfunc_end0:
.L_simem_size_0:
called_computation_lowered:
.L_overlay_start_0:
0x88: {  	s2 =	sld [smem:$0x3FD9]  }
0x89: {  	s3 =	sld [smem:$0x3FFE];
	_ =	sdelay $0x1  }
0x8a: {  	s1 =	srdreg.scid  }
0x8b: {  	s0 =	sand.u32 $0x1, s1  }
0x8c: {  	s17 =	sshll.u32 s0, $0xA;
	s2 =	sadd.s32 s3, s2  }
0x8d: {  	s2 =	sadd.s32 s2, s17  }
0x8e: {  	[smem:$0x3FC2] =	sst s2  }
0x8f: {  	_ = 	snop  }
0x90: {  	s2 =	sld [smem:$0x3FD0];
	(tm) =	ssettm $0x1  }
0x91: {  	s18 =	sld [smem:$0x3FFB];
	_ =	sdelay $0x3  }
0x92: {  	_ =	strace s18  }
0x93: {  	s3 =	sld [smem:$0x3FFC];
	_ =	sdelay $0x3  }
0x94: {  	_ =	strace s3  }
0x95: {  	s3 =	sld [smem:$0x3FFD];
	_ =	sdelay $0x3  }
0x96: {  	_ =	strace s3  }
0x97: {  	_ =	strace $0x8FFFFFFF  }
0x98: {  	s19 =	sld [smem:$0x3FDB];
	_ =	sdelay $0x1  }
0x99: {  	s4 =	simm.s32 $_scs_section_size  }
0x9a: {  	s5 =	simm.s32 $_size__tile_overlayer_lowered;
	s6 =	simm.s32 $_tile_overlayer_lowered  }
0x9b: {  	s22 =	simm.s32 $0x1BFF;
	s21 =	sshll.u32 s6, $0x1;
	s3 =	sadd.s32 s4, s19  }
0x9c: {  	s7 =	simm.s32 $0x0;
	s20 =	sshll.u32 s5, $0x1;
	s5 =	sadd.s32 s21, s3  }
0x9d: {  	[timem:s7], [sflag:s22] =	dma.local [hbm:s5], s20  }
0x9e: {  	_ =	swait.ge [sflag:s22], s20  }
0x9f: {  	s4 =	ssub.s32 $0x0, s20;
	[sflag:s22] =	ssyncset.done $0x0  }
0xa0: {  	[sflag:s22] =	ssyncadd.s32 s4;
	_ =	sdelay $0x1  }
0xa1: {  	s23 =	simm.s32 $0x1B8B  }
0xa2: {  	_ =	swait.ge [sflag:s23], $0x1  }
0xa3: {  	[sflag:s23] =	ssyncset.done $0x0  }
0xa4: {  	s25 =	simm.s32 $0x1B8E;
	s24 =	sld [smem:$0x3FFE];
	[sflag:s23] =	ssyncadd.s32 $0xFFFFFFFF  }
0xa5: {  	s26 =	simm.s32 $execute0_lowered;
	[smem:$0x3FD2] =	sst s25  }
0xa6: {  	s5 =	sshll.u32 s26, $0x1;
	_ =	strace $0x80000046;
	[dreg:$0x1] =	wrdreg $0xFFFFFFFF  }
0xa7: {  	s28 =	simm.s32 $_size_execute0_lowered;
	s3 =	sadd.s32 s3, s5;
	[dreg:$0x0] =	wrdreg $0x0  }
0xa8: {  	s5 =	sshll.u32 s28, $0x1;
	[dreg:$0x2] =	wrdreg s3  }
0xa9: {  	[dreg:$0x3] =	wrdreg s5  }
0xaa: {  	[dreg:$0x4] =	wrdreg $0xC0  }
0xab: {  	_ =	task [dreg:s7], $0x5FFFF  }
0xac: {  	[dreg:$0x1] =	wrdreg $0xFFFFFFFF  }
0xad: {  	[dreg:$0x0] =	wrdreg $0x60  }
0xae: {  	[dreg:$0x2] =	wrdreg s24  }
0xaf: {  	[dreg:$0x3] =	wrdreg s2  }
0xb0: {  	[dreg:$0x4] =	wrdreg $0x0  }
0xb1: {  	[dreg:$0x5] =	wrdreg $0x9  }
0xb2: {  	_ =	task.clear_ibuf [dreg:s7], $0x6FFFF;
	_ =	strace $0x90000046  }
0xb3: {  	s29 =	simm.s32 $0x9;
	_ =	strace $0x80000048  }
0xb4: {  	_ =	swait.ge [sflag:s29], $0x1  }
0xb5: {  	[sflag:s29] =	ssyncadd.s32 $0xFFFFFFFF  }
0xb6: {  	_ =	strace $0x90000048  }
0xb7: {  	_ =	sfence  }
0xb8: {  	s30 =	sld [smem:$0x0];
	_ =	sdelay $0x2  }
0xb9: {  	s31 =	sshll.u32 s1, $0xD;
	s1 =	sshrl.u32 s1, $0x2  }
0xba: {  	s3 =	sand.u32 $0x4000, s31;
	s1 =	sadd.s32 s1, s30  }
0xbb: {  	s0 =	sor.u32 s3, s0;
	s1 =	sshll.u32 s1, $0x11  }
0xbc: {  	s0 =	sor.u32 s1, s0  }
0xbd: {  	s0 =	sadd.s32 $0x8F2B, s0  }
0xbe: {  	[sflag:s0] =	ssyncadd.remote.s32 $0x1  }
0xbf: {  	_ =	sfence.sel $0xFFFF  }
0xc0: {  	[dreg:$0x0] =	wrdreg $0xFFFFFFFF;
	(pc) =	sbr.abs _section_cstart, $3  }
0xc1: {  	[dreg:$0x1] =	wrdreg $0xFFFFFFFF  }
0xc2: {  	_ =	task.clear_ibuf [dreg:s7], $0x2FFFF;
	_ =	strace $0x9FFFFFFF  }
0xc3: {  	(tm) =	ssettm $0x7FFFFFFF  }
tec
execute0_lowered:
.L_overlay_start_1:
0x0: {  	(tag) =	ssettag $0x1  }
0x1: {  	s6 =	rddreg [dreg:$0x0]  }
0x2: {  	s16 =	rddreg [dreg:$0x1]  }
0x3: {  	s2 =	rddreg [dreg:$0x2]  }
0x4: {  	s0 =	srdreg.scid;
	s1 =	rddreg [dreg:$0x3]  }
0x5: {  	s3 =	simm.s32 $0x0;
	s21 =	simm.s32 $0x2FE0;
	s22 =	simm.s32 $0x1870  }
0x6: {  	s23 =	simm.s32 $0x7D0;
	s8 =	sand.u32 $0x1, s0;
	s0 =	stileid.u32  }
0x7: {  	s24 =	simm.s32 $0x0;
	[smem:$0x7FF] =	sst s3;
	s4 =	smul.u32 $0xC3500, s8  }
0x8: {  	s12 =	sadd.s32 $0x64C00, s6;
	s5 =	smul.u32 $0xC350, s0;
	_ =	strace $0x80000047  }
0x9: {  	s7 =	ssub.s32 $0x2, s8;
	s11 =	smul.u32 $0x1870, s0;
	p0 =	seq.s32 s8, $0x1  }
0xa: {  	s9 =	sshrl.u32 s7, $0x1;
	s16 =	smov.u32 @p0 s12;
	s4 =	sadd.s32 s5, s4  }
0xb: {  	s5 =	sadd.s32 $0x64800, s6;
	s9 =	ssub.s32 s7, s9;
	s10 =	sadd.s32 $0x1770, s11  }
0xc: {  	s13 =	sshrl.u32 s11, $0x3;
	s14 =	sadd.s32 $0x7D0, s11;
	s19 =	sadd.s32 $0xFA0, s11  }
0xd: {  	s4 =	sshrl.u32 s4, $0x3;
	s7 =	sadd.s32 s10, s2;
	s18 =	sshrl.u32 s10, $0x3  }
0xe: {  	s8 =	smax.u32 s9, $0x1;
	s15 =	sshrl.u32 s14, $0x3;
	s20 =	sshrl.u32 s19, $0x3  }
0xf: {  	s12 =	sadd.s32 s14, s2;
	s14 =	sadd.s32 s19, s2;
	s19 =	simm.s32 $0x1  }
0x10: {  	s17 =	sadd.s32 s4, s6;
	s4 =	sadd.s32 $0x64A00, s6;
	s6 =	sadd.s32 s11, s2  }
0x11: {  	s11 =	sadd.s32 s16, s13;
	s13 =	sadd.s32 s16, s15;
	s15 =	sadd.s32 s16, s20  }
0x12: {  	s16 =	sadd.s32 s16, s18;
	s18 =	simm.s32 $0x2040;
	s20 =	simm.s32 $0x2810  }
0x13: {  	s9 =	sadd.s32 $0x7D0, s6;
	s10 =	sadd.s32 $0xFA0, s6;
	s17 =	sadd.s32 $0x33A00, s17  }
.LBB2_1:
0x14: {  	[tilespmem:s18], [sflag:$0x1] =	stream.linear.gather [hbm4b:s4+s3], $0x7D0, $0x38;
	[tilespmem:$0x30E0] =	vst v63  }
0x15: {  	_ =	swait.ge [sflag:s19], $0x7D0  }
0x16: {  	[sflag:s19] =	ssyncset.done $0x0  }
0x17: {  	[sflag:s19] =	ssyncadd.s32 $0xFFFFF830  }
0x18: {  	[tilespmem:s20], [sflag:$0x1] =	stream.linear.gather [hbm4b:s5+s3], $0x7D0, $0x38;
	[tilespmem:$0x30E0] =	vst v63  }
0x19: {  	_ =	swait.ge [sflag:s19], $0x7D0  }
0x1a: {  	[sflag:s19] =	ssyncset.done $0x0  }
0x1b: {  	[sflag:s19] =	ssyncadd.s32 $0xFFFFF830  }
0x1c: {  	[spmem:s6] =	stream.linear.scatter [tilespmem:s20], [sflag:$0x1], $0x7D0, $0x38;
	[tilespmem:$0x30E0] =	vst v63  }
0x1d: {  	_ =	swait.ge [sflag:s19], $0x7D0  }
0x1e: {  	[sflag:s19] =	ssyncset.done $0x0  }
0x1f: {  	[sflag:s19] =	ssyncadd.s32 $0xFFFFF830  }
0x20: {  	[tilespmem:s20], [sflag:$0x1] =	stream.linear.gather [hbm4b:s5+s3], $0x7D0, $0x38;
	[tilespmem:$0x30E0] =	vst v63  }
0x21: {  	_ =	swait.ge [sflag:s19], $0x7D0  }
0x22: {  	[sflag:s19] =	ssyncset.done $0x0  }
0x23: {  	[sflag:s19] =	ssyncadd.s32 $0xFFFFF830  }
0x24: {  	[spmem:s9] =	stream.linear.scatter [tilespmem:s20], [sflag:$0x1], $0x7D0, $0x38;
	[tilespmem:$0x30E0] =	vst v63  }
0x25: {  	_ =	swait.ge [sflag:s19], $0x7D0  }
0x26: {  	[sflag:s19] =	ssyncset.done $0x0  }
0x27: {  	[sflag:s19] =	ssyncadd.s32 $0xFFFFF830  }
0x28: {  	[tilespmem:s20], [sflag:$0x1] =	stream.linear.gather [hbm4b:s5+s3], $0x7D0, $0x38;
	[tilespmem:$0x30E0] =	vst v63  }
0x29: {  	_ =	swait.ge [sflag:s19], $0x7D0  }
0x2a: {  	[sflag:s19] =	ssyncset.done $0x0  }
0x2b: {  	[sflag:s19] =	ssyncadd.s32 $0xFFFFF830  }
0x2c: {  	[spmem:s10] =	stream.linear.scatter [tilespmem:s20], [sflag:$0x1], $0x7D0, $0x38;
	[tilespmem:$0x30E0] =	vst v63  }
0x2d: {  	_ =	swait.ge [sflag:s19], $0x7D0  }
0x2e: {  	[sflag:s19] =	ssyncset.done $0x0  }
0x2f: {  	[sflag:s19] =	ssyncadd.s32 $0xFFFFF830  }
0x30: {  	[tilespmem:s21], [sflag:$0x1] =	stream.linear.gather [hbm4b:s5+s3], $0x100, $0x38;
	[tilespmem:$0x30E0] =	vst v63  }
0x31: {  	_ =	swait.ge [sflag:s19], $0x100  }
0x32: {  	[sflag:s19] =	ssyncset.done $0x0  }
0x33: {  	[sflag:s19] =	ssyncadd.s32 $0xFFFFFF00  }
0x34: {  	[spmem:s7] =	stream.linear.scatter [tilespmem:s21], [sflag:$0x1], $0x100, $0x38;
	[tilespmem:$0x30E0] =	vst v63  }
0x35: {  	_ =	swait.ge [sflag:s19], $0x100  }
0x36: {  	[sflag:s19] =	ssyncset.done $0x0  }
0x37: {  	[sflag:s19] =	ssyncadd.s32 $0xFFFFFF00  }
0x38: {  	s25 =	sadd.s32 $0x0, s17;
	[bflag:$0x0] =	sbarrier.arrive $0xFFFF  }
0x39: {  	[tilespmem:s22], [sflag:$0x1] =	stream.linear.gather [hbm4b:s25+s3], $0x7D0, $0x38;
	[tilespmem:$0x30E0] =	vst v63  }
0x3a: {  	_ =	swait.ge [sflag:s19], $0x7D0  }
0x3b: {  	[sflag:s19] =	ssyncset.done $0x0  }
0x3c: {  	[sflag:s19] =	ssyncadd.s32 $0xFFFFF830  }
0x3d: {  	[spmem:s2] =	stream.indirect.scatter.add.f32 [tilespmem:s18], [sflag:$0x1], $0x1, s22, s23, $0xb8;
	[tilespmem:$0x30E0] =	vst v63  }
0x3e: {  	_ =	swait.ge [sflag:s19], $0x7D0  }
0x3f: {  	s26 =	simm.s32 $0x1F4;
	s25 =	simm.s32 $0xFA;
	[sflag:s19] =	ssyncset.done $0x0  }
.LBB2_2:
0x40: {  	s28 =	sadd.s32 s25, s17  }
0x41: {  	[sflag:s19] =	ssyncadd.s32 $0xFFFFF830;
	s25 =	smov.u32 s26;
	s29 =	sadd.s32 $0xFA, s26  }
0x42: {  	[tilespmem:s22], [sflag:$0x1] =	stream.linear.gather [hbm4b:s28+s3], $0x7D0, $0x38;
	[tilespmem:$0x30E0] =	vst v63  }
0x43: {  	p0 =	sne.s32 s26, $0x1770;
	_ =	swait.ge [sflag:s19], $0x7D0  }
.Ltmp0:
0x44: {  	[sflag:s19] =	ssyncset.done $0x0;
	(pc) =	sbr.rel @p0 .LBB2_2-.Ltmp0, $4  }
0x45: {  	[sflag:s19] =	ssyncadd.s32 $0xFFFFF830  }
0x46: {  	[spmem:s2] =	stream.indirect.scatter.add.f32 [tilespmem:s18], [sflag:$0x1], $0x1, s22, s23, $0xb8;
	[tilespmem:$0x30E0] =	vst v63  }
0x47: {  	_ =	swait.ge [sflag:s19], $0x7D0  }
0x48: {  	s26 =	smov.u32 s29;
	[sflag:s19] =	ssyncset.done $0x0  }
0x49: {  	s25 =	sadd.s32 s25, s17;
	[sflag:s19] =	ssyncadd.s32 $0xFFFFF830  }
0x4a: {  	[tilespmem:s22], [sflag:$0x1] =	stream.linear.gather [hbm4b:s25+s3], $0x7D0, $0x38;
	[tilespmem:$0x30E0] =	vst v63  }
0x4b: {  	_ =	swait.ge [sflag:s19], $0x7D0  }
0x4c: {  	[sflag:s19] =	ssyncset.done $0x0  }
0x4d: {  	[sflag:s19] =	ssyncadd.s32 $0xFFFFF830  }
0x4e: {  	[spmem:s2] =	stream.indirect.scatter.add.f32 [tilespmem:s18], [sflag:$0x1], $0x1, s22, s23, $0xb8;
	[tilespmem:$0x30E0] =	vst v63  }
0x4f: {  	_ =	swait.ge [sflag:s19], $0x7D0  }
0x50: {  	[sflag:s19] =	ssyncset.done $0x0  }
0x51: {  	[sflag:s19] =	ssyncadd.s32 $0xFFFFF830  }
0x52: {  	[bflag:$0x0] =	sbarrier.arrive $0xFFFF  }
0x53: {  	[tilespmem:s20], [sflag:$0x1] =	stream.linear.gather [spmem:s6], $0x7D0, $0x38;
	[tilespmem:$0x30E0] =	vst v63  }
0x54: {  	_ =	swait.ge [sflag:s19], $0x7D0  }
0x55: {  	[sflag:s19] =	ssyncset.done $0x0  }
0x56: {  	[sflag:s19] =	ssyncadd.s32 $0xFFFFF830  }
0x57: {  	[hbm4b:s11+s3] =	stream.linear.scatter [tilespmem:s20], [sflag:$0x1], $0x7D0, $0x38;
	[tilespmem:$0x30E0] =	vst v63  }
0x58: {  	_ =	swait.ge [sflag:s19], $0x7D0  }
0x59: {  	[sflag:s19] =	ssyncset.done $0x0  }
0x5a: {  	[sflag:s19] =	ssyncadd.s32 $0xFFFFF830  }
0x5b: {  	[tilespmem:s20], [sflag:$0x1] =	stream.linear.gather [spmem:s12], $0x7D0, $0x38;
	[tilespmem:$0x30E0] =	vst v63  }
0x5c: {  	_ =	swait.ge [sflag:s19], $0x7D0  }
0x5d: {  	[sflag:s19] =	ssyncset.done $0x0  }
0x5e: {  	[sflag:s19] =	ssyncadd.s32 $0xFFFFF830  }
0x5f: {  	[hbm4b:s13+s3] =	stream.linear.scatter [tilespmem:s20], [sflag:$0x1], $0x7D0, $0x38;
	[tilespmem:$0x30E0] =	vst v63  }
0x60: {  	_ =	swait.ge [sflag:s19], $0x7D0  }
0x61: {  	[sflag:s19] =	ssyncset.done $0x0  }
0x62: {  	[sflag:s19] =	ssyncadd.s32 $0xFFFFF830  }
0x63: {  	[tilespmem:s20], [sflag:$0x1] =	stream.linear.gather [spmem:s14], $0x7D0, $0x38;
	[tilespmem:$0x30E0] =	vst v63  }
0x64: {  	_ =	swait.ge [sflag:s19], $0x7D0  }
0x65: {  	[sflag:s19] =	ssyncset.done $0x0  }
0x66: {  	[sflag:s19] =	ssyncadd.s32 $0xFFFFF830  }
0x67: {  	[hbm4b:s15+s3] =	stream.linear.scatter [tilespmem:s20], [sflag:$0x1], $0x7D0, $0x38;
	[tilespmem:$0x30E0] =	vst v63  }
0x68: {  	_ =	swait.ge [sflag:s19], $0x7D0  }
0x69: {  	[sflag:s19] =	ssyncset.done $0x0  }
0x6a: {  	[sflag:s19] =	ssyncadd.s32 $0xFFFFF830  }
0x6b: {  	[tilespmem:s21], [sflag:$0x1] =	stream.linear.gather [spmem:s7], $0x100, $0x38;
	[tilespmem:$0x30E0] =	vst v63  }
0x6c: {  	s24 =	sadd.s32 $0x1, s24;
	_ =	swait.ge [sflag:s19], $0x100  }
0x6d: {  	p0 =	sne.s32 s24, s8;
	[sflag:s19] =	ssyncset.done $0x0  }
.Ltmp1:
0x6e: {  	[sflag:s19] =	ssyncadd.s32 $0xFFFFFF00;
	(pc) =	sbr.rel @p0 .LBB2_1-.Ltmp1, $4  }
0x6f: {  	[hbm4b:s16+s3] =	stream.linear.scatter [tilespmem:s21], [sflag:$0x1], $0x100, $0x38;
	[tilespmem:$0x30E0] =	vst v63  }
0x70: {  	_ =	swait.ge [sflag:s19], $0x100  }
0x71: {  	[sflag:s19] =	ssyncset.done $0x0  }
0x72: {  	[sflag:s19] =	ssyncadd.s32 $0xFFFFFF00  }
0x73: {  	_ =	sfence.sel $0x180000  }
0x74: {  	[bflag:$0x0] =	sbarrier.arrive $0xFFFF  }
0x75: {  	p0 =	sne.s32 s0, $0x0;
	_ =	strace $0x90000047  }
0x76: {  	s0 =	sadd.s32 @!p0 $0x100000, s1;
	[bflag:$0x2] =	sbarrier.arrive $0xFFFF  }
0x77: {  	[sflag:s0] =	ssyncadd.tile.s32 @!p0 $0x1;
	_ =	shalt  }
.Lfunc_end2:
_tile_overlayer_lowered:
.L_overlay_start_2:
0x78: {  	(tag) =	ssettag $0x2  }
0x79: {  	s0 =	rddreg [dreg:$0x0];
	s2 =	stileid.u32  }
0x7a: {  	s1 =	rddreg [dreg:$0x1];
	p0 =	sne.s32 s2, $0x0  }
0x7b: {  	s3 =	rddreg [dreg:$0x2];
	[bflag:$0x3] =	sbarrier.arrive $0xFFFF;
	s2 =	simm.s32 @!p0 $0x1C01  }
0x7c: {  	[timem:s3], [sflag:s2] =	dma.local @!p0 [hbm:s0], s1  }
0x7d: {  	s0 =	simm.s32 @!p0 $0x1  }
0x7e: {  	_ =	swait.ge @!p0 [sflag:s0], s1  }
0x7f: {  	s1 =	ssub.s32 @!p0 $0x0, s1;
	[sflag:s0] =	ssyncset.done @!p0 $0x0  }
0x80: {  	[sflag:s0] =	ssyncadd.s32 @!p0 s1  }
0x81: {  	[bflag:$0x3] =	sbarrier.arrive $0xFFFF  }
0x82: {  	_ =	shalt  }

// kernel: kernel.13.cloned.1.call-start
scs
__scs_entry_jumppad:
0x0: {  	(pc) =	sbr.rel $0x88, $3  }
0x1: {  	(tag) =	ssettag $0x0;
	lr =	simm.s32 $0x1  }
0x2: {  	[smem:$0x3F9B] =	sst lr;
	_ =	strace $0xD0000000  }
0x3: {  	_ = 	snop  }
0x4: {  	_ = 	snop  }
0x5: {  	_ = 	snop  }
0x6: {  	_ = 	snop  }
0x7: {  	_ = 	snop  }
__scs_overlays_trampoline_lowered:
0x8: {  	[smem:$0x3FAA] =	sst s0  }
0x9: {  	[smem:$0x3FAB] =	sst s1  }
0xa: {  	[smem:$0x3FAC] =	sst s2  }
0xb: {  	[smem:$0x3FAD] =	sst s3  }
0xc: {  	[smem:$0x3FAE] =	sst s4  }
0xd: {  	[smem:$0x3FAF] =	sst s5  }
0xe: {  	[smem:$0x3FB0] =	sst s6  }
0xf: {  	[smem:$0x3FB1] =	sst s7  }
0x10: {  	[smem:$0x3FB2] =	sst s8  }
0x11: {  	[smem:$0x3FB3] =	sst s9;
	s0 =	simm.s32 @!p0 $0x0  }
0x12: {  	s1 =	sld [smem:$0x3F99];
	s0 =	simm.s32 @p0 $0x1  }
0x13: {  	[smem:$0x3FB4] =	sst s0;
	s0 =	simm.s32 @!p1 $0x0  }
0x14: {  	s2 =	sld [smem:$0x3F98];
	s0 =	simm.s32 @p1 $0x1  }
0x15: {  	[smem:$0x3FB5] =	sst s0;
	s0 =	simm.s32 @!p2 $0x0  }
0x16: {  	s3 =	sld [smem:$0x3FDB];
	s0 =	simm.s32 @p2 $0x1  }
0x17: {  	s4 =	simm.s32 $0x1BF5;
	[smem:$0x3FB7] =	sst s0  }
0x18: {  	s0 =	sld [smem:$0x3F9A];
	_ =	swait.ge [sflag:s4], $0x0  }
0x19: {  	s7 =	sld [smem:$0x3F9B]  }
0x1a: {  	s8 =	sadd.s32 $0xFFFFE003, lr  }
0x1b: {  	s9 =	sadd.s32 $0xFFFFFEF7, lr;
	s5 =	simm.s32 $0xFFFFFFFF;
	p2 =	slt.u32 s8, $0xFFFFF086  }
0x1c: {  	p1 =	slt.u32 s9, $0xF7A;
	s5 =	simm.s32 @!p2 $0x0  }
0x1d: {  	s5 =	simm.s32 @p1 $0x1;
	p0 =	seq.s32 s7, s2  }
0x1e: {  	s7 =	smul.u32 @!p0 $0xF7A, s2;
	p2 =	seq.s32 @!p0 s5, $0x0  }
0x1f: {  	s9 =	smul.u32 $0xF7A, s1;
	s8 =	simm.s32 @!p0 $0x1BF5;
	p2 =	por !p2, p0  }
0x20: {  	[sflag:s8] =	ssyncset.s32 @!p0 $0xFFFFF086;
	s6 =	sadd.s32 @!p0 s3, s7;
	s7 =	simm.s32 @!p0 $0x108  }
0x21: {  	s3 =	sadd.s32 s3, s9;
	s6 =	sadd.s32 @!p0 $0x88, s6;
	s7 =	simm.s32 @p2 $0x1082  }
0x22: {  	[simem:s7], [sflag:s8] =	dma.local @!p0 [hbm:s6], $0xF7A  }
0x23: {  	s9 =	sor.u32 $0xD0000000, s2;
	s6 =	simm.s32 $0x108;
	_ =	swait.ge @!p0 [sflag:s8], $0x0  }
0x24: {  	s3 =	sadd.s32 $0x88, s3;
	s6 =	simm.s32 @!p1 $0x1082;
	[sflag:s4] =	ssyncset.s32 $0xFFFFF086  }
0x25: {  	[simem:s6], [sflag:s4] =	dma.local [hbm:s3], $0xF7A  }
0x26: {  	[smem:$0x3F9B] =	sst s1;
	(tag) =	ssettag s2;
	_ =	strace s9  }
0x27: {  	s1 =	sld [smem:$0x3FAB]  }
0x28: {  	s2 =	sld [smem:$0x3FAC]  }
0x29: {  	s4 =	sld [smem:$0x3FAE]  }
0x2a: {  	p0 =	seq.s32 s5, $0x0;
	s5 =	sld [smem:$0x3FAF]  }
0x2b: {  	s6 =	sld [smem:$0x3FB0]  }
0x2c: {  	s7 =	sld [smem:$0x3FB1]  }
0x2d: {  	s3 =	simm.s32 $0x108;
	s8 =	sld [smem:$0x3FB2]  }
0x2e: {  	s3 =	simm.s32 @!p0 $0x1082;
	s9 =	sld [smem:$0x3FB3]  }
0x2f: {  	lr =	sadd.s32 s0, s3;
	s0 =	sld [smem:$0x3FAA]  }
0x30: {  	s3 =	sld [smem:$0x3FAD]  }
0x31: {  	[smem:$0x3FB6] =	sst s10  }
0x32: {  	s10 =	sld [smem:$0x3FB4];
	_ =	sdelay $0x3  }
0x33: {  	p0 =	seq.s32 s10, $0x1;
	s10 =	sld [smem:$0x3FB6];
	_ =	sdelay $0x3  }
0x34: {  	[smem:$0x3FB6] =	sst s10  }
0x35: {  	s10 =	sld [smem:$0x3FB5];
	_ =	sdelay $0x3  }
0x36: {  	p1 =	seq.s32 s10, $0x1;
	s10 =	sld [smem:$0x3FB6];
	_ =	sdelay $0x3  }
0x37: {  	[smem:$0x3FB6] =	sst s10  }
0x38: {  	s10 =	sld [smem:$0x3FB7]  }
0x39: {  	_ = 	snop;
	(pc) =	sbr.ind lr, $3  }
0x3a: {  	_ = 	snop  }
0x3b: {  	_ = 	snop  }
0x3c: {  	p2 =	seq.s32 s10, $0x1;
	s10 =	sld [smem:$0x3FB6]  }
0x3d: {  	_ =	shalt  }
0x3e: {  	_ =	shalt  }
0x3f: {  	_ =	shalt  }
0x40: {  	_ =	shalt  }
0x41: {  	_ =	shalt  }
0x42: {  	_ =	shalt  }
0x43: {  	_ =	shalt  }
0x44: {  	_ =	shalt  }
0x45: {  	_ =	shalt  }
0x46: {  	_ =	shalt  }
0x47: {  	_ =	shalt  }
0x48: {  	_ =	shalt  }
0x49: {  	_ =	shalt  }
0x4a: {  	_ =	shalt  }
0x4b: {  	_ =	shalt  }
0x4c: {  	_ =	shalt  }
0x4d: {  	_ =	shalt  }
0x4e: {  	_ =	shalt  }
0x4f: {  	_ =	shalt  }
0x50: {  	_ =	shalt  }
0x51: {  	_ =	shalt  }
0x52: {  	_ =	shalt  }
0x53: {  	_ =	shalt  }
0x54: {  	_ =	shalt  }
0x55: {  	_ =	shalt  }
0x56: {  	_ =	shalt  }
0x57: {  	_ =	shalt  }
0x58: {  	_ =	shalt  }
0x59: {  	_ =	shalt  }
0x5a: {  	_ =	shalt  }
0x5b: {  	_ =	shalt  }
0x5c: {  	_ =	shalt  }
0x5d: {  	_ =	shalt  }
0x5e: {  	_ =	shalt  }
0x5f: {  	_ =	shalt  }
0x60: {  	_ =	shalt  }
0x61: {  	_ =	shalt  }
0x62: {  	_ =	shalt  }
0x63: {  	_ =	shalt  }
0x64: {  	_ =	shalt  }
0x65: {  	_ =	shalt  }
0x66: {  	_ =	shalt  }
0x67: {  	_ =	shalt  }
0x68: {  	_ =	shalt  }
0x69: {  	_ =	shalt  }
0x6a: {  	_ =	shalt  }
0x6b: {  	_ =	shalt  }
0x6c: {  	_ =	shalt  }
0x6d: {  	_ =	shalt  }
0x6e: {  	_ =	shalt  }
0x6f: {  	_ =	shalt  }
0x70: {  	_ =	shalt  }
0x71: {  	_ =	shalt  }
0x72: {  	_ =	shalt  }
0x73: {  	_ =	shalt  }
0x74: {  	_ =	shalt  }
0x75: {  	_ =	shalt  }
0x76: {  	_ =	shalt  }
0x77: {  	_ =	shalt  }
0x78: {  	_ =	shalt  }
0x79: {  	_ =	shalt  }
0x7a: {  	_ =	shalt  }
0x7b: {  	_ =	shalt  }
0x7c: {  	_ =	shalt  }
0x7d: {  	_ =	shalt  }
0x7e: {  	_ =	shalt  }
0x7f: {  	_ =	shalt  }
0x80: {  	_ =	shalt  }
0x81: {  	_ =	shalt  }
0x82: {  	_ =	shalt  }
0x83: {  	_ =	shalt  }
0x84: {  	_ =	shalt  }
0x85: {  	_ =	shalt  }
0x86: {  	_ =	shalt  }
0x87: {  	_ =	shalt  }
.Lfunc_end0:
.L_simem_size_0:
called_computation.1_lowered:
.L_overlay_start_0:
0x88: {  	s2 =	sld [smem:$0x3FD9]  }
0x89: {  	s3 =	sld [smem:$0x3FFE];
	_ =	sdelay $0x1  }
0x8a: {  	s1 =	srdreg.scid  }
0x8b: {  	s0 =	sand.u32 $0x1, s1  }
0x8c: {  	s16 =	sshll.u32 s0, $0xA;
	s2 =	sadd.s32 s3, s2  }
0x8d: {  	s2 =	sadd.s32 s2, s16  }
0x8e: {  	[smem:$0x3FC2] =	sst s2  }
0x8f: {  	_ = 	snop  }
0x90: {  	(tm) =	ssettm $0x1  }
0x91: {  	s17 =	sld [smem:$0x3FFB];
	_ =	sdelay $0x3  }
0x92: {  	_ =	strace s17  }
0x93: {  	s2 =	sld [smem:$0x3FFC];
	_ =	sdelay $0x3  }
0x94: {  	_ =	strace s2  }
0x95: {  	s2 =	sld [smem:$0x3FFD];
	_ =	sdelay $0x3  }
0x96: {  	_ =	strace s2  }
0x97: {  	_ =	strace $0x8FFFFFFF  }
0x98: {  	s18 =	sld [smem:$0x3FDB];
	_ =	sdelay $0x1  }
0x99: {  	s19 =	simm.s32 $_scs_section_size  }
0x9a: {  	s4 =	simm.s32 $_size__tile_overlayer_lowered;
	s5 =	simm.s32 $_tile_overlayer_lowered  }
0x9b: {  	s22 =	simm.s32 $0x1BFF;
	s21 =	sshll.u32 s5, $0x1;
	s2 =	sadd.s32 s19, s18  }
0x9c: {  	s6 =	simm.s32 $0x0;
	s20 =	sshll.u32 s4, $0x1;
	s4 =	sadd.s32 s21, s2  }
0x9d: {  	[timem:s6], [sflag:s22] =	dma.local [hbm:s4], s20  }
0x9e: {  	_ =	swait.ge [sflag:s22], s20  }
0x9f: {  	s3 =	ssub.s32 $0x0, s20;
	[sflag:s22] =	ssyncset.done $0x0  }
0xa0: {  	[sflag:s22] =	ssyncadd.s32 s3;
	_ =	sdelay $0x1  }
0xa1: {  	s23 =	simm.s32 $0x1B8B  }
0xa2: {  	_ =	swait.ge [sflag:s23], $0x1  }
0xa3: {  	[sflag:s23] =	ssyncset.done $0x0  }
0xa4: {  	s25 =	simm.s32 $0x1B8E;
	s24 =	sld [smem:$0x3FFE];
	[sflag:s23] =	ssyncadd.s32 $0xFFFFFFFF  }
0xa5: {  	s26 =	simm.s32 $execute0_lowered;
	[smem:$0x3FD2] =	sst s25  }
0xa6: {  	s4 =	sshll.u32 s26, $0x1;
	_ =	strace $0x80000049;
	[dreg:$0x1] =	wrdreg $0xFFFFFFFF  }
0xa7: {  	s28 =	simm.s32 $_size_execute0_lowered;
	s2 =	sadd.s32 s2, s4;
	[dreg:$0x0] =	wrdreg $0x0  }
0xa8: {  	s4 =	sshll.u32 s28, $0x1;
	[dreg:$0x2] =	wrdreg s2  }
0xa9: {  	[dreg:$0x3] =	wrdreg s4  }
0xaa: {  	[dreg:$0x4] =	wrdreg $0xC0  }
0xab: {  	_ =	task [dreg:s6], $0x5FFFF  }
0xac: {  	[dreg:$0x1] =	wrdreg $0xFFFFFFFF  }
0xad: {  	[dreg:$0x0] =	wrdreg $0x60  }
0xae: {  	[dreg:$0x2] =	wrdreg s24  }
0xaf: {  	[dreg:$0x3] =	wrdreg $0x0  }
0xb0: {  	[dreg:$0x4] =	wrdreg $0x9  }
0xb1: {  	_ =	task.clear_ibuf [dreg:s6], $0x5FFFF;
	_ =	strace $0x90000049  }
0xb2: {  	s29 =	simm.s32 $0x9;
	_ =	strace $0x8000004B  }
0xb3: {  	_ =	swait.ge [sflag:s29], $0x1  }
0xb4: {  	[sflag:s29] =	ssyncadd.s32 $0xFFFFFFFF  }
0xb5: {  	_ =	strace $0x9000004B  }
0xb6: {  	_ =	sfence  }
0xb7: {  	s30 =	sld [smem:$0x0];
	_ =	sdelay $0x2  }
0xb8: {  	s31 =	sshll.u32 s1, $0xD;
	s1 =	sshrl.u32 s1, $0x2  }
0xb9: {  	s3 =	sand.u32 $0x4000, s31;
	s1 =	sadd.s32 s1, s30  }
0xba: {  	s0 =	sor.u32 s3, s0;
	s1 =	sshll.u32 s1, $0x11  }
0xbb: {  	s0 =	sor.u32 s1, s0  }
0xbc: {  	s0 =	sadd.s32 $0x8F2B, s0  }
0xbd: {  	[sflag:s0] =	ssyncadd.remote.s32 $0x1  }
0xbe: {  	_ =	sfence.sel $0xFFFF  }
0xbf: {  	[dreg:$0x0] =	wrdreg $0xFFFFFFFF;
	(pc) =	sbr.abs _section_cstart, $3  }
0xc0: {  	[dreg:$0x1] =	wrdreg $0xFFFFFFFF  }
0xc1: {  	_ =	task.clear_ibuf [dreg:s6], $0x2FFFF;
	_ =	strace $0x9FFFFFFF  }
0xc2: {  	(tm) =	ssettm $0x7FFFFFFF  }
0xc3: {  	_ =	shalt  }
tec
execute0_lowered:
.L_overlay_start_1:
0x0: {  	(tag) =	ssettag $0x1  }
0x1: {  	s0 =	rddreg [dreg:$0x0]  }
0x2: {  	s1 =	rddreg [dreg:$0x1];
	s3 =	simm.s32 $0x0;
	s11 =	stileid.u32  }
0x3: {  	s6 =	srdreg.scid;
	s30 =	simm.s32 $0x18ED0;
	s2 =	smul.u32 $0x30D4, s11  }
0x4: {  	s31 =	simm.s32 $0x2;
	s4 =	sadd.s32 $0x807800, s0;
	s7 =	smul.u32 $0x18700, s11  }
0x5: {  	[smem:$0x7FF] =	sst s3;
	s5 =	sadd.s32 $0x1EB800, s0;
	s9 =	smul.u32 $0x61C00, s11  }
0x6: {  	s6 =	sand.u32 $0x1, s6;
	s8 =	sadd.s32 $0x24D400, s0;
	s21 =	smul.u32 $0x1870, s11  }
0x7: {  	s11 =	smul.u32 $0x30E0, s11;
	_ =	strace $0x8000004A;
	[dreg:$0x3] =	wrdreg s8  }
0x8: {  	s25 =	ssub.s32 $0x2, s6;
	p0 =	seq.s32 s6, $0x1;
	s2 =	sadd.s32 s2, s0  }
0x9: {  	s0 =	sadd.s32 $0x21C600, s0;
	s26 =	sshrl.u32 s25, $0x1;
	s7 =	sadd.s32 $0x17700, s7  }
0xa: {  	s9 =	sshrl.u32 s9, $0x2;
	s12 =	sadd.s32 $0x3E8, s21;
	s18 =	sadd.s32 $0x7D0, s21  }
0xb: {  	s20 =	sadd.s32 $0xBB8, s21;
	s23 =	sadd.s32 $0xFA0, s21;
	[dreg:$0x8] =	wrdreg s11  }
0xc: {  	s24 =	sadd.s32 $0x1388, s21;
	[dreg:$0x4] =	wrdreg s0;
	s0 =	ssub.s32 s25, s26  }
0xd: {  	s28 =	sshrl.u32 s7, $0x3;
	s13 =	sadd.s32 s9, s1;
	s14 =	sshll.u32 s12, $0x1  }
0xe: {  	s19 =	sshll.u32 s18, $0x4;
	s22 =	sshll.u32 s20, $0x4;
	s25 =	sshll.u32 s24, $0x4  }
0xf: {  	s9 =	sadd.s32 s5, s11;
	s29 =	sadd.s32 s4, s28;
	s0 =	smax.u32 s0, $0x1  }
0x10: {  	s17 =	sadd.s32 s19, s1;
	s19 =	sadd.s32 s22, s1;
	[dreg:$0x7] =	wrdreg s28  }
0x11: {  	s22 =	sshll.u32 s24, $0x1;
	s24 =	sadd.s32 $0x33A00, s2;
	[dreg:$0x10] =	wrdreg s9  }
0x12: {  	s26 =	sadd.s32 s5, s28;
	s28 =	sadd.s32 s4, s11;
	[dreg:$0x5] =	wrdreg s29  }
0x13: {  	s11 =	sadd.s32 s5, s14;
	[dreg:$0x6] =	wrdreg s0;
	s0 =	sshll.u32 s12, $0x4  }
0x14: {  	s12 =	sshll.u32 s18, $0x1;
	s18 =	sshll.u32 s20, $0x1;
	[dreg:$0x9] =	wrdreg s26  }
0x15: {  	s20 =	sshll.u32 s23, $0x1;
	[dreg:$0xa] =	wrdreg s28;
	s29 =	sadd.s32 s4, s14  }
0x16: {  	s8 =	sadd.s32 s4, s22;
	[dreg:$0x11] =	wrdreg s11;
	s15 =	sadd.s32 s0, s1  }
0x17: {  	s0 =	sshll.u32 s23, $0x4;
	s23 =	sadd.s32 s25, s1;
	[dreg:$0xb] =	wrdreg s29  }
0x18: {  	s25 =	sadd.s32 $0x2C00, s2;
	s2 =	sadd.s32 s4, s12;
	[dreg:$0xf] =	wrdreg s8  }
0x19: {  	s10 =	sadd.s32 s7, s1;
	s6 =	sadd.s32 s4, s18;
	[dreg:$0xc] =	wrdreg s2  }
0x1a: {  	s16 =	smov.u32 s14;
	s7 =	sadd.s32 s4, s20;
	[dreg:$0xd] =	wrdreg s6  }
0x1b: {  	s14 =	smov.u32 s12;
	s12 =	sadd.s32 s5, s12;
	[dreg:$0xe] =	wrdreg s7  }
.Ltmp0:
0x1c: {  	s26 =	sadd.s32 s5, s18;
	[dreg:$0x12] =	wrdreg s12;
	(pc) =	sbr.rel .LBB2_1-.Ltmp0, $4  }
0x1d: {  	s9 =	simm.s32 $0x18AE8;
	s28 =	sadd.s32 s5, s20;
	[dreg:$0x13] =	wrdreg s26  }
0x1e: {  	s29 =	sadd.s32 s5, s22;
	s21 =	sadd.s32 s0, s1;
	[dreg:$0x14] =	wrdreg s28  }
0x1f: {  	[dreg:$0x15] =	wrdreg s29;
	s0 =	simm.s32 $0x1CD50;
	s2 =	simm.s32 $0x18700  }
0x20: {  	s6 =	simm.s32 $0x3E8;
	s7 =	simm.s32 $0x1;
	s26 =	simm.s32 $0x0  }
.LBB2_7:
0x21: {  	s8 =	sadd.s32 s28, s25;
	[sflag:s31] =	ssyncadd.s32 $0xFFFFC180  }
0x22: {  	[tilespmem:s2], [sflag:$0x2] =	stream.linear.gather [hbm4b:s8+s3], $0x3E8, $0x38;
	[tilespmem:$0x1DD50] =	vst v63  }
0x23: {  	_ =	swait.ge [sflag:s31], $0x3E8  }
0x24: {  	[sflag:s31] =	ssyncset.done $0x0  }
0x25: {  	[sflag:s31] =	ssyncadd.s32 $0xFFFFFC18  }
0x26: {  	[tilespmem:s30], [sflag:$0x1] =	stream.indirect.gather [hbm4b:s5+s6], $0x10, s2, s6, $0xb8;
	[tilespmem:$0x1DD50] =	vst v63  }
0x27: {  	_ =	swait.ge [sflag:s7], $0x3E80  }
0x28: {  	[sflag:s7] =	ssyncset.done $0x0  }
0x29: {  	s29 =	sadd.s32 s28, s24;
	[sflag:s7] =	ssyncadd.s32 $0xFFFFC180  }
0x2a: {  	[tilespmem:s9], [sflag:$0x2] =	stream.linear.gather [hbm4b:s29+s3], $0x3E8, $0x38;
	[tilespmem:$0x1DD50] =	vst v63  }
0x2b: {  	_ =	swait.ge [sflag:s31], $0x3E8  }
0x2c: {  	[sflag:s31] =	ssyncset.done $0x0  }
0x2d: {  	[sflag:s31] =	ssyncadd.s32 $0xFFFFFC18  }
0x2e: {  	[spmem:s1] =	stream.indirect.scatter.add.f32 [tilespmem:s30], [sflag:$0x2], $0x10, s9, s6, $0xb8;
	[tilespmem:$0x1DD50] =	vst v63  }
0x2f: {  	_ =	swait.ge [sflag:s31], $0x3E80  }
0x30: {  	[sflag:s31] =	ssyncset.done $0x0  }
0x31: {  	s28 =	rddreg [dreg:$0x4];
	[sflag:s31] =	ssyncadd.s32 $0xFFFFC180  }
.LBB2_8:
0x32: {  	[bflag:$0x0] =	sbarrier.arrive $0xFFFF  }
0x33: {  	[tilespmem:s30], [sflag:$0x2] =	stream.linear.gather [spmem:s13], $0x3E80, $0x38;
	[tilespmem:$0x1DD50] =	vst v63  }
0x34: {  	_ =	swait.ge [sflag:s31], $0x3E80  }
0x35: {  	[sflag:s31] =	ssyncset.done $0x0;
	s8 =	rddreg [dreg:$0x8]  }
0x36: {  	s8 =	sadd.s32 s28, s8;
	[sflag:s31] =	ssyncadd.s32 $0xFFFFC180  }
0x37: {  	[hbm4b:s8+s3] =	stream.linear.scatter [tilespmem:s30], [sflag:$0x2], $0x3E80, $0x38;
	[tilespmem:$0x1DD50] =	vst v63  }
0x38: {  	_ =	swait.ge [sflag:s31], $0x3E80  }
0x39: {  	[sflag:s31] =	ssyncset.done $0x0  }
0x3a: {  	[sflag:s31] =	ssyncadd.s32 $0xFFFFC180  }
0x3b: {  	[tilespmem:s30], [sflag:$0x2] =	stream.linear.gather [spmem:s15], $0x3E80, $0x38;
	[tilespmem:$0x1DD50] =	vst v63  }
0x3c: {  	_ =	swait.ge [sflag:s31], $0x3E80  }
0x3d: {  	[sflag:s31] =	ssyncset.done $0x0  }
0x3e: {  	s29 =	sadd.s32 s28, s16;
	[sflag:s31] =	ssyncadd.s32 $0xFFFFC180  }
0x3f: {  	[hbm4b:s29+s3] =	stream.linear.scatter [tilespmem:s30], [sflag:$0x2], $0x3E80, $0x38;
	[tilespmem:$0x1DD50] =	vst v63  }
0x40: {  	_ =	swait.ge [sflag:s31], $0x3E80  }
0x41: {  	[sflag:s31] =	ssyncset.done $0x0  }
0x42: {  	[sflag:s31] =	ssyncadd.s32 $0xFFFFC180  }
0x43: {  	[tilespmem:s30], [sflag:$0x2] =	stream.linear.gather [spmem:s17], $0x3E80, $0x38;
	[tilespmem:$0x1DD50] =	vst v63  }
0x44: {  	_ =	swait.ge [sflag:s31], $0x3E80  }
0x45: {  	[sflag:s31] =	ssyncset.done $0x0  }
0x46: {  	s11 =	sadd.s32 s28, s14;
	[sflag:s31] =	ssyncadd.s32 $0xFFFFC180  }
0x47: {  	[hbm4b:s11+s3] =	stream.linear.scatter [tilespmem:s30], [sflag:$0x2], $0x3E80, $0x38;
	[tilespmem:$0x1DD50] =	vst v63  }
0x48: {  	_ =	swait.ge [sflag:s31], $0x3E80  }
0x49: {  	[sflag:s31] =	ssyncset.done $0x0  }
0x4a: {  	[sflag:s31] =	ssyncadd.s32 $0xFFFFC180  }
0x4b: {  	[tilespmem:s30], [sflag:$0x2] =	stream.linear.gather [spmem:s19], $0x3E80, $0x38;
	[tilespmem:$0x1DD50] =	vst v63  }
0x4c: {  	_ =	swait.ge [sflag:s31], $0x3E80  }
0x4d: {  	[sflag:s31] =	ssyncset.done $0x0  }
0x4e: {  	s12 =	sadd.s32 s28, s18;
	[sflag:s31] =	ssyncadd.s32 $0xFFFFC180  }
0x4f: {  	[hbm4b:s12+s3] =	stream.linear.scatter [tilespmem:s30], [sflag:$0x2], $0x3E80, $0x38;
	[tilespmem:$0x1DD50] =	vst v63  }
0x50: {  	_ =	swait.ge [sflag:s31], $0x3E80  }
0x51: {  	[sflag:s31] =	ssyncset.done $0x0  }
0x52: {  	[sflag:s31] =	ssyncadd.s32 $0xFFFFC180  }
0x53: {  	[tilespmem:s30], [sflag:$0x2] =	stream.linear.gather [spmem:s21], $0x3E80, $0x38;
	[tilespmem:$0x1DD50] =	vst v63  }
0x54: {  	_ =	swait.ge [sflag:s31], $0x3E80  }
0x55: {  	[sflag:s31] =	ssyncset.done $0x0  }
0x56: {  	s29 =	sadd.s32 s28, s20;
	[sflag:s31] =	ssyncadd.s32 $0xFFFFC180  }
0x57: {  	[hbm4b:s29+s3] =	stream.linear.scatter [tilespmem:s30], [sflag:$0x2], $0x3E80, $0x38;
	[tilespmem:$0x1DD50] =	vst v63  }
0x58: {  	_ =	swait.ge [sflag:s31], $0x3E80  }
0x59: {  	[sflag:s31] =	ssyncset.done $0x0  }
0x5a: {  	[sflag:s31] =	ssyncadd.s32 $0xFFFFC180  }
0x5b: {  	[tilespmem:s30], [sflag:$0x2] =	stream.linear.gather [spmem:s23], $0x3E80, $0x38;
	[tilespmem:$0x1DD50] =	vst v63  }
0x5c: {  	_ =	swait.ge [sflag:s31], $0x3E80  }
0x5d: {  	[sflag:s31] =	ssyncset.done $0x0  }
0x5e: {  	s11 =	sadd.s32 s28, s22;
	[sflag:s31] =	ssyncadd.s32 $0xFFFFC180  }
0x5f: {  	[hbm4b:s11+s3] =	stream.linear.scatter [tilespmem:s30], [sflag:$0x2], $0x3E80, $0x38;
	[tilespmem:$0x1DD50] =	vst v63  }
0x60: {  	_ =	swait.ge [sflag:s31], $0x3E80  }
0x61: {  	[sflag:s31] =	ssyncset.done $0x0  }
0x62: {  	[sflag:s31] =	ssyncadd.s32 $0xFFFFC180  }
0x63: {  	[tilespmem:s0], [sflag:$0x2] =	stream.linear.gather [spmem:s10], $0x1000, $0x38;
	[tilespmem:$0x1DD50] =	vst v63  }
0x64: {  	_ =	swait.ge [sflag:s31], $0x1000  }
0x65: {  	[sflag:s31] =	ssyncset.done $0x0;
	s12 =	rddreg [dreg:$0x7]  }
0x66: {  	s8 =	sadd.s32 s28, s12;
	[sflag:s31] =	ssyncadd.s32 $0xFFFFF000  }
0x67: {  	[hbm4b:s8+s3] =	stream.linear.scatter [tilespmem:s0], [sflag:$0x2], $0x1000, $0x38;
	[tilespmem:$0x1DD50] =	vst v63  }
0x68: {  	_ =	swait.ge [sflag:s31], $0x1000  }
0x69: {  	s26 =	sadd.s32 $0x1, s26;
	s29 =	rddreg [dreg:$0x6]  }
0x6a: {  	p1 =	sne.s32 s26, s29  }
.Ltmp1:
0x6b: {  	_ = 	snop;
	(pc) =	sbr.rel @!p1 .LBB2_9-.Ltmp1, $3  }
0x6c: {  	_ =	sdelay $0x1  }
0x6d: {  	[sflag:s31] =	ssyncset.done $0x0  }
0x6e: {  	[sflag:s31] =	ssyncadd.s32 $0xFFFFF000  }
.LBB2_1:
.Ltmp2:
0x6f: {  	(pc) =	sbr.rel @!p0 .LBB2_2-.Ltmp2, $2  }
0x70: {  	_ =	sdelay $0x2  }
0x71: {  	s28 =	simm.s32 $0x0  }
0x72: {  	s8 =	rddreg [dreg:$0x10]  }
0x73: {  	[tilespmem:s30], [sflag:$0x2] =	stream.linear.gather [hbm4b:s8+s28], $0x3E80, $0x38;
	[tilespmem:$0x1DD50] =	vst v63  }
0x74: {  	_ =	swait.ge [sflag:s31], $0x3E80  }
0x75: {  	[sflag:s31] =	ssyncset.done $0x0  }
0x76: {  	[sflag:s31] =	ssyncadd.s32 $0xFFFFC180  }
0x77: {  	[spmem:s13] =	stream.linear.scatter [tilespmem:s30], [sflag:$0x2], $0x3E80, $0x38;
	[tilespmem:$0x1DD50] =	vst v63  }
0x78: {  	_ =	swait.ge [sflag:s31], $0x3E80  }
0x79: {  	[sflag:s31] =	ssyncset.done $0x0  }
0x7a: {  	s11 =	rddreg [dreg:$0x11];
	[sflag:s31] =	ssyncadd.s32 $0xFFFFC180  }
0x7b: {  	[tilespmem:s30], [sflag:$0x2] =	stream.linear.gather [hbm4b:s11+s28], $0x3E80, $0x38;
	[tilespmem:$0x1DD50] =	vst v63  }
0x7c: {  	_ =	swait.ge [sflag:s31], $0x3E80  }
0x7d: {  	[sflag:s31] =	ssyncset.done $0x0  }
0x7e: {  	[sflag:s31] =	ssyncadd.s32 $0xFFFFC180  }
0x7f: {  	[spmem:s15] =	stream.linear.scatter [tilespmem:s30], [sflag:$0x2], $0x3E80, $0x38;
	[tilespmem:$0x1DD50] =	vst v63  }
0x80: {  	_ =	swait.ge [sflag:s31], $0x3E80  }
0x81: {  	[sflag:s31] =	ssyncset.done $0x0  }
0x82: {  	s12 =	rddreg [dreg:$0x12];
	[sflag:s31] =	ssyncadd.s32 $0xFFFFC180  }
0x83: {  	[tilespmem:s30], [sflag:$0x2] =	stream.linear.gather [hbm4b:s12+s28], $0x3E80, $0x38;
	[tilespmem:$0x1DD50] =	vst v63  }
0x84: {  	_ =	swait.ge [sflag:s31], $0x3E80  }
0x85: {  	[sflag:s31] =	ssyncset.done $0x0  }
0x86: {  	[sflag:s31] =	ssyncadd.s32 $0xFFFFC180  }
0x87: {  	[spmem:s17] =	stream.linear.scatter [tilespmem:s30], [sflag:$0x2], $0x3E80, $0x38;
	[tilespmem:$0x1DD50] =	vst v63  }
0x88: {  	_ =	swait.ge [sflag:s31], $0x3E80  }
0x89: {  	[sflag:s31] =	ssyncset.done $0x0  }
0x8a: {  	s11 =	rddreg [dreg:$0x13];
	[sflag:s31] =	ssyncadd.s32 $0xFFFFC180  }
0x8b: {  	[tilespmem:s30], [sflag:$0x2] =	stream.linear.gather [hbm4b:s11+s28], $0x3E80, $0x38;
	[tilespmem:$0x1DD50] =	vst v63  }
0x8c: {  	_ =	swait.ge [sflag:s31], $0x3E80  }
0x8d: {  	[sflag:s31] =	ssyncset.done $0x0  }
0x8e: {  	[sflag:s31] =	ssyncadd.s32 $0xFFFFC180  }
0x8f: {  	[spmem:s19] =	stream.linear.scatter [tilespmem:s30], [sflag:$0x2], $0x3E80, $0x38;
	[tilespmem:$0x1DD50] =	vst v63  }
0x90: {  	_ =	swait.ge [sflag:s31], $0x3E80  }
0x91: {  	[sflag:s31] =	ssyncset.done $0x0  }
0x92: {  	s12 =	rddreg [dreg:$0x14];
	[sflag:s31] =	ssyncadd.s32 $0xFFFFC180  }
0x93: {  	[tilespmem:s30], [sflag:$0x2] =	stream.linear.gather [hbm4b:s12+s28], $0x3E80, $0x38;
	[tilespmem:$0x1DD50] =	vst v63  }
0x94: {  	_ =	swait.ge [sflag:s31], $0x3E80  }
0x95: {  	[sflag:s31] =	ssyncset.done $0x0  }
0x96: {  	[sflag:s31] =	ssyncadd.s32 $0xFFFFC180  }
0x97: {  	[spmem:s21] =	stream.linear.scatter [tilespmem:s30], [sflag:$0x2], $0x3E80, $0x38;
	[tilespmem:$0x1DD50] =	vst v63  }
0x98: {  	_ =	swait.ge [sflag:s31], $0x3E80  }
0x99: {  	[sflag:s31] =	ssyncset.done $0x0  }
0x9a: {  	s11 =	rddreg [dreg:$0x15];
	[sflag:s31] =	ssyncadd.s32 $0xFFFFC180  }
0x9b: {  	[tilespmem:s30], [sflag:$0x2] =	stream.linear.gather [hbm4b:s11+s28], $0x3E80, $0x38;
	[tilespmem:$0x1DD50] =	vst v63  }
0x9c: {  	_ =	swait.ge [sflag:s31], $0x3E80  }
0x9d: {  	[sflag:s31] =	ssyncset.done $0x0  }
0x9e: {  	[sflag:s31] =	ssyncadd.s32 $0xFFFFC180  }
0x9f: {  	[spmem:s23] =	stream.linear.scatter [tilespmem:s30], [sflag:$0x2], $0x3E80, $0x38;
	[tilespmem:$0x1DD50] =	vst v63  }
0xa0: {  	_ =	swait.ge [sflag:s31], $0x3E80  }
0xa1: {  	[sflag:s31] =	ssyncset.done $0x0  }
0xa2: {  	s12 =	rddreg [dreg:$0x9];
	[sflag:s31] =	ssyncadd.s32 $0xFFFFC180  }
0xa3: {  	[tilespmem:s0], [sflag:$0x2] =	stream.linear.gather [hbm4b:s12+s28], $0x1000, $0x38;
	[tilespmem:$0x1DD50] =	vst v63  }
0xa4: {  	_ =	swait.ge [sflag:s31], $0x1000  }
0xa5: {  	[sflag:s31] =	ssyncset.done $0x0  }
0xa6: {  	[sflag:s31] =	ssyncadd.s32 $0xFFFFF000  }
0xa7: {  	[spmem:s10] =	stream.linear.scatter [tilespmem:s0], [sflag:$0x2], $0x1000, $0x38;
	[tilespmem:$0x1DD50] =	vst v63  }
0xa8: {  	_ =	swait.ge [sflag:s31], $0x1000  }
0xa9: {  	[sflag:s31] =	ssyncset.done $0x0  }
0xaa: {  	[sflag:s31] =	ssyncadd.s32 $0xFFFFF000  }
0xab: {  	s11 =	sadd.s32 $0x0, s25;
	[bflag:$0x0] =	sbarrier.arrive $0xFFFF  }
0xac: {  	[tilespmem:s2], [sflag:$0x2] =	stream.linear.gather [hbm4b:s11+s3], $0x3E8, $0x38;
	[tilespmem:$0x1DD50] =	vst v63  }
0xad: {  	_ =	swait.ge [sflag:s31], $0x3E8  }
0xae: {  	[sflag:s31] =	ssyncset.done $0x0  }
0xaf: {  	[sflag:s31] =	ssyncadd.s32 $0xFFFFFC18  }
0xb0: {  	[tilespmem:s30], [sflag:$0x1] =	stream.indirect.gather [hbm4b:s5+s6], $0x10, s2, s6, $0xb8;
	[tilespmem:$0x1DD50] =	vst v63  }
0xb1: {  	_ =	swait.ge [sflag:s7], $0x3E80  }
0xb2: {  	[sflag:s7] =	ssyncset.done $0x0  }
0xb3: {  	s12 =	sadd.s32 $0x0, s24;
	[sflag:s7] =	ssyncadd.s32 $0xFFFFC180  }
0xb4: {  	[tilespmem:s9], [sflag:$0x2] =	stream.linear.gather [hbm4b:s12+s3], $0x3E8, $0x38;
	[tilespmem:$0x1DD50] =	vst v63  }
0xb5: {  	_ =	swait.ge [sflag:s31], $0x3E8  }
0xb6: {  	[sflag:s31] =	ssyncset.done $0x0  }
0xb7: {  	[sflag:s31] =	ssyncadd.s32 $0xFFFFFC18  }
0xb8: {  	[spmem:s1] =	stream.indirect.scatter.add.f32 [tilespmem:s30], [sflag:$0x2], $0x10, s9, s6, $0xb8;
	[tilespmem:$0x1DD50] =	vst v63  }
0xb9: {  	_ =	swait.ge [sflag:s31], $0x3E80  }
0xba: {  	s29 =	simm.s32 $0xFA;
	s28 =	simm.s32 $0x7D;
	[sflag:s31] =	ssyncset.done $0x0  }
.LBB2_6:
0xbb: {  	s8 =	sadd.s32 s28, s25  }
0xbc: {  	[sflag:s31] =	ssyncadd.s32 $0xFFFFC180;
	s11 =	smov.u32 s29;
	s12 =	sadd.s32 $0x7D, s29  }
0xbd: {  	[tilespmem:s2], [sflag:$0x2] =	stream.linear.gather [hbm4b:s8+s3], $0x3E8, $0x38;
	[tilespmem:$0x1DD50] =	vst v63  }
0xbe: {  	p1 =	sne.s32 s29, $0x3057;
	_ =	swait.ge [sflag:s31], $0x3E8  }
0xbf: {  	[sflag:s31] =	ssyncset.done $0x0  }
0xc0: {  	[sflag:s31] =	ssyncadd.s32 $0xFFFFFC18  }
0xc1: {  	[tilespmem:s30], [sflag:$0x1] =	stream.indirect.gather [hbm4b:s5+s6], $0x10, s2, s6, $0xb8;
	[tilespmem:$0x1DD50] =	vst v63  }
0xc2: {  	_ =	swait.ge [sflag:s7], $0x3E80  }
0xc3: {  	[sflag:s7] =	ssyncset.done $0x0  }
0xc4: {  	s8 =	sadd.s32 s28, s24;
	s28 =	smov.u32 s11;
	[sflag:s7] =	ssyncadd.s32 $0xFFFFC180  }
0xc5: {  	[tilespmem:s9], [sflag:$0x2] =	stream.linear.gather [hbm4b:s8+s3], $0x3E8, $0x38;
	[tilespmem:$0x1DD50] =	vst v63  }
0xc6: {  	_ =	swait.ge [sflag:s31], $0x3E8  }
.Ltmp3:
0xc7: {  	[sflag:s31] =	ssyncset.done $0x0;
	(pc) =	sbr.rel @p1 .LBB2_6-.Ltmp3, $4  }
0xc8: {  	[sflag:s31] =	ssyncadd.s32 $0xFFFFFC18  }
0xc9: {  	[spmem:s1] =	stream.indirect.scatter.add.f32 [tilespmem:s30], [sflag:$0x2], $0x10, s9, s6, $0xb8;
	[tilespmem:$0x1DD50] =	vst v63  }
0xca: {  	_ =	swait.ge [sflag:s31], $0x3E80  }
0xcb: {  	s29 =	smov.u32 s12;
	[sflag:s31] =	ssyncset.done $0x0  }
.Ltmp4:
0xcc: {  	_ = 	snop;
	(pc) =	sbr.rel .LBB2_7-.Ltmp4, $1  }
0xcd: {  	_ =	sdelay $0x3  }
.LBB2_2:
0xce: {  	s8 =	rddreg [dreg:$0xa]  }
0xcf: {  	[tilespmem:s30], [sflag:$0x2] =	stream.linear.gather [hbm4b:s8+s28], $0x3E80, $0x38;
	[tilespmem:$0x1DD50] =	vst v63  }
0xd0: {  	_ =	swait.ge [sflag:s31], $0x3E80  }
0xd1: {  	[sflag:s31] =	ssyncset.done $0x0  }
0xd2: {  	[sflag:s31] =	ssyncadd.s32 $0xFFFFC180  }
0xd3: {  	[spmem:s13] =	stream.linear.scatter [tilespmem:s30], [sflag:$0x2], $0x3E80, $0x38;
	[tilespmem:$0x1DD50] =	vst v63  }
0xd4: {  	_ =	swait.ge [sflag:s31], $0x3E80  }
0xd5: {  	[sflag:s31] =	ssyncset.done $0x0  }
0xd6: {  	s11 =	rddreg [dreg:$0xb];
	[sflag:s31] =	ssyncadd.s32 $0xFFFFC180  }
0xd7: {  	[tilespmem:s30], [sflag:$0x2] =	stream.linear.gather [hbm4b:s11+s28], $0x3E80, $0x38;
	[tilespmem:$0x1DD50] =	vst v63  }
0xd8: {  	_ =	swait.ge [sflag:s31], $0x3E80  }
0xd9: {  	[sflag:s31] =	ssyncset.done $0x0  }
0xda: {  	[sflag:s31] =	ssyncadd.s32 $0xFFFFC180  }
0xdb: {  	[spmem:s15] =	stream.linear.scatter [tilespmem:s30], [sflag:$0x2], $0x3E80, $0x38;
	[tilespmem:$0x1DD50] =	vst v63  }
0xdc: {  	_ =	swait.ge [sflag:s31], $0x3E80  }
0xdd: {  	[sflag:s31] =	ssyncset.done $0x0  }
0xde: {  	s12 =	rddreg [dreg:$0xc];
	[sflag:s31] =	ssyncadd.s32 $0xFFFFC180  }
0xdf: {  	[tilespmem:s30], [sflag:$0x2] =	stream.linear.gather [hbm4b:s12+s28], $0x3E80, $0x38;
	[tilespmem:$0x1DD50] =	vst v63  }
0xe0: {  	_ =	swait.ge [sflag:s31], $0x3E80  }
0xe1: {  	[sflag:s31] =	ssyncset.done $0x0  }
0xe2: {  	[sflag:s31] =	ssyncadd.s32 $0xFFFFC180  }
0xe3: {  	[spmem:s17] =	stream.linear.scatter [tilespmem:s30], [sflag:$0x2], $0x3E80, $0x38;
	[tilespmem:$0x1DD50] =	vst v63  }
0xe4: {  	_ =	swait.ge [sflag:s31], $0x3E80  }
0xe5: {  	[sflag:s31] =	ssyncset.done $0x0  }
0xe6: {  	s11 =	rddreg [dreg:$0xd];
	[sflag:s31] =	ssyncadd.s32 $0xFFFFC180  }
0xe7: {  	[tilespmem:s30], [sflag:$0x2] =	stream.linear.gather [hbm4b:s11+s28], $0x3E80, $0x38;
	[tilespmem:$0x1DD50] =	vst v63  }
0xe8: {  	_ =	swait.ge [sflag:s31], $0x3E80  }
0xe9: {  	[sflag:s31] =	ssyncset.done $0x0  }
0xea: {  	[sflag:s31] =	ssyncadd.s32 $0xFFFFC180  }
0xeb: {  	[spmem:s19] =	stream.linear.scatter [tilespmem:s30], [sflag:$0x2], $0x3E80, $0x38;
	[tilespmem:$0x1DD50] =	vst v63  }
0xec: {  	_ =	swait.ge [sflag:s31], $0x3E80  }
0xed: {  	[sflag:s31] =	ssyncset.done $0x0  }
0xee: {  	s12 =	rddreg [dreg:$0xe];
	[sflag:s31] =	ssyncadd.s32 $0xFFFFC180  }
0xef: {  	[tilespmem:s30], [sflag:$0x2] =	stream.linear.gather [hbm4b:s12+s28], $0x3E80, $0x38;
	[tilespmem:$0x1DD50] =	vst v63  }
0xf0: {  	_ =	swait.ge [sflag:s31], $0x3E80  }
0xf1: {  	[sflag:s31] =	ssyncset.done $0x0  }
0xf2: {  	[sflag:s31] =	ssyncadd.s32 $0xFFFFC180  }
0xf3: {  	[spmem:s21] =	stream.linear.scatter [tilespmem:s30], [sflag:$0x2], $0x3E80, $0x38;
	[tilespmem:$0x1DD50] =	vst v63  }
0xf4: {  	_ =	swait.ge [sflag:s31], $0x3E80  }
0xf5: {  	[sflag:s31] =	ssyncset.done $0x0  }
0xf6: {  	s11 =	rddreg [dreg:$0xf];
	[sflag:s31] =	ssyncadd.s32 $0xFFFFC180  }
0xf7: {  	[tilespmem:s30], [sflag:$0x2] =	stream.linear.gather [hbm4b:s11+s28], $0x3E80, $0x38;
	[tilespmem:$0x1DD50] =	vst v63  }
0xf8: {  	_ =	swait.ge [sflag:s31], $0x3E80  }
0xf9: {  	[sflag:s31] =	ssyncset.done $0x0  }
0xfa: {  	[sflag:s31] =	ssyncadd.s32 $0xFFFFC180  }
0xfb: {  	[spmem:s23] =	stream.linear.scatter [tilespmem:s30], [sflag:$0x2], $0x3E80, $0x38;
	[tilespmem:$0x1DD50] =	vst v63  }
0xfc: {  	_ =	swait.ge [sflag:s31], $0x3E80  }
0xfd: {  	[sflag:s31] =	ssyncset.done $0x0  }
0xfe: {  	s12 =	rddreg [dreg:$0x5];
	[sflag:s31] =	ssyncadd.s32 $0xFFFFC180  }
0xff: {  	[tilespmem:s0], [sflag:$0x2] =	stream.linear.gather [hbm4b:s12+s28], $0x1000, $0x38;
	[tilespmem:$0x1DD50] =	vst v63  }
0x100: {  	_ =	swait.ge [sflag:s31], $0x1000  }
0x101: {  	[sflag:s31] =	ssyncset.done $0x0  }
0x102: {  	[sflag:s31] =	ssyncadd.s32 $0xFFFFF000  }
0x103: {  	[spmem:s10] =	stream.linear.scatter [tilespmem:s0], [sflag:$0x2], $0x1000, $0x38;
	[tilespmem:$0x1DD50] =	vst v63  }
0x104: {  	_ =	swait.ge [sflag:s31], $0x1000  }
0x105: {  	[sflag:s31] =	ssyncset.done $0x0  }
0x106: {  	[sflag:s31] =	ssyncadd.s32 $0xFFFFF000  }
0x107: {  	s28 =	sadd.s32 $0x0, s25;
	[bflag:$0x0] =	sbarrier.arrive $0xFFFF  }
0x108: {  	[tilespmem:s2], [sflag:$0x2] =	stream.linear.gather [hbm4b:s28+s3], $0x3E8, $0x38;
	[tilespmem:$0x1DD50] =	vst v63  }
0x109: {  	_ =	swait.ge [sflag:s31], $0x3E8  }
0x10a: {  	[sflag:s31] =	ssyncset.done $0x0  }
0x10b: {  	[sflag:s31] =	ssyncadd.s32 $0xFFFFFC18  }
0x10c: {  	[tilespmem:s30], [sflag:$0x1] =	stream.indirect.gather [hbm4b:s4+s6], $0x10, s2, s6, $0xb8;
	[tilespmem:$0x1DD50] =	vst v63  }
0x10d: {  	_ =	swait.ge [sflag:s7], $0x3E80  }
0x10e: {  	[sflag:s7] =	ssyncset.done $0x0  }
0x10f: {  	s28 =	sadd.s32 $0x0, s24;
	[sflag:s7] =	ssyncadd.s32 $0xFFFFC180  }
0x110: {  	[tilespmem:s9], [sflag:$0x2] =	stream.linear.gather [hbm4b:s28+s3], $0x3E8, $0x38;
	[tilespmem:$0x1DD50] =	vst v63  }
0x111: {  	_ =	swait.ge [sflag:s31], $0x3E8  }
0x112: {  	[sflag:s31] =	ssyncset.done $0x0  }
0x113: {  	[sflag:s31] =	ssyncadd.s32 $0xFFFFFC18  }
0x114: {  	[spmem:s1] =	stream.indirect.scatter.add.f32 [tilespmem:s30], [sflag:$0x2], $0x10, s9, s6, $0xb8;
	[tilespmem:$0x1DD50] =	vst v63  }
0x115: {  	_ =	swait.ge [sflag:s31], $0x3E80  }
0x116: {  	s29 =	simm.s32 $0xFA;
	s28 =	simm.s32 $0x7D;
	[sflag:s31] =	ssyncset.done $0x0  }
.LBB2_3:
0x117: {  	s11 =	sadd.s32 s28, s25  }
0x118: {  	[sflag:s31] =	ssyncadd.s32 $0xFFFFC180;
	s8 =	smov.u32 s29;
	s12 =	sadd.s32 $0x7D, s29  }
0x119: {  	[tilespmem:s2], [sflag:$0x2] =	stream.linear.gather [hbm4b:s11+s3], $0x3E8, $0x38;
	[tilespmem:$0x1DD50] =	vst v63  }
0x11a: {  	p1 =	seq.s32 s29, $0x3057;
	_ =	swait.ge [sflag:s31], $0x3E8  }
0x11b: {  	[sflag:s31] =	ssyncset.done $0x0  }
0x11c: {  	[sflag:s31] =	ssyncadd.s32 $0xFFFFFC18  }
0x11d: {  	[tilespmem:s30], [sflag:$0x1] =	stream.indirect.gather [hbm4b:s4+s6], $0x10, s2, s6, $0xb8;
	[tilespmem:$0x1DD50] =	vst v63  }
0x11e: {  	_ =	swait.ge [sflag:s7], $0x3E80  }
0x11f: {  	[sflag:s7] =	ssyncset.done $0x0  }
0x120: {  	s11 =	sadd.s32 s28, s24;
	s28 =	smov.u32 s8;
	[sflag:s7] =	ssyncadd.s32 $0xFFFFC180  }
0x121: {  	[tilespmem:s9], [sflag:$0x2] =	stream.linear.gather [hbm4b:s11+s3], $0x3E8, $0x38;
	[tilespmem:$0x1DD50] =	vst v63  }
0x122: {  	_ =	swait.ge [sflag:s31], $0x3E8  }
.Ltmp5:
0x123: {  	[sflag:s31] =	ssyncset.done $0x0;
	(pc) =	sbr.rel @!p1 .LBB2_3-.Ltmp5, $4  }
0x124: {  	[sflag:s31] =	ssyncadd.s32 $0xFFFFFC18  }
0x125: {  	[spmem:s1] =	stream.indirect.scatter.add.f32 [tilespmem:s30], [sflag:$0x2], $0x10, s9, s6, $0xb8;
	[tilespmem:$0x1DD50] =	vst v63  }
0x126: {  	_ =	swait.ge [sflag:s31], $0x3E80  }
0x127: {  	s29 =	smov.u32 s12;
	[sflag:s31] =	ssyncset.done $0x0  }
0x128: {  	s8 =	sadd.s32 s28, s25;
	[sflag:s31] =	ssyncadd.s32 $0xFFFFC180  }
0x129: {  	[tilespmem:s2], [sflag:$0x2] =	stream.linear.gather [hbm4b:s8+s3], $0x3E8, $0x38;
	[tilespmem:$0x1DD50] =	vst v63  }
0x12a: {  	_ =	swait.ge [sflag:s31], $0x3E8  }
0x12b: {  	[sflag:s31] =	ssyncset.done $0x0  }
0x12c: {  	[sflag:s31] =	ssyncadd.s32 $0xFFFFFC18  }
0x12d: {  	[tilespmem:s30], [sflag:$0x1] =	stream.indirect.gather [hbm4b:s4+s6], $0x10, s2, s6, $0xb8;
	[tilespmem:$0x1DD50] =	vst v63  }
0x12e: {  	_ =	swait.ge [sflag:s7], $0x3E80  }
0x12f: {  	[sflag:s7] =	ssyncset.done $0x0  }
0x130: {  	s29 =	sadd.s32 s28, s24;
	[sflag:s7] =	ssyncadd.s32 $0xFFFFC180  }
0x131: {  	[tilespmem:s9], [sflag:$0x2] =	stream.linear.gather [hbm4b:s29+s3], $0x3E8, $0x38;
	[tilespmem:$0x1DD50] =	vst v63  }
0x132: {  	_ =	swait.ge [sflag:s31], $0x3E8  }
0x133: {  	[sflag:s31] =	ssyncset.done $0x0  }
.Ltmp6:
0x134: {  	[sflag:s31] =	ssyncadd.s32 $0xFFFFFC18;
	(pc) =	sbr.rel .LBB2_8-.Ltmp6, $4  }
0x135: {  	[spmem:s1] =	stream.indirect.scatter.add.f32 [tilespmem:s30], [sflag:$0x2], $0x10, s9, s6, $0xb8;
	[tilespmem:$0x1DD50] =	vst v63  }
0x136: {  	_ =	swait.ge [sflag:s31], $0x3E80  }
0x137: {  	[sflag:s31] =	ssyncset.done $0x0  }
0x138: {  	s28 =	rddreg [dreg:$0x3];
	[sflag:s31] =	ssyncadd.s32 $0xFFFFC180  }
.LBB2_9:
0x139: {  	_ =	sfence.sel $0x180000  }
0x13a: {  	[bflag:$0x0] =	sbarrier.arrive $0xFFFF  }
0x13b: {  	_ =	strace $0x9000004A  }
0x13c: {  	s0 =	stileid.u32;
	[bflag:$0x2] =	sbarrier.arrive $0xFFFF  }
0x13d: {  	p0 =	sne.s32 s0, $0x0;
	s0 =	rddreg [dreg:$0x2]  }
0x13e: {  	s0 =	sadd.s32 @!p0 $0x100000, s0  }
0x13f: {  	[sflag:s0] =	ssyncadd.tile.s32 @!p0 $0x1;
	_ =	shalt  }
.Lfunc_end2:
_tile_overlayer_lowered:
.L_overlay_start_2:
0x140: {  	(tag) =	ssettag $0x2  }
0x141: {  	s0 =	rddreg [dreg:$0x0];
	s2 =	stileid.u32  }
0x142: {  	s1 =	rddreg [dreg:$0x1];
	p0 =	sne.s32 s2, $0x0  }
0x143: {  	s3 =	rddreg [dreg:$0x2];
	[bflag:$0x3] =	sbarrier.arrive $0xFFFF;
	s2 =	simm.s32 @!p0 $0x1C02  }
0x144: {  	[timem:s3], [sflag:s2] =	dma.local @!p0 [hbm:s0], s1  }
0x145: {  	s0 =	simm.s32 @!p0 $0x2  }
0x146: {  	_ =	swait.ge @!p0 [sflag:s0], s1  }
0x147: {  	s1 =	ssub.s32 @!p0 $0x0, s1;
	[sflag:s0] =	ssyncset.done @!p0 $0x0  }
0x148: {  	[sflag:s0] =	ssyncadd.s32 @!p0 s1  }
0x149: {  	[bflag:$0x3] =	sbarrier.arrive $0xFFFF  }
0x14a: {  	_ =	shalt  }

// kernel: kernel.16.cloned.1.call-start
scs
__scs_entry_jumppad:
0x0: {  	(pc) =	sbr.rel $0x88, $3  }
0x1: {  	(tag) =	ssettag $0x0;
	lr =	simm.s32 $0x1  }
0x2: {  	[smem:$0x3F9B] =	sst lr;
	_ =	strace $0xD0000000  }
0x3: {  	_ = 	snop  }
0x4: {  	_ = 	snop  }
0x5: {  	_ = 	snop  }
0x6: {  	_ = 	snop  }
0x7: {  	_ = 	snop  }
__scs_overlays_trampoline_lowered:
0x8: {  	[smem:$0x3FAA] =	sst s0  }
0x9: {  	[smem:$0x3FAB] =	sst s1  }
0xa: {  	[smem:$0x3FAC] =	sst s2  }
0xb: {  	[smem:$0x3FAD] =	sst s3  }
0xc: {  	[smem:$0x3FAE] =	sst s4  }
0xd: {  	[smem:$0x3FAF] =	sst s5  }
0xe: {  	[smem:$0x3FB0] =	sst s6  }
0xf: {  	[smem:$0x3FB1] =	sst s7  }
0x10: {  	[smem:$0x3FB2] =	sst s8  }
0x11: {  	[smem:$0x3FB3] =	sst s9;
	s0 =	simm.s32 @!p0 $0x0  }
0x12: {  	s1 =	sld [smem:$0x3F99];
	s0 =	simm.s32 @p0 $0x1  }
0x13: {  	[smem:$0x3FB4] =	sst s0;
	s0 =	simm.s32 @!p1 $0x0  }
0x14: {  	s2 =	sld [smem:$0x3F98];
	s0 =	simm.s32 @p1 $0x1  }
0x15: {  	[smem:$0x3FB5] =	sst s0;
	s0 =	simm.s32 @!p2 $0x0  }
0x16: {  	s3 =	sld [smem:$0x3FDB];
	s0 =	simm.s32 @p2 $0x1  }
0x17: {  	s4 =	simm.s32 $0x1BF5;
	[smem:$0x3FB7] =	sst s0  }
0x18: {  	s0 =	sld [smem:$0x3F9A];
	_ =	swait.ge [sflag:s4], $0x0  }
0x19: {  	s7 =	sld [smem:$0x3F9B]  }
0x1a: {  	s8 =	sadd.s32 $0xFFFFE003, lr  }
0x1b: {  	s9 =	sadd.s32 $0xFFFFFEF7, lr;
	s5 =	simm.s32 $0xFFFFFFFF;
	p2 =	slt.u32 s8, $0xFFFFF086  }
0x1c: {  	p1 =	slt.u32 s9, $0xF7A;
	s5 =	simm.s32 @!p2 $0x0  }
0x1d: {  	s5 =	simm.s32 @p1 $0x1;
	p0 =	seq.s32 s7, s2  }
0x1e: {  	s7 =	smul.u32 @!p0 $0xF7A, s2;
	p2 =	seq.s32 @!p0 s5, $0x0  }
0x1f: {  	s9 =	smul.u32 $0xF7A, s1;
	s8 =	simm.s32 @!p0 $0x1BF5;
	p2 =	por !p2, p0  }
0x20: {  	[sflag:s8] =	ssyncset.s32 @!p0 $0xFFFFF086;
	s6 =	sadd.s32 @!p0 s3, s7;
	s7 =	simm.s32 @!p0 $0x108  }
0x21: {  	s3 =	sadd.s32 s3, s9;
	s6 =	sadd.s32 @!p0 $0x88, s6;
	s7 =	simm.s32 @p2 $0x1082  }
0x22: {  	[simem:s7], [sflag:s8] =	dma.local @!p0 [hbm:s6], $0xF7A  }
0x23: {  	s9 =	sor.u32 $0xD0000000, s2;
	s6 =	simm.s32 $0x108;
	_ =	swait.ge @!p0 [sflag:s8], $0x0  }
0x24: {  	s3 =	sadd.s32 $0x88, s3;
	s6 =	simm.s32 @!p1 $0x1082;
	[sflag:s4] =	ssyncset.s32 $0xFFFFF086  }
0x25: {  	[simem:s6], [sflag:s4] =	dma.local [hbm:s3], $0xF7A  }
0x26: {  	[smem:$0x3F9B] =	sst s1;
	(tag) =	ssettag s2;
	_ =	strace s9  }
0x27: {  	s1 =	sld [smem:$0x3FAB]  }
0x28: {  	s2 =	sld [smem:$0x3FAC]  }
0x29: {  	s4 =	sld [smem:$0x3FAE]  }
0x2a: {  	p0 =	seq.s32 s5, $0x0;
	s5 =	sld [smem:$0x3FAF]  }
0x2b: {  	s6 =	sld [smem:$0x3FB0]  }
0x2c: {  	s7 =	sld [smem:$0x3FB1]  }
0x2d: {  	s3 =	simm.s32 $0x108;
	s8 =	sld [smem:$0x3FB2]  }
0x2e: {  	s3 =	simm.s32 @!p0 $0x1082;
	s9 =	sld [smem:$0x3FB3]  }
0x2f: {  	lr =	sadd.s32 s0, s3;
	s0 =	sld [smem:$0x3FAA]  }
0x30: {  	s3 =	sld [smem:$0x3FAD]  }
0x31: {  	[smem:$0x3FB6] =	sst s10  }
0x32: {  	s10 =	sld [smem:$0x3FB4];
	_ =	sdelay $0x3  }
0x33: {  	p0 =	seq.s32 s10, $0x1;
	s10 =	sld [smem:$0x3FB6];
	_ =	sdelay $0x3  }
0x34: {  	[smem:$0x3FB6] =	sst s10  }
0x35: {  	s10 =	sld [smem:$0x3FB5];
	_ =	sdelay $0x3  }
0x36: {  	p1 =	seq.s32 s10, $0x1;
	s10 =	sld [smem:$0x3FB6];
	_ =	sdelay $0x3  }
0x37: {  	[smem:$0x3FB6] =	sst s10  }
0x38: {  	s10 =	sld [smem:$0x3FB7]  }
0x39: {  	_ = 	snop;
	(pc) =	sbr.ind lr, $3  }
0x3a: {  	_ = 	snop  }
0x3b: {  	_ = 	snop  }
0x3c: {  	p2 =	seq.s32 s10, $0x1;
	s10 =	sld [smem:$0x3FB6]  }
0x3d: {  	_ =	shalt  }
0x3e: {  	_ =	shalt  }
0x3f: {  	_ =	shalt  }
0x40: {  	_ =	shalt  }
0x41: {  	_ =	shalt  }
0x42: {  	_ =	shalt  }
0x43: {  	_ =	shalt  }
0x44: {  	_ =	shalt  }
0x45: {  	_ =	shalt  }
0x46: {  	_ =	shalt  }
0x47: {  	_ =	shalt  }
0x48: {  	_ =	shalt  }
0x49: {  	_ =	shalt  }
0x4a: {  	_ =	shalt  }
0x4b: {  	_ =	shalt  }
0x4c: {  	_ =	shalt  }
0x4d: {  	_ =	shalt  }
0x4e: {  	_ =	shalt  }
0x4f: {  	_ =	shalt  }
0x50: {  	_ =	shalt  }
0x51: {  	_ =	shalt  }
0x52: {  	_ =	shalt  }
0x53: {  	_ =	shalt  }
0x54: {  	_ =	shalt  }
0x55: {  	_ =	shalt  }
0x56: {  	_ =	shalt  }
0x57: {  	_ =	shalt  }
0x58: {  	_ =	shalt  }
0x59: {  	_ =	shalt  }
0x5a: {  	_ =	shalt  }
0x5b: {  	_ =	shalt  }
0x5c: {  	_ =	shalt  }
0x5d: {  	_ =	shalt  }
0x5e: {  	_ =	shalt  }
0x5f: {  	_ =	shalt  }
0x60: {  	_ =	shalt  }
0x61: {  	_ =	shalt  }
0x62: {  	_ =	shalt  }
0x63: {  	_ =	shalt  }
0x64: {  	_ =	shalt  }
0x65: {  	_ =	shalt  }
0x66: {  	_ =	shalt  }
0x67: {  	_ =	shalt  }
0x68: {  	_ =	shalt  }
0x69: {  	_ =	shalt  }
0x6a: {  	_ =	shalt  }
0x6b: {  	_ =	shalt  }
0x6c: {  	_ =	shalt  }
0x6d: {  	_ =	shalt  }
0x6e: {  	_ =	shalt  }
0x6f: {  	_ =	shalt  }
0x70: {  	_ =	shalt  }
0x71: {  	_ =	shalt  }
0x72: {  	_ =	shalt  }
0x73: {  	_ =	shalt  }
0x74: {  	_ =	shalt  }
0x75: {  	_ =	shalt  }
0x76: {  	_ =	shalt  }
0x77: {  	_ =	shalt  }
0x78: {  	_ =	shalt  }
0x79: {  	_ =	shalt  }
0x7a: {  	_ =	shalt  }
0x7b: {  	_ =	shalt  }
0x7c: {  	_ =	shalt  }
0x7d: {  	_ =	shalt  }
0x7e: {  	_ =	shalt  }
0x7f: {  	_ =	shalt  }
0x80: {  	_ =	shalt  }
0x81: {  	_ =	shalt  }
0x82: {  	_ =	shalt  }
0x83: {  	_ =	shalt  }
0x84: {  	_ =	shalt  }
0x85: {  	_ =	shalt  }
0x86: {  	_ =	shalt  }
0x87: {  	_ =	shalt  }
.Lfunc_end0:
.L_simem_size_0:
called_computation.2_lowered:
.L_overlay_start_0:
0x88: {  	s2 =	sld [smem:$0x3FD9]  }
0x89: {  	s3 =	sld [smem:$0x3FFE];
	_ =	sdelay $0x1  }
0x8a: {  	s1 =	srdreg.scid  }
0x8b: {  	s0 =	sand.u32 $0x1, s1  }
0x8c: {  	s17 =	sshll.u32 s0, $0xA;
	s2 =	sadd.s32 s3, s2  }
0x8d: {  	s2 =	sadd.s32 s2, s17  }
0x8e: {  	[smem:$0x3FC2] =	sst s2  }
0x8f: {  	_ = 	snop  }
0x90: {  	(tm) =	ssettm $0x1  }
0x91: {  	s18 =	sld [smem:$0x3FFB];
	_ =	sdelay $0x3  }
0x92: {  	_ =	strace s18  }
0x93: {  	s2 =	sld [smem:$0x3FFC];
	_ =	sdelay $0x3  }
0x94: {  	_ =	strace s2  }
0x95: {  	s2 =	sld [smem:$0x3FFD];
	_ =	sdelay $0x3  }
0x96: {  	_ =	strace s2  }
0x97: {  	_ =	strace $0x8FFFFFFF  }
0x98: {  	s19 =	sld [smem:$0x3FDB];
	_ =	sdelay $0x1  }
0x99: {  	s20 =	simm.s32 $_scs_section_size  }
0x9a: {  	s4 =	simm.s32 $_size__tile_overlayer_lowered;
	s5 =	simm.s32 $_tile_overlayer_lowered  }
0x9b: {  	s6 =	simm.s32 $0x1BFF;
	s21 =	sshll.u32 s5, $0x1;
	s3 =	sadd.s32 s20, s19  }
0x9c: {  	s22 =	simm.s32 $0x0;
	s4 =	sshll.u32 s4, $0x1;
	s5 =	sadd.s32 s21, s3  }
0x9d: {  	[timem:s22], [sflag:s6] =	dma.local [hbm:s5], s4  }
0x9e: {  	_ =	swait.ge [sflag:s6], s4  }
0x9f: {  	s4 =	ssub.s32 $0x0, s4;
	[sflag:s6] =	ssyncset.done $0x0  }
0xa0: {  	[sflag:s6] =	ssyncadd.s32 s4;
	_ =	sdelay $0x1  }
0xa1: {  	s23 =	simm.s32 $0x1B8B  }
0xa2: {  	_ =	swait.ge [sflag:s23], $0x1  }
0xa3: {  	[sflag:s23] =	ssyncset.done $0x0  }
0xa4: {  	[sflag:s23] =	ssyncadd.s32 $0xFFFFFFFF  }
0xa5: {  	s4 =	sld [smem:$0x0]  }
0xa6: {  	s5 =	sand.u32 $0xFFFFFFFE, s1  }
0xa7: {  	p0 =	sne.s32 s1, s5  }
0xa8: {  	s5 =	sshll.u32 @p0 s5, $0xE  }
0xa9: {  	s5 =	sadd.s32 @p0 $0x11B8D, s5;
	s6 =	sshll.u32 @p0 s4, $0x11  }
0xaa: {  	s5 =	sor.u32 @p0 s6, s5  }
0xab: {  	[sflag:s5] =	ssyncadd.remote.s32 @p0 $0x1;
	_ =	sdelay $0x1  }
0xac: {  	s5 =	simm.s32 @p0 $0x1B8D  }
0xad: {  	_ =	swait.eq @p0 [sflag:s5], $0x1  }
0xae: {  	[sflag:s5] =	ssyncadd.s32 @p0 $0xFFFFFFFF  }
0xaf: {  	s6 =	sshll.u32 @!p0 s1, $0xE  }
0xb0: {  	s6 =	sor.u32 @!p0 $0x4000, s6;
	s5 =	simm.s32 @!p0 $0x1B8D  }
0xb1: {  	s4 =	sshll.u32 @!p0 s4, $0x11;
	s6 =	sadd.s32 @!p0 $0x11B8D, s6;
	_ =	swait.eq @!p0 [sflag:s5], $0x1  }
0xb2: {  	s4 =	sor.u32 @!p0 s4, s6;
	[sflag:s5] =	ssyncadd.s32 @!p0 $0xFFFFFFFF  }
0xb3: {  	s25 =	simm.s32 $0x1B8E;
	s24 =	sld [smem:$0x3FFE];
	[sflag:s4] =	ssyncadd.remote.s32 @!p0 $0x1  }
0xb4: {  	s26 =	simm.s32 $execute0_lowered;
	[smem:$0x3FD2] =	sst s25  }
0xb5: {  	s5 =	sshll.u32 s26, $0x1;
	_ =	strace $0x8000004C;
	[dreg:$0x1] =	wrdreg $0xFFFFFFFF  }
0xb6: {  	s28 =	simm.s32 $_size_execute0_lowered;
	s3 =	sadd.s32 s3, s5;
	[dreg:$0x0] =	wrdreg $0x0  }
0xb7: {  	s5 =	sshll.u32 s28, $0x1;
	[dreg:$0x2] =	wrdreg s3  }
0xb8: {  	[dreg:$0x3] =	wrdreg s5  }
0xb9: {  	[dreg:$0x4] =	wrdreg $0xC0  }
0xba: {  	_ =	task [dreg:s22], $0x5FFFF  }
0xbb: {  	[dreg:$0x1] =	wrdreg $0xFFFFFFFF  }
0xbc: {  	[dreg:$0x0] =	wrdreg $0x60  }
0xbd: {  	[dreg:$0x2] =	wrdreg s24  }
0xbe: {  	[dreg:$0x3] =	wrdreg $0x0  }
0xbf: {  	[dreg:$0x4] =	wrdreg $0xA  }
0xc0: {  	_ =	task.clear_ibuf [dreg:s22], $0x5FFFF;
	_ =	strace $0x9000004C  }
0xc1: {  	s29 =	simm.s32 $0xA;
	_ =	strace $0x8000004E  }
0xc2: {  	_ =	swait.ge [sflag:s29], $0x1  }
0xc3: {  	[sflag:s29] =	ssyncadd.s32 $0xFFFFFFFF  }
0xc4: {  	_ =	strace $0x9000004E  }
0xc5: {  	_ =	sfence  }
0xc6: {  	s30 =	sld [smem:$0x0];
	_ =	sdelay $0x2  }
0xc7: {  	s31 =	sshll.u32 s1, $0xD;
	s1 =	sshrl.u32 s1, $0x2  }
0xc8: {  	s4 =	sand.u32 $0x4000, s31;
	s1 =	sadd.s32 s1, s30  }
0xc9: {  	s0 =	sor.u32 s4, s0;
	s1 =	sshll.u32 s1, $0x11  }
0xca: {  	s0 =	sor.u32 s1, s0  }
0xcb: {  	s0 =	sadd.s32 $0x8F2B, s0  }
0xcc: {  	[sflag:s0] =	ssyncadd.remote.s32 $0x1  }
0xcd: {  	_ =	sfence.sel $0xFFFF  }
0xce: {  	[dreg:$0x0] =	wrdreg $0xFFFFFFFF;
	(pc) =	sbr.abs _section_cstart, $3  }
0xcf: {  	[dreg:$0x1] =	wrdreg $0xFFFFFFFF  }
0xd0: {  	_ =	task.clear_ibuf [dreg:s22], $0x2FFFF;
	_ =	strace $0x9FFFFFFF  }
0xd1: {  	(tm) =	ssettm $0x7FFFFFFF  }
tec
execute0_lowered:
.L_overlay_start_1:
0x0: {  	(tag) =	ssettag $0x1  }
0x1: {  	s0 =	rddreg [dreg:$0x0]  }
0x2: {  	s1 =	rddreg [dreg:$0x1];
	s3 =	simm.s32 $0x0;
	s11 =	stileid.u32  }
0x3: {  	s6 =	srdreg.scid;
	s30 =	simm.s32 $0x18ED0;
	s2 =	smul.u32 $0x30D4, s11  }
0x4: {  	s31 =	simm.s32 $0x2;
	[smem:$0x7FF] =	sst s3;
	s7 =	smul.u32 $0x18700, s11  }
0x5: {  	s4 =	sadd.s32 $0x27E200, s0;
	s5 =	sadd.s32 $0x2AF000, s0;
	s9 =	smul.u32 $0x61C00, s11  }
0x6: {  	s6 =	sand.u32 $0x1, s6;
	s8 =	sadd.s32 $0x310C00, s0;
	s21 =	smul.u32 $0x1870, s11  }
0x7: {  	s11 =	smul.u32 $0x30E0, s11;
	_ =	strace $0x8000004D;
	[dreg:$0x3] =	wrdreg s8  }
0x8: {  	s25 =	ssub.s32 $0x2, s6;
	p0 =	seq.s32 s6, $0x1;
	s2 =	sadd.s32 s2, s0  }
0x9: {  	s0 =	sadd.s32 $0x2DFE00, s0;
	s26 =	sshrl.u32 s25, $0x1;
	s7 =	sadd.s32 $0x17700, s7  }
0xa: {  	s9 =	sshrl.u32 s9, $0x2;
	s12 =	sadd.s32 $0x3E8, s21;
	s18 =	sadd.s32 $0x7D0, s21  }
0xb: {  	s20 =	sadd.s32 $0xBB8, s21;
	s23 =	sadd.s32 $0xFA0, s21;
	[dreg:$0x8] =	wrdreg s11  }
0xc: {  	s24 =	sadd.s32 $0x1388, s21;
	[dreg:$0x4] =	wrdreg s0;
	s0 =	ssub.s32 s25, s26  }
0xd: {  	s28 =	sshrl.u32 s7, $0x3;
	s13 =	sadd.s32 s9, s1;
	s14 =	sshll.u32 s12, $0x1  }
0xe: {  	s19 =	sshll.u32 s18, $0x4;
	s22 =	sshll.u32 s20, $0x4;
	s25 =	sshll.u32 s24, $0x4  }
0xf: {  	s9 =	sadd.s32 s5, s11;
	s29 =	sadd.s32 s4, s28;
	s0 =	smax.u32 s0, $0x1  }
0x10: {  	s17 =	sadd.s32 s19, s1;
	s19 =	sadd.s32 s22, s1;
	[dreg:$0x7] =	wrdreg s28  }
0x11: {  	s22 =	sshll.u32 s24, $0x1;
	s24 =	sadd.s32 $0x33A00, s2;
	[dreg:$0x10] =	wrdreg s9  }
0x12: {  	s26 =	sadd.s32 s5, s28;
	s28 =	sadd.s32 s4, s11;
	[dreg:$0x5] =	wrdreg s29  }
0x13: {  	s11 =	sadd.s32 s5, s14;
	[dreg:$0x6] =	wrdreg s0;
	s0 =	sshll.u32 s12, $0x4  }
0x14: {  	s12 =	sshll.u32 s18, $0x1;
	s18 =	sshll.u32 s20, $0x1;
	[dreg:$0x9] =	wrdreg s26  }
0x15: {  	s20 =	sshll.u32 s23, $0x1;
	[dreg:$0xa] =	wrdreg s28;
	s29 =	sadd.s32 s4, s14  }
0x16: {  	s8 =	sadd.s32 s4, s22;
	[dreg:$0x11] =	wrdreg s11;
	s15 =	sadd.s32 s0, s1  }
0x17: {  	s0 =	sshll.u32 s23, $0x4;
	s23 =	sadd.s32 s25, s1;
	[dreg:$0xb] =	wrdreg s29  }
0x18: {  	s25 =	sadd.s32 $0x2C00, s2;
	s2 =	sadd.s32 s4, s12;
	[dreg:$0xf] =	wrdreg s8  }
0x19: {  	s10 =	sadd.s32 s7, s1;
	s6 =	sadd.s32 s4, s18;
	[dreg:$0xc] =	wrdreg s2  }
0x1a: {  	s16 =	smov.u32 s14;
	s7 =	sadd.s32 s4, s20;
	[dreg:$0xd] =	wrdreg s6  }
0x1b: {  	s14 =	smov.u32 s12;
	s12 =	sadd.s32 s5, s12;
	[dreg:$0xe] =	wrdreg s7  }
.Ltmp0:
0x1c: {  	s26 =	sadd.s32 s5, s18;
	[dreg:$0x12] =	wrdreg s12;
	(pc) =	sbr.rel .LBB2_1-.Ltmp0, $4  }
0x1d: {  	s9 =	simm.s32 $0x18AE8;
	s28 =	sadd.s32 s5, s20;
	[dreg:$0x13] =	wrdreg s26  }
0x1e: {  	s29 =	sadd.s32 s5, s22;
	s21 =	sadd.s32 s0, s1;
	[dreg:$0x14] =	wrdreg s28  }
0x1f: {  	[dreg:$0x15] =	wrdreg s29;
	s0 =	simm.s32 $0x1CD50;
	s2 =	simm.s32 $0x18700  }
0x20: {  	s6 =	simm.s32 $0x3E8;
	s7 =	simm.s32 $0x1;
	s26 =	simm.s32 $0x0  }
.LBB2_7:
0x21: {  	s8 =	sadd.s32 s28, s25;
	[sflag:s31] =	ssyncadd.s32 $0xFFFFC180  }
0x22: {  	[tilespmem:s2], [sflag:$0x2] =	stream.linear.gather [hbm4b:s8+s3], $0x3E8, $0x38;
	[tilespmem:$0x1DD50] =	vst v63  }
0x23: {  	_ =	swait.ge [sflag:s31], $0x3E8  }
0x24: {  	[sflag:s31] =	ssyncset.done $0x0  }
0x25: {  	[sflag:s31] =	ssyncadd.s32 $0xFFFFFC18  }
0x26: {  	[tilespmem:s30], [sflag:$0x1] =	stream.indirect.gather [hbm4b:s5+s6], $0x10, s2, s6, $0xb8;
	[tilespmem:$0x1DD50] =	vst v63  }
0x27: {  	_ =	swait.ge [sflag:s7], $0x3E80  }
0x28: {  	[sflag:s7] =	ssyncset.done $0x0  }
0x29: {  	s29 =	sadd.s32 s28, s24;
	[sflag:s7] =	ssyncadd.s32 $0xFFFFC180  }
0x2a: {  	[tilespmem:s9], [sflag:$0x2] =	stream.linear.gather [hbm4b:s29+s3], $0x3E8, $0x38;
	[tilespmem:$0x1DD50] =	vst v63  }
0x2b: {  	_ =	swait.ge [sflag:s31], $0x3E8  }
0x2c: {  	[sflag:s31] =	ssyncset.done $0x0  }
0x2d: {  	[sflag:s31] =	ssyncadd.s32 $0xFFFFFC18  }
0x2e: {  	[spmem:s1] =	stream.indirect.scatter.add.f32 [tilespmem:s30], [sflag:$0x2], $0x10, s9, s6, $0xb8;
	[tilespmem:$0x1DD50] =	vst v63  }
0x2f: {  	_ =	swait.ge [sflag:s31], $0x3E80  }
0x30: {  	[sflag:s31] =	ssyncset.done $0x0  }
0x31: {  	s28 =	rddreg [dreg:$0x4];
	[sflag:s31] =	ssyncadd.s32 $0xFFFFC180  }
.LBB2_8:
0x32: {  	[bflag:$0x0] =	sbarrier.arrive $0xFFFF  }
0x33: {  	[tilespmem:s30], [sflag:$0x2] =	stream.linear.gather [spmem:s13], $0x3E80, $0x38;
	[tilespmem:$0x1DD50] =	vst v63  }
0x34: {  	_ =	swait.ge [sflag:s31], $0x3E80  }
0x35: {  	[sflag:s31] =	ssyncset.done $0x0;
	s8 =	rddreg [dreg:$0x8]  }
0x36: {  	s8 =	sadd.s32 s28, s8;
	[sflag:s31] =	ssyncadd.s32 $0xFFFFC180  }
0x37: {  	[hbm4b:s8+s3] =	stream.linear.scatter [tilespmem:s30], [sflag:$0x2], $0x3E80, $0x38;
	[tilespmem:$0x1DD50] =	vst v63  }
0x38: {  	_ =	swait.ge [sflag:s31], $0x3E80  }
0x39: {  	[sflag:s31] =	ssyncset.done $0x0  }
0x3a: {  	[sflag:s31] =	ssyncadd.s32 $0xFFFFC180  }
0x3b: {  	[tilespmem:s30], [sflag:$0x2] =	stream.linear.gather [spmem:s15], $0x3E80, $0x38;
	[tilespmem:$0x1DD50] =	vst v63  }
0x3c: {  	_ =	swait.ge [sflag:s31], $0x3E80  }
0x3d: {  	[sflag:s31] =	ssyncset.done $0x0  }
0x3e: {  	s29 =	sadd.s32 s28, s16;
	[sflag:s31] =	ssyncadd.s32 $0xFFFFC180  }
0x3f: {  	[hbm4b:s29+s3] =	stream.linear.scatter [tilespmem:s30], [sflag:$0x2], $0x3E80, $0x38;
	[tilespmem:$0x1DD50] =	vst v63  }
0x40: {  	_ =	swait.ge [sflag:s31], $0x3E80  }
0x41: {  	[sflag:s31] =	ssyncset.done $0x0  }
0x42: {  	[sflag:s31] =	ssyncadd.s32 $0xFFFFC180  }
0x43: {  	[tilespmem:s30], [sflag:$0x2] =	stream.linear.gather [spmem:s17], $0x3E80, $0x38;
	[tilespmem:$0x1DD50] =	vst v63  }
0x44: {  	_ =	swait.ge [sflag:s31], $0x3E80  }
0x45: {  	[sflag:s31] =	ssyncset.done $0x0  }
0x46: {  	s11 =	sadd.s32 s28, s14;
	[sflag:s31] =	ssyncadd.s32 $0xFFFFC180  }
0x47: {  	[hbm4b:s11+s3] =	stream.linear.scatter [tilespmem:s30], [sflag:$0x2], $0x3E80, $0x38;
	[tilespmem:$0x1DD50] =	vst v63  }
0x48: {  	_ =	swait.ge [sflag:s31], $0x3E80  }
0x49: {  	[sflag:s31] =	ssyncset.done $0x0  }
0x4a: {  	[sflag:s31] =	ssyncadd.s32 $0xFFFFC180  }
0x4b: {  	[tilespmem:s30], [sflag:$0x2] =	stream.linear.gather [spmem:s19], $0x3E80, $0x38;
	[tilespmem:$0x1DD50] =	vst v63  }
0x4c: {  	_ =	swait.ge [sflag:s31], $0x3E80  }
0x4d: {  	[sflag:s31] =	ssyncset.done $0x0  }
0x4e: {  	s12 =	sadd.s32 s28, s18;
	[sflag:s31] =	ssyncadd.s32 $0xFFFFC180  }
0x4f: {  	[hbm4b:s12+s3] =	stream.linear.scatter [tilespmem:s30], [sflag:$0x2], $0x3E80, $0x38;
	[tilespmem:$0x1DD50] =	vst v63  }
0x50: {  	_ =	swait.ge [sflag:s31], $0x3E80  }
0x51: {  	[sflag:s31] =	ssyncset.done $0x0  }
0x52: {  	[sflag:s31] =	ssyncadd.s32 $0xFFFFC180  }
0x53: {  	[tilespmem:s30], [sflag:$0x2] =	stream.linear.gather [spmem:s21], $0x3E80, $0x38;
	[tilespmem:$0x1DD50] =	vst v63  }
0x54: {  	_ =	swait.ge [sflag:s31], $0x3E80  }
0x55: {  	[sflag:s31] =	ssyncset.done $0x0  }
0x56: {  	s29 =	sadd.s32 s28, s20;
	[sflag:s31] =	ssyncadd.s32 $0xFFFFC180  }
0x57: {  	[hbm4b:s29+s3] =	stream.linear.scatter [tilespmem:s30], [sflag:$0x2], $0x3E80, $0x38;
	[tilespmem:$0x1DD50] =	vst v63  }
0x58: {  	_ =	swait.ge [sflag:s31], $0x3E80  }
0x59: {  	[sflag:s31] =	ssyncset.done $0x0  }
0x5a: {  	[sflag:s31] =	ssyncadd.s32 $0xFFFFC180  }
0x5b: {  	[tilespmem:s30], [sflag:$0x2] =	stream.linear.gather [spmem:s23], $0x3E80, $0x38;
	[tilespmem:$0x1DD50] =	vst v63  }
0x5c: {  	_ =	swait.ge [sflag:s31], $0x3E80  }
0x5d: {  	[sflag:s31] =	ssyncset.done $0x0  }
0x5e: {  	s11 =	sadd.s32 s28, s22;
	[sflag:s31] =	ssyncadd.s32 $0xFFFFC180  }
0x5f: {  	[hbm4b:s11+s3] =	stream.linear.scatter [tilespmem:s30], [sflag:$0x2], $0x3E80, $0x38;
	[tilespmem:$0x1DD50] =	vst v63  }
0x60: {  	_ =	swait.ge [sflag:s31], $0x3E80  }
0x61: {  	[sflag:s31] =	ssyncset.done $0x0  }
0x62: {  	[sflag:s31] =	ssyncadd.s32 $0xFFFFC180  }
0x63: {  	[tilespmem:s0], [sflag:$0x2] =	stream.linear.gather [spmem:s10], $0x1000, $0x38;
	[tilespmem:$0x1DD50] =	vst v63  }
0x64: {  	_ =	swait.ge [sflag:s31], $0x1000  }
0x65: {  	[sflag:s31] =	ssyncset.done $0x0;
	s12 =	rddreg [dreg:$0x7]  }
0x66: {  	s8 =	sadd.s32 s28, s12;
	[sflag:s31] =	ssyncadd.s32 $0xFFFFF000  }
0x67: {  	[hbm4b:s8+s3] =	stream.linear.scatter [tilespmem:s0], [sflag:$0x2], $0x1000, $0x38;
	[tilespmem:$0x1DD50] =	vst v63  }
0x68: {  	_ =	swait.ge [sflag:s31], $0x1000  }
0x69: {  	s26 =	sadd.s32 $0x1, s26;
	s29 =	rddreg [dreg:$0x6]  }
0x6a: {  	p1 =	sne.s32 s26, s29  }
.Ltmp1:
0x6b: {  	_ = 	snop;
	(pc) =	sbr.rel @!p1 .LBB2_9-.Ltmp1, $3  }
0x6c: {  	_ =	sdelay $0x1  }
0x6d: {  	[sflag:s31] =	ssyncset.done $0x0  }
0x6e: {  	[sflag:s31] =	ssyncadd.s32 $0xFFFFF000  }
.LBB2_1:
.Ltmp2:
0x6f: {  	(pc) =	sbr.rel @!p0 .LBB2_2-.Ltmp2, $2  }
0x70: {  	_ =	sdelay $0x2  }
0x71: {  	s28 =	simm.s32 $0x0  }
0x72: {  	s8 =	rddreg [dreg:$0x10]  }
0x73: {  	[tilespmem:s30], [sflag:$0x2] =	stream.linear.gather [hbm4b:s8+s28], $0x3E80, $0x38;
	[tilespmem:$0x1DD50] =	vst v63  }
0x74: {  	_ =	swait.ge [sflag:s31], $0x3E80  }
0x75: {  	[sflag:s31] =	ssyncset.done $0x0  }
0x76: {  	[sflag:s31] =	ssyncadd.s32 $0xFFFFC180  }
0x77: {  	[spmem:s13] =	stream.linear.scatter [tilespmem:s30], [sflag:$0x2], $0x3E80, $0x38;
	[tilespmem:$0x1DD50] =	vst v63  }
0x78: {  	_ =	swait.ge [sflag:s31], $0x3E80  }
0x79: {  	[sflag:s31] =	ssyncset.done $0x0  }
0x7a: {  	s11 =	rddreg [dreg:$0x11];
	[sflag:s31] =	ssyncadd.s32 $0xFFFFC180  }
0x7b: {  	[tilespmem:s30], [sflag:$0x2] =	stream.linear.gather [hbm4b:s11+s28], $0x3E80, $0x38;
	[tilespmem:$0x1DD50] =	vst v63  }
0x7c: {  	_ =	swait.ge [sflag:s31], $0x3E80  }
0x7d: {  	[sflag:s31] =	ssyncset.done $0x0  }
0x7e: {  	[sflag:s31] =	ssyncadd.s32 $0xFFFFC180  }
0x7f: {  	[spmem:s15] =	stream.linear.scatter [tilespmem:s30], [sflag:$0x2], $0x3E80, $0x38;
	[tilespmem:$0x1DD50] =	vst v63  }
0x80: {  	_ =	swait.ge [sflag:s31], $0x3E80  }
0x81: {  	[sflag:s31] =	ssyncset.done $0x0  }
0x82: {  	s12 =	rddreg [dreg:$0x12];
	[sflag:s31] =	ssyncadd.s32 $0xFFFFC180  }
0x83: {  	[tilespmem:s30], [sflag:$0x2] =	stream.linear.gather [hbm4b:s12+s28], $0x3E80, $0x38;
	[tilespmem:$0x1DD50] =	vst v63  }
0x84: {  	_ =	swait.ge [sflag:s31], $0x3E80  }
0x85: {  	[sflag:s31] =	ssyncset.done $0x0  }
0x86: {  	[sflag:s31] =	ssyncadd.s32 $0xFFFFC180  }
0x87: {  	[spmem:s17] =	stream.linear.scatter [tilespmem:s30], [sflag:$0x2], $0x3E80, $0x38;
	[tilespmem:$0x1DD50] =	vst v63  }
0x88: {  	_ =	swait.ge [sflag:s31], $0x3E80  }
0x89: {  	[sflag:s31] =	ssyncset.done $0x0  }
0x8a: {  	s11 =	rddreg [dreg:$0x13];
	[sflag:s31] =	ssyncadd.s32 $0xFFFFC180  }
0x8b: {  	[tilespmem:s30], [sflag:$0x2] =	stream.linear.gather [hbm4b:s11+s28], $0x3E80, $0x38;
	[tilespmem:$0x1DD50] =	vst v63  }
0x8c: {  	_ =	swait.ge [sflag:s31], $0x3E80  }
0x8d: {  	[sflag:s31] =	ssyncset.done $0x0  }
0x8e: {  	[sflag:s31] =	ssyncadd.s32 $0xFFFFC180  }
0x8f: {  	[spmem:s19] =	stream.linear.scatter [tilespmem:s30], [sflag:$0x2], $0x3E80, $0x38;
	[tilespmem:$0x1DD50] =	vst v63  }
0x90: {  	_ =	swait.ge [sflag:s31], $0x3E80  }
0x91: {  	[sflag:s31] =	ssyncset.done $0x0  }
0x92: {  	s12 =	rddreg [dreg:$0x14];
	[sflag:s31] =	ssyncadd.s32 $0xFFFFC180  }
0x93: {  	[tilespmem:s30], [sflag:$0x2] =	stream.linear.gather [hbm4b:s12+s28], $0x3E80, $0x38;
	[tilespmem:$0x1DD50] =	vst v63  }
0x94: {  	_ =	swait.ge [sflag:s31], $0x3E80  }
0x95: {  	[sflag:s31] =	ssyncset.done $0x0  }
0x96: {  	[sflag:s31] =	ssyncadd.s32 $0xFFFFC180  }
0x97: {  	[spmem:s21] =	stream.linear.scatter [tilespmem:s30], [sflag:$0x2], $0x3E80, $0x38;
	[tilespmem:$0x1DD50] =	vst v63  }
0x98: {  	_ =	swait.ge [sflag:s31], $0x3E80  }
0x99: {  	[sflag:s31] =	ssyncset.done $0x0  }
0x9a: {  	s11 =	rddreg [dreg:$0x15];
	[sflag:s31] =	ssyncadd.s32 $0xFFFFC180  }
0x9b: {  	[tilespmem:s30], [sflag:$0x2] =	stream.linear.gather [hbm4b:s11+s28], $0x3E80, $0x38;
	[tilespmem:$0x1DD50] =	vst v63  }
0x9c: {  	_ =	swait.ge [sflag:s31], $0x3E80  }
0x9d: {  	[sflag:s31] =	ssyncset.done $0x0  }
0x9e: {  	[sflag:s31] =	ssyncadd.s32 $0xFFFFC180  }
0x9f: {  	[spmem:s23] =	stream.linear.scatter [tilespmem:s30], [sflag:$0x2], $0x3E80, $0x38;
	[tilespmem:$0x1DD50] =	vst v63  }
0xa0: {  	_ =	swait.ge [sflag:s31], $0x3E80  }
0xa1: {  	[sflag:s31] =	ssyncset.done $0x0  }
0xa2: {  	s12 =	rddreg [dreg:$0x9];
	[sflag:s31] =	ssyncadd.s32 $0xFFFFC180  }
0xa3: {  	[tilespmem:s0], [sflag:$0x2] =	stream.linear.gather [hbm4b:s12+s28], $0x1000, $0x38;
	[tilespmem:$0x1DD50] =	vst v63  }
0xa4: {  	_ =	swait.ge [sflag:s31], $0x1000  }
0xa5: {  	[sflag:s31] =	ssyncset.done $0x0  }
0xa6: {  	[sflag:s31] =	ssyncadd.s32 $0xFFFFF000  }
0xa7: {  	[spmem:s10] =	stream.linear.scatter [tilespmem:s0], [sflag:$0x2], $0x1000, $0x38;
	[tilespmem:$0x1DD50] =	vst v63  }
0xa8: {  	_ =	swait.ge [sflag:s31], $0x1000  }
0xa9: {  	[sflag:s31] =	ssyncset.done $0x0  }
0xaa: {  	[sflag:s31] =	ssyncadd.s32 $0xFFFFF000  }
0xab: {  	s11 =	sadd.s32 $0x0, s25;
	[bflag:$0x0] =	sbarrier.arrive $0xFFFF  }
0xac: {  	[tilespmem:s2], [sflag:$0x2] =	stream.linear.gather [hbm4b:s11+s3], $0x3E8, $0x38;
	[tilespmem:$0x1DD50] =	vst v63  }
0xad: {  	_ =	swait.ge [sflag:s31], $0x3E8  }
0xae: {  	[sflag:s31] =	ssyncset.done $0x0  }
0xaf: {  	[sflag:s31] =	ssyncadd.s32 $0xFFFFFC18  }
0xb0: {  	[tilespmem:s30], [sflag:$0x1] =	stream.indirect.gather [hbm4b:s5+s6], $0x10, s2, s6, $0xb8;
	[tilespmem:$0x1DD50] =	vst v63  }
0xb1: {  	_ =	swait.ge [sflag:s7], $0x3E80  }
0xb2: {  	[sflag:s7] =	ssyncset.done $0x0  }
0xb3: {  	s12 =	sadd.s32 $0x0, s24;
	[sflag:s7] =	ssyncadd.s32 $0xFFFFC180  }
0xb4: {  	[tilespmem:s9], [sflag:$0x2] =	stream.linear.gather [hbm4b:s12+s3], $0x3E8, $0x38;
	[tilespmem:$0x1DD50] =	vst v63  }
0xb5: {  	_ =	swait.ge [sflag:s31], $0x3E8  }
0xb6: {  	[sflag:s31] =	ssyncset.done $0x0  }
0xb7: {  	[sflag:s31] =	ssyncadd.s32 $0xFFFFFC18  }
0xb8: {  	[spmem:s1] =	stream.indirect.scatter.add.f32 [tilespmem:s30], [sflag:$0x2], $0x10, s9, s6, $0xb8;
	[tilespmem:$0x1DD50] =	vst v63  }
0xb9: {  	_ =	swait.ge [sflag:s31], $0x3E80  }
0xba: {  	s29 =	simm.s32 $0xFA;
	s28 =	simm.s32 $0x7D;
	[sflag:s31] =	ssyncset.done $0x0  }
.LBB2_6:
0xbb: {  	s8 =	sadd.s32 s28, s25  }
0xbc: {  	[sflag:s31] =	ssyncadd.s32 $0xFFFFC180;
	s11 =	smov.u32 s29;
	s12 =	sadd.s32 $0x7D, s29  }
0xbd: {  	[tilespmem:s2], [sflag:$0x2] =	stream.linear.gather [hbm4b:s8+s3], $0x3E8, $0x38;
	[tilespmem:$0x1DD50] =	vst v63  }
0xbe: {  	p1 =	sne.s32 s29, $0x3057;
	_ =	swait.ge [sflag:s31], $0x3E8  }
0xbf: {  	[sflag:s31] =	ssyncset.done $0x0  }
0xc0: {  	[sflag:s31] =	ssyncadd.s32 $0xFFFFFC18  }
0xc1: {  	[tilespmem:s30], [sflag:$0x1] =	stream.indirect.gather [hbm4b:s5+s6], $0x10, s2, s6, $0xb8;
	[tilespmem:$0x1DD50] =	vst v63  }
0xc2: {  	_ =	swait.ge [sflag:s7], $0x3E80  }
0xc3: {  	[sflag:s7] =	ssyncset.done $0x0  }
0xc4: {  	s8 =	sadd.s32 s28, s24;
	s28 =	smov.u32 s11;
	[sflag:s7] =	ssyncadd.s32 $0xFFFFC180  }
0xc5: {  	[tilespmem:s9], [sflag:$0x2] =	stream.linear.gather [hbm4b:s8+s3], $0x3E8, $0x38;
	[tilespmem:$0x1DD50] =	vst v63  }
0xc6: {  	_ =	swait.ge [sflag:s31], $0x3E8  }
.Ltmp3:
0xc7: {  	[sflag:s31] =	ssyncset.done $0x0;
	(pc) =	sbr.rel @p1 .LBB2_6-.Ltmp3, $4  }
0xc8: {  	[sflag:s31] =	ssyncadd.s32 $0xFFFFFC18  }
0xc9: {  	[spmem:s1] =	stream.indirect.scatter.add.f32 [tilespmem:s30], [sflag:$0x2], $0x10, s9, s6, $0xb8;
	[tilespmem:$0x1DD50] =	vst v63  }
0xca: {  	_ =	swait.ge [sflag:s31], $0x3E80  }
0xcb: {  	s29 =	smov.u32 s12;
	[sflag:s31] =	ssyncset.done $0x0  }
.Ltmp4:
0xcc: {  	_ = 	snop;
	(pc) =	sbr.rel .LBB2_7-.Ltmp4, $1  }
0xcd: {  	_ =	sdelay $0x3  }
.LBB2_2:
0xce: {  	s8 =	rddreg [dreg:$0xa]  }
0xcf: {  	[tilespmem:s30], [sflag:$0x2] =	stream.linear.gather [hbm4b:s8+s28], $0x3E80, $0x38;
	[tilespmem:$0x1DD50] =	vst v63  }
0xd0: {  	_ =	swait.ge [sflag:s31], $0x3E80  }
0xd1: {  	[sflag:s31] =	ssyncset.done $0x0  }
0xd2: {  	[sflag:s31] =	ssyncadd.s32 $0xFFFFC180  }
0xd3: {  	[spmem:s13] =	stream.linear.scatter [tilespmem:s30], [sflag:$0x2], $0x3E80, $0x38;
	[tilespmem:$0x1DD50] =	vst v63  }
0xd4: {  	_ =	swait.ge [sflag:s31], $0x3E80  }
0xd5: {  	[sflag:s31] =	ssyncset.done $0x0  }
0xd6: {  	s11 =	rddreg [dreg:$0xb];
	[sflag:s31] =	ssyncadd.s32 $0xFFFFC180  }
0xd7: {  	[tilespmem:s30], [sflag:$0x2] =	stream.linear.gather [hbm4b:s11+s28], $0x3E80, $0x38;
	[tilespmem:$0x1DD50] =	vst v63  }
0xd8: {  	_ =	swait.ge [sflag:s31], $0x3E80  }
0xd9: {  	[sflag:s31] =	ssyncset.done $0x0  }
0xda: {  	[sflag:s31] =	ssyncadd.s32 $0xFFFFC180  }
0xdb: {  	[spmem:s15] =	stream.linear.scatter [tilespmem:s30], [sflag:$0x2], $0x3E80, $0x38;
	[tilespmem:$0x1DD50] =	vst v63  }
0xdc: {  	_ =	swait.ge [sflag:s31], $0x3E80  }
0xdd: {  	[sflag:s31] =	ssyncset.done $0x0  }
0xde: {  	s12 =	rddreg [dreg:$0xc];
	[sflag:s31] =	ssyncadd.s32 $0xFFFFC180  }
0xdf: {  	[tilespmem:s30], [sflag:$0x2] =	stream.linear.gather [hbm4b:s12+s28], $0x3E80, $0x38;
	[tilespmem:$0x1DD50] =	vst v63  }
0xe0: {  	_ =	swait.ge [sflag:s31], $0x3E80  }
0xe1: {  	[sflag:s31] =	ssyncset.done $0x0  }
0xe2: {  	[sflag:s31] =	ssyncadd.s32 $0xFFFFC180  }
0xe3: {  	[spmem:s17] =	stream.linear.scatter [tilespmem:s30], [sflag:$0x2], $0x3E80, $0x38;
	[tilespmem:$0x1DD50] =	vst v63  }
0xe4: {  	_ =	swait.ge [sflag:s31], $0x3E80  }
0xe5: {  	[sflag:s31] =	ssyncset.done $0x0  }
0xe6: {  	s11 =	rddreg [dreg:$0xd];
	[sflag:s31] =	ssyncadd.s32 $0xFFFFC180  }
0xe7: {  	[tilespmem:s30], [sflag:$0x2] =	stream.linear.gather [hbm4b:s11+s28], $0x3E80, $0x38;
	[tilespmem:$0x1DD50] =	vst v63  }
0xe8: {  	_ =	swait.ge [sflag:s31], $0x3E80  }
0xe9: {  	[sflag:s31] =	ssyncset.done $0x0  }
0xea: {  	[sflag:s31] =	ssyncadd.s32 $0xFFFFC180  }
0xeb: {  	[spmem:s19] =	stream.linear.scatter [tilespmem:s30], [sflag:$0x2], $0x3E80, $0x38;
	[tilespmem:$0x1DD50] =	vst v63  }
0xec: {  	_ =	swait.ge [sflag:s31], $0x3E80  }
0xed: {  	[sflag:s31] =	ssyncset.done $0x0  }
0xee: {  	s12 =	rddreg [dreg:$0xe];
	[sflag:s31] =	ssyncadd.s32 $0xFFFFC180  }
0xef: {  	[tilespmem:s30], [sflag:$0x2] =	stream.linear.gather [hbm4b:s12+s28], $0x3E80, $0x38;
	[tilespmem:$0x1DD50] =	vst v63  }
0xf0: {  	_ =	swait.ge [sflag:s31], $0x3E80  }
0xf1: {  	[sflag:s31] =	ssyncset.done $0x0  }
0xf2: {  	[sflag:s31] =	ssyncadd.s32 $0xFFFFC180  }
0xf3: {  	[spmem:s21] =	stream.linear.scatter [tilespmem:s30], [sflag:$0x2], $0x3E80, $0x38;
	[tilespmem:$0x1DD50] =	vst v63  }
0xf4: {  	_ =	swait.ge [sflag:s31], $0x3E80  }
0xf5: {  	[sflag:s31] =	ssyncset.done $0x0  }
0xf6: {  	s11 =	rddreg [dreg:$0xf];
	[sflag:s31] =	ssyncadd.s32 $0xFFFFC180  }
0xf7: {  	[tilespmem:s30], [sflag:$0x2] =	stream.linear.gather [hbm4b:s11+s28], $0x3E80, $0x38;
	[tilespmem:$0x1DD50] =	vst v63  }
0xf8: {  	_ =	swait.ge [sflag:s31], $0x3E80  }
0xf9: {  	[sflag:s31] =	ssyncset.done $0x0  }
0xfa: {  	[sflag:s31] =	ssyncadd.s32 $0xFFFFC180  }
0xfb: {  	[spmem:s23] =	stream.linear.scatter [tilespmem:s30], [sflag:$0x2], $0x3E80, $0x38;
	[tilespmem:$0x1DD50] =	vst v63  }
0xfc: {  	_ =	swait.ge [sflag:s31], $0x3E80  }
0xfd: {  	[sflag:s31] =	ssyncset.done $0x0  }
0xfe: {  	s12 =	rddreg [dreg:$0x5];
	[sflag:s31] =	ssyncadd.s32 $0xFFFFC180  }
0xff: {  	[tilespmem:s0], [sflag:$0x2] =	stream.linear.gather [hbm4b:s12+s28], $0x1000, $0x38;
	[tilespmem:$0x1DD50] =	vst v63  }
0x100: {  	_ =	swait.ge [sflag:s31], $0x1000  }
0x101: {  	[sflag:s31] =	ssyncset.done $0x0  }
0x102: {  	[sflag:s31] =	ssyncadd.s32 $0xFFFFF000  }
0x103: {  	[spmem:s10] =	stream.linear.scatter [tilespmem:s0], [sflag:$0x2], $0x1000, $0x38;
	[tilespmem:$0x1DD50] =	vst v63  }
0x104: {  	_ =	swait.ge [sflag:s31], $0x1000  }
0x105: {  	[sflag:s31] =	ssyncset.done $0x0  }
0x106: {  	[sflag:s31] =	ssyncadd.s32 $0xFFFFF000  }
0x107: {  	s28 =	sadd.s32 $0x0, s25;
	[bflag:$0x0] =	sbarrier.arrive $0xFFFF  }
0x108: {  	[tilespmem:s2], [sflag:$0x2] =	stream.linear.gather [hbm4b:s28+s3], $0x3E8, $0x38;
	[tilespmem:$0x1DD50] =	vst v63  }
0x109: {  	_ =	swait.ge [sflag:s31], $0x3E8  }
0x10a: {  	[sflag:s31] =	ssyncset.done $0x0  }
0x10b: {  	[sflag:s31] =	ssyncadd.s32 $0xFFFFFC18  }
0x10c: {  	[tilespmem:s30], [sflag:$0x1] =	stream.indirect.gather [hbm4b:s4+s6], $0x10, s2, s6, $0xb8;
	[tilespmem:$0x1DD50] =	vst v63  }
0x10d: {  	_ =	swait.ge [sflag:s7], $0x3E80  }
0x10e: {  	[sflag:s7] =	ssyncset.done $0x0  }
0x10f: {  	s28 =	sadd.s32 $0x0, s24;
	[sflag:s7] =	ssyncadd.s32 $0xFFFFC180  }
0x110: {  	[tilespmem:s9], [sflag:$0x2] =	stream.linear.gather [hbm4b:s28+s3], $0x3E8, $0x38;
	[tilespmem:$0x1DD50] =	vst v63  }
0x111: {  	_ =	swait.ge [sflag:s31], $0x3E8  }
0x112: {  	[sflag:s31] =	ssyncset.done $0x0  }
0x113: {  	[sflag:s31] =	ssyncadd.s32 $0xFFFFFC18  }
0x114: {  	[spmem:s1] =	stream.indirect.scatter.add.f32 [tilespmem:s30], [sflag:$0x2], $0x10, s9, s6, $0xb8;
	[tilespmem:$0x1DD50] =	vst v63  }
0x115: {  	_ =	swait.ge [sflag:s31], $0x3E80  }
0x116: {  	s29 =	simm.s32 $0xFA;
	s28 =	simm.s32 $0x7D;
	[sflag:s31] =	ssyncset.done $0x0  }
.LBB2_3:
0x117: {  	s11 =	sadd.s32 s28, s25  }
0x118: {  	[sflag:s31] =	ssyncadd.s32 $0xFFFFC180;
	s8 =	smov.u32 s29;
	s12 =	sadd.s32 $0x7D, s29  }
0x119: {  	[tilespmem:s2], [sflag:$0x2] =	stream.linear.gather [hbm4b:s11+s3], $0x3E8, $0x38;
	[tilespmem:$0x1DD50] =	vst v63  }
0x11a: {  	p1 =	seq.s32 s29, $0x3057;
	_ =	swait.ge [sflag:s31], $0x3E8  }
0x11b: {  	[sflag:s31] =	ssyncset.done $0x0  }
0x11c: {  	[sflag:s31] =	ssyncadd.s32 $0xFFFFFC18  }
0x11d: {  	[tilespmem:s30], [sflag:$0x1] =	stream.indirect.gather [hbm4b:s4+s6], $0x10, s2, s6, $0xb8;
	[tilespmem:$0x1DD50] =	vst v63  }
0x11e: {  	_ =	swait.ge [sflag:s7], $0x3E80  }
0x11f: {  	[sflag:s7] =	ssyncset.done $0x0  }
0x120: {  	s11 =	sadd.s32 s28, s24;
	s28 =	smov.u32 s8;
	[sflag:s7] =	ssyncadd.s32 $0xFFFFC180  }
0x121: {  	[tilespmem:s9], [sflag:$0x2] =	stream.linear.gather [hbm4b:s11+s3], $0x3E8, $0x38;
	[tilespmem:$0x1DD50] =	vst v63  }
0x122: {  	_ =	swait.ge [sflag:s31], $0x3E8  }
.Ltmp5:
0x123: {  	[sflag:s31] =	ssyncset.done $0x0;
	(pc) =	sbr.rel @!p1 .LBB2_3-.Ltmp5, $4  }
0x124: {  	[sflag:s31] =	ssyncadd.s32 $0xFFFFFC18  }
0x125: {  	[spmem:s1] =	stream.indirect.scatter.add.f32 [tilespmem:s30], [sflag:$0x2], $0x10, s9, s6, $0xb8;
	[tilespmem:$0x1DD50] =	vst v63  }
0x126: {  	_ =	swait.ge [sflag:s31], $0x3E80  }
0x127: {  	s29 =	smov.u32 s12;
	[sflag:s31] =	ssyncset.done $0x0  }
0x128: {  	s8 =	sadd.s32 s28, s25;
	[sflag:s31] =	ssyncadd.s32 $0xFFFFC180  }
0x129: {  	[tilespmem:s2], [sflag:$0x2] =	stream.linear.gather [hbm4b:s8+s3], $0x3E8, $0x38;
	[tilespmem:$0x1DD50] =	vst v63  }
0x12a: {  	_ =	swait.ge [sflag:s31], $0x3E8  }
0x12b: {  	[sflag:s31] =	ssyncset.done $0x0  }
0x12c: {  	[sflag:s31] =	ssyncadd.s32 $0xFFFFFC18  }
0x12d: {  	[tilespmem:s30], [sflag:$0x1] =	stream.indirect.gather [hbm4b:s4+s6], $0x10, s2, s6, $0xb8;
	[tilespmem:$0x1DD50] =	vst v63  }
0x12e: {  	_ =	swait.ge [sflag:s7], $0x3E80  }
0x12f: {  	[sflag:s7] =	ssyncset.done $0x0  }
0x130: {  	s29 =	sadd.s32 s28, s24;
	[sflag:s7] =	ssyncadd.s32 $0xFFFFC180  }
0x131: {  	[tilespmem:s9], [sflag:$0x2] =	stream.linear.gather [hbm4b:s29+s3], $0x3E8, $0x38;
	[tilespmem:$0x1DD50] =	vst v63  }
0x132: {  	_ =	swait.ge [sflag:s31], $0x3E8  }
0x133: {  	[sflag:s31] =	ssyncset.done $0x0  }
.Ltmp6:
0x134: {  	[sflag:s31] =	ssyncadd.s32 $0xFFFFFC18;
	(pc) =	sbr.rel .LBB2_8-.Ltmp6, $4  }
0x135: {  	[spmem:s1] =	stream.indirect.scatter.add.f32 [tilespmem:s30], [sflag:$0x2], $0x10, s9, s6, $0xb8;
	[tilespmem:$0x1DD50] =	vst v63  }
0x136: {  	_ =	swait.ge [sflag:s31], $0x3E80  }
0x137: {  	[sflag:s31] =	ssyncset.done $0x0  }
0x138: {  	s28 =	rddreg [dreg:$0x3];
	[sflag:s31] =	ssyncadd.s32 $0xFFFFC180  }
.LBB2_9:
0x139: {  	_ =	sfence.sel $0x180000  }
0x13a: {  	[bflag:$0x0] =	sbarrier.arrive $0xFFFF  }
0x13b: {  	_ =	strace $0x9000004D  }
0x13c: {  	s0 =	stileid.u32;
	[bflag:$0x2] =	sbarrier.arrive $0xFFFF  }
0x13d: {  	p0 =	sne.s32 s0, $0x0;
	s0 =	rddreg [dreg:$0x2]  }
0x13e: {  	s0 =	sadd.s32 @!p0 $0x100000, s0  }
0x13f: {  	[sflag:s0] =	ssyncadd.tile.s32 @!p0 $0x1;
	_ =	shalt  }
.Lfunc_end2:
_tile_overlayer_lowered:
.L_overlay_start_2:
0x140: {  	(tag) =	ssettag $0x2  }
0x141: {  	s0 =	rddreg [dreg:$0x0];
	s2 =	stileid.u32  }
0x142: {  	s1 =	rddreg [dreg:$0x1];
	p0 =	sne.s32 s2, $0x0  }
0x143: {  	s3 =	rddreg [dreg:$0x2];
	[bflag:$0x3] =	sbarrier.arrive $0xFFFF;
	s2 =	simm.s32 @!p0 $0x1C02  }
0x144: {  	[timem:s3], [sflag:s2] =	dma.local @!p0 [hbm:s0], s1  }
0x145: {  	s0 =	simm.s32 @!p0 $0x2  }
0x146: {  	_ =	swait.ge @!p0 [sflag:s0], s1  }
0x147: {  	s1 =	ssub.s32 @!p0 $0x0, s1;
	[sflag:s0] =	ssyncset.done @!p0 $0x0  }
0x148: {  	[sflag:s0] =	ssyncadd.s32 @!p0 s1  }
0x149: {  	[bflag:$0x3] =	sbarrier.arrive $0xFFFF  }
0x14a: {  	_ =	shalt  }

// kernel: kernel.19.cloned.1.call-start
scs
__scs_entry_jumppad:
0x0: {  	(pc) =	sbr.rel $0x88, $3  }
0x1: {  	(tag) =	ssettag $0x0;
	lr =	simm.s32 $0x1  }
0x2: {  	[smem:$0x3F9B] =	sst lr;
	_ =	strace $0xD0000000  }
0x3: {  	_ = 	snop  }
0x4: {  	_ = 	snop  }
0x5: {  	_ = 	snop  }
0x6: {  	_ = 	snop  }
0x7: {  	_ = 	snop  }
__scs_overlays_trampoline_lowered:
0x8: {  	[smem:$0x3FAA] =	sst s0  }
0x9: {  	[smem:$0x3FAB] =	sst s1  }
0xa: {  	[smem:$0x3FAC] =	sst s2  }
0xb: {  	[smem:$0x3FAD] =	sst s3  }
0xc: {  	[smem:$0x3FAE] =	sst s4  }
0xd: {  	[smem:$0x3FAF] =	sst s5  }
0xe: {  	[smem:$0x3FB0] =	sst s6  }
0xf: {  	[smem:$0x3FB1] =	sst s7  }
0x10: {  	[smem:$0x3FB2] =	sst s8  }
0x11: {  	[smem:$0x3FB3] =	sst s9;
	s0 =	simm.s32 @!p0 $0x0  }
0x12: {  	s1 =	sld [smem:$0x3F99];
	s0 =	simm.s32 @p0 $0x1  }
0x13: {  	[smem:$0x3FB4] =	sst s0;
	s0 =	simm.s32 @!p1 $0x0  }
0x14: {  	s2 =	sld [smem:$0x3F98];
	s0 =	simm.s32 @p1 $0x1  }
0x15: {  	[smem:$0x3FB5] =	sst s0;
	s0 =	simm.s32 @!p2 $0x0  }
0x16: {  	s3 =	sld [smem:$0x3FDB];
	s0 =	simm.s32 @p2 $0x1  }
0x17: {  	s4 =	simm.s32 $0x1BF5;
	[smem:$0x3FB7] =	sst s0  }
0x18: {  	s0 =	sld [smem:$0x3F9A];
	_ =	swait.ge [sflag:s4], $0x0  }
0x19: {  	s7 =	sld [smem:$0x3F9B]  }
0x1a: {  	s8 =	sadd.s32 $0xFFFFE003, lr  }
0x1b: {  	s9 =	sadd.s32 $0xFFFFFEF7, lr;
	s5 =	simm.s32 $0xFFFFFFFF;
	p2 =	slt.u32 s8, $0xFFFFF086  }
0x1c: {  	p1 =	slt.u32 s9, $0xF7A;
	s5 =	simm.s32 @!p2 $0x0  }
0x1d: {  	s5 =	simm.s32 @p1 $0x1;
	p0 =	seq.s32 s7, s2  }
0x1e: {  	s7 =	smul.u32 @!p0 $0xF7A, s2;
	p2 =	seq.s32 @!p0 s5, $0x0  }
0x1f: {  	s9 =	smul.u32 $0xF7A, s1;
	s8 =	simm.s32 @!p0 $0x1BF5;
	p2 =	por !p2, p0  }
0x20: {  	[sflag:s8] =	ssyncset.s32 @!p0 $0xFFFFF086;
	s6 =	sadd.s32 @!p0 s3, s7;
	s7 =	simm.s32 @!p0 $0x108  }
0x21: {  	s3 =	sadd.s32 s3, s9;
	s6 =	sadd.s32 @!p0 $0x88, s6;
	s7 =	simm.s32 @p2 $0x1082  }
0x22: {  	[simem:s7], [sflag:s8] =	dma.local @!p0 [hbm:s6], $0xF7A  }
0x23: {  	s9 =	sor.u32 $0xD0000000, s2;
	s6 =	simm.s32 $0x108;
	_ =	swait.ge @!p0 [sflag:s8], $0x0  }
0x24: {  	s3 =	sadd.s32 $0x88, s3;
	s6 =	simm.s32 @!p1 $0x1082;
	[sflag:s4] =	ssyncset.s32 $0xFFFFF086  }
0x25: {  	[simem:s6], [sflag:s4] =	dma.local [hbm:s3], $0xF7A  }
0x26: {  	[smem:$0x3F9B] =	sst s1;
	(tag) =	ssettag s2;
	_ =	strace s9  }
0x27: {  	s1 =	sld [smem:$0x3FAB]  }
0x28: {  	s2 =	sld [smem:$0x3FAC]  }
0x29: {  	s4 =	sld [smem:$0x3FAE]  }
0x2a: {  	p0 =	seq.s32 s5, $0x0;
	s5 =	sld [smem:$0x3FAF]  }
0x2b: {  	s6 =	sld [smem:$0x3FB0]  }
0x2c: {  	s7 =	sld [smem:$0x3FB1]  }
0x2d: {  	s3 =	simm.s32 $0x108;
	s8 =	sld [smem:$0x3FB2]  }
0x2e: {  	s3 =	simm.s32 @!p0 $0x1082;
	s9 =	sld [smem:$0x3FB3]  }
0x2f: {  	lr =	sadd.s32 s0, s3;
	s0 =	sld [smem:$0x3FAA]  }
0x30: {  	s3 =	sld [smem:$0x3FAD]  }
0x31: {  	[smem:$0x3FB6] =	sst s10  }
0x32: {  	s10 =	sld [smem:$0x3FB4];
	_ =	sdelay $0x3  }
0x33: {  	p0 =	seq.s32 s10, $0x1;
	s10 =	sld [smem:$0x3FB6];
	_ =	sdelay $0x3  }
0x34: {  	[smem:$0x3FB6] =	sst s10  }
0x35: {  	s10 =	sld [smem:$0x3FB5];
	_ =	sdelay $0x3  }
0x36: {  	p1 =	seq.s32 s10, $0x1;
	s10 =	sld [smem:$0x3FB6];
	_ =	sdelay $0x3  }
0x37: {  	[smem:$0x3FB6] =	sst s10  }
0x38: {  	s10 =	sld [smem:$0x3FB7]  }
0x39: {  	_ = 	snop;
	(pc) =	sbr.ind lr, $3  }
0x3a: {  	_ = 	snop  }
0x3b: {  	_ = 	snop  }
0x3c: {  	p2 =	seq.s32 s10, $0x1;
	s10 =	sld [smem:$0x3FB6]  }
0x3d: {  	_ =	shalt  }
0x3e: {  	_ =	shalt  }
0x3f: {  	_ =	shalt  }
0x40: {  	_ =	shalt  }
0x41: {  	_ =	shalt  }
0x42: {  	_ =	shalt  }
0x43: {  	_ =	shalt  }
0x44: {  	_ =	shalt  }
0x45: {  	_ =	shalt  }
0x46: {  	_ =	shalt  }
0x47: {  	_ =	shalt  }
0x48: {  	_ =	shalt  }
0x49: {  	_ =	shalt  }
0x4a: {  	_ =	shalt  }
0x4b: {  	_ =	shalt  }
0x4c: {  	_ =	shalt  }
0x4d: {  	_ =	shalt  }
0x4e: {  	_ =	shalt  }
0x4f: {  	_ =	shalt  }
0x50: {  	_ =	shalt  }
0x51: {  	_ =	shalt  }
0x52: {  	_ =	shalt  }
0x53: {  	_ =	shalt  }
0x54: {  	_ =	shalt  }
0x55: {  	_ =	shalt  }
0x56: {  	_ =	shalt  }
0x57: {  	_ =	shalt  }
0x58: {  	_ =	shalt  }
0x59: {  	_ =	shalt  }
0x5a: {  	_ =	shalt  }
0x5b: {  	_ =	shalt  }
0x5c: {  	_ =	shalt  }
0x5d: {  	_ =	shalt  }
0x5e: {  	_ =	shalt  }
0x5f: {  	_ =	shalt  }
0x60: {  	_ =	shalt  }
0x61: {  	_ =	shalt  }
0x62: {  	_ =	shalt  }
0x63: {  	_ =	shalt  }
0x64: {  	_ =	shalt  }
0x65: {  	_ =	shalt  }
0x66: {  	_ =	shalt  }
0x67: {  	_ =	shalt  }
0x68: {  	_ =	shalt  }
0x69: {  	_ =	shalt  }
0x6a: {  	_ =	shalt  }
0x6b: {  	_ =	shalt  }
0x6c: {  	_ =	shalt  }
0x6d: {  	_ =	shalt  }
0x6e: {  	_ =	shalt  }
0x6f: {  	_ =	shalt  }
0x70: {  	_ =	shalt  }
0x71: {  	_ =	shalt  }
0x72: {  	_ =	shalt  }
0x73: {  	_ =	shalt  }
0x74: {  	_ =	shalt  }
0x75: {  	_ =	shalt  }
0x76: {  	_ =	shalt  }
0x77: {  	_ =	shalt  }
0x78: {  	_ =	shalt  }
0x79: {  	_ =	shalt  }
0x7a: {  	_ =	shalt  }
0x7b: {  	_ =	shalt  }
0x7c: {  	_ =	shalt  }
0x7d: {  	_ =	shalt  }
0x7e: {  	_ =	shalt  }
0x7f: {  	_ =	shalt  }
0x80: {  	_ =	shalt  }
0x81: {  	_ =	shalt  }
0x82: {  	_ =	shalt  }
0x83: {  	_ =	shalt  }
0x84: {  	_ =	shalt  }
0x85: {  	_ =	shalt  }
0x86: {  	_ =	shalt  }
0x87: {  	_ =	shalt  }
.Lfunc_end0:
.L_simem_size_0:
called_computation.3_lowered:
.L_overlay_start_0:
0x88: {  	s2 =	sld [smem:$0x3FD9]  }
0x89: {  	s3 =	sld [smem:$0x3FFE];
	_ =	sdelay $0x1  }
0x8a: {  	s1 =	srdreg.scid  }
0x8b: {  	s0 =	sand.u32 $0x1, s1  }
0x8c: {  	s17 =	sshll.u32 s0, $0xA;
	s2 =	sadd.s32 s3, s2  }
0x8d: {  	s2 =	sadd.s32 s2, s17  }
0x8e: {  	[smem:$0x3FC2] =	sst s2  }
0x8f: {  	_ = 	snop  }
0x90: {  	s2 =	sld [smem:$0x3FD0];
	(tm) =	ssettm $0x1  }
0x91: {  	s18 =	sld [smem:$0x3FFB];
	_ =	sdelay $0x3  }
0x92: {  	_ =	strace s18  }
0x93: {  	s3 =	sld [smem:$0x3FFC];
	_ =	sdelay $0x3  }
0x94: {  	_ =	strace s3  }
0x95: {  	s3 =	sld [smem:$0x3FFD];
	_ =	sdelay $0x3  }
0x96: {  	_ =	strace s3  }
0x97: {  	_ =	strace $0x8FFFFFFF  }
0x98: {  	s19 =	sld [smem:$0x3FDB];
	_ =	sdelay $0x1  }
0x99: {  	s4 =	simm.s32 $_scs_section_size  }
0x9a: {  	s5 =	simm.s32 $_size__tile_overlayer_lowered;
	s6 =	simm.s32 $_tile_overlayer_lowered  }
0x9b: {  	s22 =	simm.s32 $0x1BFF;
	s21 =	sshll.u32 s6, $0x1;
	s3 =	sadd.s32 s4, s19  }
0x9c: {  	s7 =	simm.s32 $0x0;
	s20 =	sshll.u32 s5, $0x1;
	s5 =	sadd.s32 s21, s3  }
0x9d: {  	[timem:s7], [sflag:s22] =	dma.local [hbm:s5], s20  }
0x9e: {  	_ =	swait.ge [sflag:s22], s20  }
0x9f: {  	s4 =	ssub.s32 $0x0, s20;
	[sflag:s22] =	ssyncset.done $0x0  }
0xa0: {  	[sflag:s22] =	ssyncadd.s32 s4;
	_ =	sdelay $0x1  }
0xa1: {  	s23 =	simm.s32 $0x1B8B  }
0xa2: {  	_ =	swait.ge [sflag:s23], $0x1  }
0xa3: {  	[sflag:s23] =	ssyncset.done $0x0  }
0xa4: {  	s25 =	simm.s32 $0x1B8E;
	s24 =	sld [smem:$0x3FFE];
	[sflag:s23] =	ssyncadd.s32 $0xFFFFFFFF  }
0xa5: {  	s26 =	simm.s32 $execute0_lowered;
	[smem:$0x3FD2] =	sst s25  }
0xa6: {  	s5 =	sshll.u32 s26, $0x1;
	_ =	strace $0x8000004F;
	[dreg:$0x1] =	wrdreg $0xFFFFFFFF  }
0xa7: {  	s28 =	simm.s32 $_size_execute0_lowered;
	s3 =	sadd.s32 s3, s5;
	[dreg:$0x0] =	wrdreg $0x0  }
0xa8: {  	s5 =	sshll.u32 s28, $0x1;
	[dreg:$0x2] =	wrdreg s3  }
0xa9: {  	[dreg:$0x3] =	wrdreg s5  }
0xaa: {  	[dreg:$0x4] =	wrdreg $0xC0  }
0xab: {  	_ =	task [dreg:s7], $0x5FFFF  }
0xac: {  	[dreg:$0x1] =	wrdreg $0xFFFFFFFF  }
0xad: {  	[dreg:$0x0] =	wrdreg $0x60  }
0xae: {  	[dreg:$0x2] =	wrdreg s24  }
0xaf: {  	[dreg:$0x3] =	wrdreg s2  }
0xb0: {  	[dreg:$0x4] =	wrdreg $0x0  }
0xb1: {  	[dreg:$0x5] =	wrdreg $0x9  }
0xb2: {  	_ =	task.clear_ibuf [dreg:s7], $0x6FFFF;
	_ =	strace $0x9000004F  }
0xb3: {  	s29 =	simm.s32 $0x9;
	_ =	strace $0x80000051  }
0xb4: {  	_ =	swait.ge [sflag:s29], $0x1  }
0xb5: {  	[sflag:s29] =	ssyncadd.s32 $0xFFFFFFFF  }
0xb6: {  	_ =	strace $0x90000051  }
0xb7: {  	_ =	sfence  }
0xb8: {  	s30 =	sld [smem:$0x0];
	_ =	sdelay $0x2  }
0xb9: {  	s31 =	sshll.u32 s1, $0xD;
	s1 =	sshrl.u32 s1, $0x2  }
0xba: {  	s3 =	sand.u32 $0x4000, s31;
	s1 =	sadd.s32 s1, s30  }
0xbb: {  	s0 =	sor.u32 s3, s0;
	s1 =	sshll.u32 s1, $0x11  }
0xbc: {  	s0 =	sor.u32 s1, s0  }
0xbd: {  	s0 =	sadd.s32 $0x8F2B, s0  }
0xbe: {  	[sflag:s0] =	ssyncadd.remote.s32 $0x1  }
0xbf: {  	_ =	sfence.sel $0xFFFF  }
0xc0: {  	[dreg:$0x0] =	wrdreg $0xFFFFFFFF;
	(pc) =	sbr.abs _section_cstart, $3  }
0xc1: {  	[dreg:$0x1] =	wrdreg $0xFFFFFFFF  }
0xc2: {  	_ =	task.clear_ibuf [dreg:s7], $0x2FFFF;
	_ =	strace $0x9FFFFFFF  }
0xc3: {  	(tm) =	ssettm $0x7FFFFFFF  }
tec
execute0_lowered:
.L_overlay_start_1:
0x0: {  	(tag) =	ssettag $0x1  }
0x1: {  	s0 =	rddreg [dreg:$0x0]  }
0x2: {  	s1 =	rddreg [dreg:$0x1]  }
0x3: {  	s3 =	rddreg [dreg:$0x2];
	s4 =	simm.s32 $0x0  }
0x4: {  	s10 =	stileid.u32;
	s5 =	srdreg.scid;
	s28 =	simm.s32 $0x2  }
0x5: {  	s29 =	simm.s32 $0x1CD50;
	s30 =	simm.s32 $0x18700;
	s31 =	simm.s32 $0x3E8  }
0x6: {  	s2 =	smul.u32 $0x186A, s10;
	s6 =	sand.u32 $0x1, s5;
	s5 =	sadd.s32 $0x1EB800, s0  }
0x7: {  	[smem:$0x7FF] =	sst s4;
	s8 =	sadd.s32 $0x24D400, s0;
	s9 =	smul.u32 $0x18700, s10  }
0x8: {  	s18 =	smul.u32 $0x61C00, s10;
	_ =	strace $0x80000050;
	s7 =	ssub.s32 $0x2, s6  }
0x9: {  	[dreg:$0x4] =	wrdreg s8;
	p0 =	seq.s32 s6, $0x1;
	s2 =	sadd.s32 s2, s0  }
0xa: {  	s15 =	sshrl.u32 s7, $0x1;
	s0 =	sadd.s32 $0x21C600, s0;
	s17 =	sadd.s32 $0x17700, s9  }
0xb: {  	s19 =	sshrl.u32 s18, $0x2;
	[dreg:$0x5] =	wrdreg s0;
	s16 =	ssub.s32 s7, s15  }
0xc: {  	s7 =	smul.u32 $0x1870, s10;
	s11 =	sshrl.u32 s17, $0x3;
	s9 =	sadd.s32 s17, s3  }
0xd: {  	s10 =	smul.u32 $0x30E0, s10;
	s0 =	smax.u32 s16, $0x1;
	[dreg:$0x7] =	wrdreg s11  }
0xe: {  	s12 =	sadd.s32 s19, s3;
	s19 =	sadd.s32 s5, s11;
	[dreg:$0x6] =	wrdreg s0  }
0xf: {  	s20 =	sadd.s32 $0x3E8, s7;
	s22 =	sadd.s32 $0x7D0, s7;
	s24 =	sadd.s32 $0xBB8, s7  }
0x10: {  	s25 =	sadd.s32 $0xFA0, s7;
	s7 =	sadd.s32 $0x1388, s7;
	[dreg:$0xb] =	wrdreg s19  }
0x11: {  	[dreg:$0x8] =	wrdreg s10;
	s21 =	sshll.u32 s20, $0x4;
	s13 =	sshll.u32 s20, $0x1  }
0x12: {  	s23 =	sshll.u32 s22, $0x4;
	s8 =	sshll.u32 s22, $0x1;
	s15 =	sshll.u32 s24, $0x1  }
0x13: {  	s0 =	sshll.u32 s24, $0x4;
	s26 =	sshll.u32 s25, $0x4;
	s6 =	sshll.u32 s25, $0x1  }
0x14: {  	s17 =	sshll.u32 s7, $0x4;
	s7 =	sshll.u32 s7, $0x1;
	s24 =	sadd.s32 $0x2C00, s2  }
0x15: {  	s25 =	sadd.s32 $0x4C0A0, s2;
	s14 =	sadd.s32 s21, s3;
	s16 =	sadd.s32 s23, s3  }
0x16: {  	s18 =	sadd.s32 s0, s3;
	s20 =	sadd.s32 s26, s3;
	s22 =	sadd.s32 s17, s3  }
0x17: {  	s23 =	sadd.s32 $0x33A00, s2;
	s26 =	sadd.s32 $0x1B2A0, s2;
	[dreg:$0x9] =	wrdreg s13  }
0x18: {  	s21 =	sadd.s32 s5, s10;
	s2 =	sadd.s32 s5, s13;
	[dreg:$0xa] =	wrdreg s8  }
0x19: {  	s10 =	sadd.s32 s5, s8;
	s17 =	smov.u32 s15;
	[dreg:$0xc] =	wrdreg s21  }
.Ltmp0:
0x1a: {  	s11 =	sadd.s32 s5, s15;
	[dreg:$0xd] =	wrdreg s2;
	(pc) =	sbr.rel .LBB2_1-.Ltmp0, $4  }
0x1b: {  	s13 =	sadd.s32 s5, s6;
	s19 =	smov.u32 s7;
	[dreg:$0xe] =	wrdreg s10  }
0x1c: {  	s15 =	sadd.s32 s5, s7;
	s7 =	simm.s32 $0x18ED0;
	[dreg:$0xf] =	wrdreg s11  }
0x1d: {  	s0 =	simm.s32 $0x1;
	s21 =	smov.u32 s6;
	[dreg:$0x10] =	wrdreg s13  }
0x1e: {  	[dreg:$0x11] =	wrdreg s15;
	s2 =	simm.s32 $0x18AE8;
	s6 =	simm.s32 $0x0  }
.LBB2_7:
0x1f: {  	s8 =	sadd.s32 s10, s26;
	[sflag:s28] =	ssyncadd.s32 $0xFFFFC180  }
0x20: {  	[tilespmem:s30], [sflag:$0x2] =	stream.linear.gather [hbm4b:s8+s4], $0x3E8, $0x38;
	[tilespmem:$0x1DD50] =	vst v63  }
0x21: {  	_ =	swait.ge [sflag:s28], $0x3E8  }
0x22: {  	[sflag:s28] =	ssyncset.done $0x0  }
0x23: {  	[sflag:s28] =	ssyncadd.s32 $0xFFFFFC18  }
0x24: {  	[tilespmem:s7], [sflag:$0x1] =	stream.indirect.gather [hbm4b:s5+s31], $0x10, s30, s31, $0xb8;
	[tilespmem:$0x1DD50] =	vst v63  }
0x25: {  	_ =	swait.ge [sflag:s0], $0x3E80  }
0x26: {  	[sflag:s0] =	ssyncset.done $0x0  }
0x27: {  	s15 =	sadd.s32 s10, s25;
	[sflag:s0] =	ssyncadd.s32 $0xFFFFC180  }
0x28: {  	[tilespmem:s2], [sflag:$0x2] =	stream.linear.gather [hbm4b:s15+s4], $0x3E8, $0x38;
	[tilespmem:$0x1DD50] =	vst v63  }
0x29: {  	_ =	swait.ge [sflag:s28], $0x3E8  }
0x2a: {  	[sflag:s28] =	ssyncset.done $0x0  }
0x2b: {  	[sflag:s28] =	ssyncadd.s32 $0xFFFFFC18  }
0x2c: {  	[spmem:s3] =	stream.indirect.scatter.add.f32 [tilespmem:s7], [sflag:$0x2], $0x10, s2, s31, $0xb8;
	[tilespmem:$0x1DD50] =	vst v63  }
0x2d: {  	_ =	swait.ge [sflag:s28], $0x3E80  }
0x2e: {  	[sflag:s28] =	ssyncset.done $0x0  }
0x2f: {  	s10 =	rddreg [dreg:$0x5];
	[sflag:s28] =	ssyncadd.s32 $0xFFFFC180  }
.LBB2_8:
0x30: {  	[bflag:$0x0] =	sbarrier.arrive $0xFFFF  }
0x31: {  	[tilespmem:s7], [sflag:$0x2] =	stream.linear.gather [spmem:s12], $0x3E80, $0x38;
	[tilespmem:$0x1DD50] =	vst v63  }
0x32: {  	_ =	swait.ge [sflag:s28], $0x3E80  }
0x33: {  	[sflag:s28] =	ssyncset.done $0x0;
	s8 =	rddreg [dreg:$0x8]  }
0x34: {  	s8 =	sadd.s32 s10, s8;
	[sflag:s28] =	ssyncadd.s32 $0xFFFFC180  }
0x35: {  	[hbm4b:s8+s4] =	stream.linear.scatter [tilespmem:s7], [sflag:$0x2], $0x3E80, $0x38;
	[tilespmem:$0x1DD50] =	vst v63  }
0x36: {  	_ =	swait.ge [sflag:s28], $0x3E80  }
0x37: {  	[sflag:s28] =	ssyncset.done $0x0  }
0x38: {  	[sflag:s28] =	ssyncadd.s32 $0xFFFFC180  }
0x39: {  	[tilespmem:s7], [sflag:$0x2] =	stream.linear.gather [spmem:s14], $0x3E80, $0x38;
	[tilespmem:$0x1DD50] =	vst v63  }
0x3a: {  	_ =	swait.ge [sflag:s28], $0x3E80  }
0x3b: {  	[sflag:s28] =	ssyncset.done $0x0;
	s15 =	rddreg [dreg:$0x9]  }
0x3c: {  	s8 =	sadd.s32 s10, s15;
	[sflag:s28] =	ssyncadd.s32 $0xFFFFC180  }
0x3d: {  	[hbm4b:s8+s4] =	stream.linear.scatter [tilespmem:s7], [sflag:$0x2], $0x3E80, $0x38;
	[tilespmem:$0x1DD50] =	vst v63  }
0x3e: {  	_ =	swait.ge [sflag:s28], $0x3E80  }
0x3f: {  	[sflag:s28] =	ssyncset.done $0x0  }
0x40: {  	[sflag:s28] =	ssyncadd.s32 $0xFFFFC180  }
0x41: {  	[tilespmem:s7], [sflag:$0x2] =	stream.linear.gather [spmem:s16], $0x3E80, $0x38;
	[tilespmem:$0x1DD50] =	vst v63  }
0x42: {  	_ =	swait.ge [sflag:s28], $0x3E80  }
0x43: {  	[sflag:s28] =	ssyncset.done $0x0;
	s11 =	rddreg [dreg:$0xa]  }
0x44: {  	s8 =	sadd.s32 s10, s11;
	[sflag:s28] =	ssyncadd.s32 $0xFFFFC180  }
0x45: {  	[hbm4b:s8+s4] =	stream.linear.scatter [tilespmem:s7], [sflag:$0x2], $0x3E80, $0x38;
	[tilespmem:$0x1DD50] =	vst v63  }
0x46: {  	_ =	swait.ge [sflag:s28], $0x3E80  }
0x47: {  	[sflag:s28] =	ssyncset.done $0x0  }
0x48: {  	[sflag:s28] =	ssyncadd.s32 $0xFFFFC180  }
0x49: {  	[tilespmem:s7], [sflag:$0x2] =	stream.linear.gather [spmem:s18], $0x3E80, $0x38;
	[tilespmem:$0x1DD50] =	vst v63  }
0x4a: {  	_ =	swait.ge [sflag:s28], $0x3E80  }
0x4b: {  	[sflag:s28] =	ssyncset.done $0x0  }
0x4c: {  	s13 =	sadd.s32 s10, s17;
	[sflag:s28] =	ssyncadd.s32 $0xFFFFC180  }
0x4d: {  	[hbm4b:s13+s4] =	stream.linear.scatter [tilespmem:s7], [sflag:$0x2], $0x3E80, $0x38;
	[tilespmem:$0x1DD50] =	vst v63  }
0x4e: {  	_ =	swait.ge [sflag:s28], $0x3E80  }
0x4f: {  	[sflag:s28] =	ssyncset.done $0x0  }
0x50: {  	[sflag:s28] =	ssyncadd.s32 $0xFFFFC180  }
0x51: {  	[tilespmem:s7], [sflag:$0x2] =	stream.linear.gather [spmem:s20], $0x3E80, $0x38;
	[tilespmem:$0x1DD50] =	vst v63  }
0x52: {  	_ =	swait.ge [sflag:s28], $0x3E80  }
0x53: {  	[sflag:s28] =	ssyncset.done $0x0  }
0x54: {  	s15 =	sadd.s32 s10, s21;
	[sflag:s28] =	ssyncadd.s32 $0xFFFFC180  }
0x55: {  	[hbm4b:s15+s4] =	stream.linear.scatter [tilespmem:s7], [sflag:$0x2], $0x3E80, $0x38;
	[tilespmem:$0x1DD50] =	vst v63  }
0x56: {  	_ =	swait.ge [sflag:s28], $0x3E80  }
0x57: {  	[sflag:s28] =	ssyncset.done $0x0  }
0x58: {  	[sflag:s28] =	ssyncadd.s32 $0xFFFFC180  }
0x59: {  	[tilespmem:s7], [sflag:$0x2] =	stream.linear.gather [spmem:s22], $0x3E80, $0x38;
	[tilespmem:$0x1DD50] =	vst v63  }
0x5a: {  	_ =	swait.ge [sflag:s28], $0x3E80  }
0x5b: {  	[sflag:s28] =	ssyncset.done $0x0  }
0x5c: {  	s11 =	sadd.s32 s10, s19;
	[sflag:s28] =	ssyncadd.s32 $0xFFFFC180  }
0x5d: {  	[hbm4b:s11+s4] =	stream.linear.scatter [tilespmem:s7], [sflag:$0x2], $0x3E80, $0x38;
	[tilespmem:$0x1DD50] =	vst v63  }
0x5e: {  	_ =	swait.ge [sflag:s28], $0x3E80  }
0x5f: {  	[sflag:s28] =	ssyncset.done $0x0  }
0x60: {  	[sflag:s28] =	ssyncadd.s32 $0xFFFFC180  }
0x61: {  	[tilespmem:s29], [sflag:$0x2] =	stream.linear.gather [spmem:s9], $0x1000, $0x38;
	[tilespmem:$0x1DD50] =	vst v63  }
0x62: {  	_ =	swait.ge [sflag:s28], $0x1000  }
0x63: {  	[sflag:s28] =	ssyncset.done $0x0;
	s13 =	rddreg [dreg:$0x7]  }
0x64: {  	s8 =	sadd.s32 s10, s13;
	[sflag:s28] =	ssyncadd.s32 $0xFFFFF000  }
0x65: {  	[hbm4b:s8+s4] =	stream.linear.scatter [tilespmem:s29], [sflag:$0x2], $0x1000, $0x38;
	[tilespmem:$0x1DD50] =	vst v63  }
0x66: {  	_ =	swait.ge [sflag:s28], $0x1000  }
0x67: {  	s6 =	sadd.s32 $0x1, s6;
	s15 =	rddreg [dreg:$0x6]  }
0x68: {  	p1 =	sne.s32 s6, s15  }
.Ltmp1:
0x69: {  	_ = 	snop;
	(pc) =	sbr.rel @!p1 .LBB2_9-.Ltmp1, $3  }
0x6a: {  	_ =	sdelay $0x1  }
0x6b: {  	[sflag:s28] =	ssyncset.done $0x0  }
0x6c: {  	[sflag:s28] =	ssyncadd.s32 $0xFFFFF000  }
.LBB2_1:
.Ltmp2:
0x6d: {  	(pc) =	sbr.rel @!p0 .LBB2_2-.Ltmp2, $2  }
0x6e: {  	_ =	sdelay $0x2  }
0x6f: {  	s8 =	simm.s32 $0x0  }
0x70: {  	[tilespmem:s7], [sflag:$0x2] =	stream.linear.gather [hbm4b:s1+s8], $0x3E80, $0x38;
	[tilespmem:$0x1DD50] =	vst v63  }
0x71: {  	_ =	swait.ge [sflag:s28], $0x3E80  }
0x72: {  	[sflag:s28] =	ssyncset.done $0x0  }
0x73: {  	[sflag:s28] =	ssyncadd.s32 $0xFFFFC180  }
0x74: {  	[spmem:s12] =	stream.linear.scatter [tilespmem:s7], [sflag:$0x2], $0x3E80, $0x38;
	[tilespmem:$0x1DD50] =	vst v63  }
0x75: {  	_ =	swait.ge [sflag:s28], $0x3E80  }
0x76: {  	[sflag:s28] =	ssyncset.done $0x0  }
0x77: {  	[sflag:s28] =	ssyncadd.s32 $0xFFFFC180  }
0x78: {  	[tilespmem:s7], [sflag:$0x2] =	stream.linear.gather [hbm4b:s1+s8], $0x3E80, $0x38;
	[tilespmem:$0x1DD50] =	vst v63  }
0x79: {  	_ =	swait.ge [sflag:s28], $0x3E80  }
0x7a: {  	[sflag:s28] =	ssyncset.done $0x0  }
0x7b: {  	[sflag:s28] =	ssyncadd.s32 $0xFFFFC180  }
0x7c: {  	[spmem:s14] =	stream.linear.scatter [tilespmem:s7], [sflag:$0x2], $0x3E80, $0x38;
	[tilespmem:$0x1DD50] =	vst v63  }
0x7d: {  	_ =	swait.ge [sflag:s28], $0x3E80  }
0x7e: {  	[sflag:s28] =	ssyncset.done $0x0  }
0x7f: {  	[sflag:s28] =	ssyncadd.s32 $0xFFFFC180  }
0x80: {  	[tilespmem:s7], [sflag:$0x2] =	stream.linear.gather [hbm4b:s1+s8], $0x3E80, $0x38;
	[tilespmem:$0x1DD50] =	vst v63  }
0x81: {  	_ =	swait.ge [sflag:s28], $0x3E80  }
0x82: {  	[sflag:s28] =	ssyncset.done $0x0  }
0x83: {  	[sflag:s28] =	ssyncadd.s32 $0xFFFFC180  }
0x84: {  	[spmem:s16] =	stream.linear.scatter [tilespmem:s7], [sflag:$0x2], $0x3E80, $0x38;
	[tilespmem:$0x1DD50] =	vst v63  }
0x85: {  	_ =	swait.ge [sflag:s28], $0x3E80  }
0x86: {  	[sflag:s28] =	ssyncset.done $0x0  }
0x87: {  	[sflag:s28] =	ssyncadd.s32 $0xFFFFC180  }
0x88: {  	[tilespmem:s7], [sflag:$0x2] =	stream.linear.gather [hbm4b:s1+s8], $0x3E80, $0x38;
	[tilespmem:$0x1DD50] =	vst v63  }
0x89: {  	_ =	swait.ge [sflag:s28], $0x3E80  }
0x8a: {  	[sflag:s28] =	ssyncset.done $0x0  }
0x8b: {  	[sflag:s28] =	ssyncadd.s32 $0xFFFFC180  }
0x8c: {  	[spmem:s18] =	stream.linear.scatter [tilespmem:s7], [sflag:$0x2], $0x3E80, $0x38;
	[tilespmem:$0x1DD50] =	vst v63  }
0x8d: {  	_ =	swait.ge [sflag:s28], $0x3E80  }
0x8e: {  	[sflag:s28] =	ssyncset.done $0x0  }
0x8f: {  	[sflag:s28] =	ssyncadd.s32 $0xFFFFC180  }
0x90: {  	[tilespmem:s7], [sflag:$0x2] =	stream.linear.gather [hbm4b:s1+s8], $0x3E80, $0x38;
	[tilespmem:$0x1DD50] =	vst v63  }
0x91: {  	_ =	swait.ge [sflag:s28], $0x3E80  }
0x92: {  	[sflag:s28] =	ssyncset.done $0x0  }
0x93: {  	[sflag:s28] =	ssyncadd.s32 $0xFFFFC180  }
0x94: {  	[spmem:s20] =	stream.linear.scatter [tilespmem:s7], [sflag:$0x2], $0x3E80, $0x38;
	[tilespmem:$0x1DD50] =	vst v63  }
0x95: {  	_ =	swait.ge [sflag:s28], $0x3E80  }
0x96: {  	[sflag:s28] =	ssyncset.done $0x0  }
0x97: {  	[sflag:s28] =	ssyncadd.s32 $0xFFFFC180  }
0x98: {  	[tilespmem:s7], [sflag:$0x2] =	stream.linear.gather [hbm4b:s1+s8], $0x3E80, $0x38;
	[tilespmem:$0x1DD50] =	vst v63  }
0x99: {  	_ =	swait.ge [sflag:s28], $0x3E80  }
0x9a: {  	[sflag:s28] =	ssyncset.done $0x0  }
0x9b: {  	[sflag:s28] =	ssyncadd.s32 $0xFFFFC180  }
0x9c: {  	[spmem:s22] =	stream.linear.scatter [tilespmem:s7], [sflag:$0x2], $0x3E80, $0x38;
	[tilespmem:$0x1DD50] =	vst v63  }
0x9d: {  	_ =	swait.ge [sflag:s28], $0x3E80  }
0x9e: {  	[sflag:s28] =	ssyncset.done $0x0  }
0x9f: {  	[sflag:s28] =	ssyncadd.s32 $0xFFFFC180  }
0xa0: {  	[tilespmem:s29], [sflag:$0x2] =	stream.linear.gather [hbm4b:s1+s8], $0x1000, $0x38;
	[tilespmem:$0x1DD50] =	vst v63  }
0xa1: {  	_ =	swait.ge [sflag:s28], $0x1000  }
0xa2: {  	[sflag:s28] =	ssyncset.done $0x0  }
0xa3: {  	[sflag:s28] =	ssyncadd.s32 $0xFFFFF000  }
0xa4: {  	[spmem:s9] =	stream.linear.scatter [tilespmem:s29], [sflag:$0x2], $0x1000, $0x38;
	[tilespmem:$0x1DD50] =	vst v63  }
0xa5: {  	_ =	swait.ge [sflag:s28], $0x1000  }
0xa6: {  	[sflag:s28] =	ssyncset.done $0x0  }
0xa7: {  	[sflag:s28] =	ssyncadd.s32 $0xFFFFF000  }
0xa8: {  	s13 =	sadd.s32 $0x0, s26;
	[bflag:$0x0] =	sbarrier.arrive $0xFFFF  }
0xa9: {  	[tilespmem:s30], [sflag:$0x2] =	stream.linear.gather [hbm4b:s13+s4], $0x3E8, $0x38;
	[tilespmem:$0x1DD50] =	vst v63  }
0xaa: {  	_ =	swait.ge [sflag:s28], $0x3E8  }
0xab: {  	[sflag:s28] =	ssyncset.done $0x0  }
0xac: {  	[sflag:s28] =	ssyncadd.s32 $0xFFFFFC18  }
0xad: {  	[tilespmem:s7], [sflag:$0x1] =	stream.indirect.gather [hbm4b:s5+s31], $0x10, s30, s31, $0xb8;
	[tilespmem:$0x1DD50] =	vst v63  }
0xae: {  	_ =	swait.ge [sflag:s0], $0x3E80  }
0xaf: {  	[sflag:s0] =	ssyncset.done $0x0  }
0xb0: {  	s15 =	sadd.s32 $0x0, s25;
	[sflag:s0] =	ssyncadd.s32 $0xFFFFC180  }
0xb1: {  	[tilespmem:s2], [sflag:$0x2] =	stream.linear.gather [hbm4b:s15+s4], $0x3E8, $0x38;
	[tilespmem:$0x1DD50] =	vst v63  }
0xb2: {  	_ =	swait.ge [sflag:s28], $0x3E8  }
0xb3: {  	[sflag:s28] =	ssyncset.done $0x0  }
0xb4: {  	[sflag:s28] =	ssyncadd.s32 $0xFFFFFC18  }
0xb5: {  	[spmem:s3] =	stream.indirect.scatter.add.f32 [tilespmem:s7], [sflag:$0x2], $0x10, s2, s31, $0xb8;
	[tilespmem:$0x1DD50] =	vst v63  }
0xb6: {  	_ =	swait.ge [sflag:s28], $0x3E80  }
0xb7: {  	s10 =	simm.s32 $0x7D;
	s8 =	simm.s32 $0xFA;
	[sflag:s28] =	ssyncset.done $0x0  }
.LBB2_6:
0xb8: {  	s11 =	sadd.s32 s10, s26  }
0xb9: {  	[sflag:s28] =	ssyncadd.s32 $0xFFFFC180;
	s13 =	smov.u32 s8;
	s15 =	sadd.s32 $0x7D, s8  }
0xba: {  	[tilespmem:s30], [sflag:$0x2] =	stream.linear.gather [hbm4b:s11+s4], $0x3E8, $0x38;
	[tilespmem:$0x1DD50] =	vst v63  }
0xbb: {  	p1 =	sne.s32 s8, $0x17ED;
	_ =	swait.ge [sflag:s28], $0x3E8  }
0xbc: {  	[sflag:s28] =	ssyncset.done $0x0  }
0xbd: {  	[sflag:s28] =	ssyncadd.s32 $0xFFFFFC18  }
0xbe: {  	[tilespmem:s7], [sflag:$0x1] =	stream.indirect.gather [hbm4b:s5+s31], $0x10, s30, s31, $0xb8;
	[tilespmem:$0x1DD50] =	vst v63  }
0xbf: {  	_ =	swait.ge [sflag:s0], $0x3E80  }
0xc0: {  	[sflag:s0] =	ssyncset.done $0x0  }
0xc1: {  	s8 =	sadd.s32 s10, s25;
	s10 =	smov.u32 s13;
	[sflag:s0] =	ssyncadd.s32 $0xFFFFC180  }
0xc2: {  	[tilespmem:s2], [sflag:$0x2] =	stream.linear.gather [hbm4b:s8+s4], $0x3E8, $0x38;
	[tilespmem:$0x1DD50] =	vst v63  }
0xc3: {  	_ =	swait.ge [sflag:s28], $0x3E8  }
.Ltmp3:
0xc4: {  	[sflag:s28] =	ssyncset.done $0x0;
	(pc) =	sbr.rel @p1 .LBB2_6-.Ltmp3, $4  }
0xc5: {  	[sflag:s28] =	ssyncadd.s32 $0xFFFFFC18  }
0xc6: {  	[spmem:s3] =	stream.indirect.scatter.add.f32 [tilespmem:s7], [sflag:$0x2], $0x10, s2, s31, $0xb8;
	[tilespmem:$0x1DD50] =	vst v63  }
0xc7: {  	_ =	swait.ge [sflag:s28], $0x3E80  }
0xc8: {  	s8 =	smov.u32 s15;
	[sflag:s28] =	ssyncset.done $0x0  }
.Ltmp4:
0xc9: {  	_ = 	snop;
	(pc) =	sbr.rel .LBB2_7-.Ltmp4, $1  }
0xca: {  	_ =	sdelay $0x3  }
.LBB2_2:
0xcb: {  	s10 =	rddreg [dreg:$0xc]  }
0xcc: {  	[tilespmem:s7], [sflag:$0x2] =	stream.linear.gather [hbm4b:s10+s8], $0x3E80, $0x38;
	[tilespmem:$0x1DD50] =	vst v63  }
0xcd: {  	_ =	swait.ge [sflag:s28], $0x3E80  }
0xce: {  	[sflag:s28] =	ssyncset.done $0x0  }
0xcf: {  	[sflag:s28] =	ssyncadd.s32 $0xFFFFC180  }
0xd0: {  	[spmem:s12] =	stream.linear.scatter [tilespmem:s7], [sflag:$0x2], $0x3E80, $0x38;
	[tilespmem:$0x1DD50] =	vst v63  }
0xd1: {  	_ =	swait.ge [sflag:s28], $0x3E80  }
0xd2: {  	[sflag:s28] =	ssyncset.done $0x0  }
0xd3: {  	s13 =	rddreg [dreg:$0xd];
	[sflag:s28] =	ssyncadd.s32 $0xFFFFC180  }
0xd4: {  	[tilespmem:s7], [sflag:$0x2] =	stream.linear.gather [hbm4b:s13+s8], $0x3E80, $0x38;
	[tilespmem:$0x1DD50] =	vst v63  }
0xd5: {  	_ =	swait.ge [sflag:s28], $0x3E80  }
0xd6: {  	[sflag:s28] =	ssyncset.done $0x0  }
0xd7: {  	[sflag:s28] =	ssyncadd.s32 $0xFFFFC180  }
0xd8: {  	[spmem:s14] =	stream.linear.scatter [tilespmem:s7], [sflag:$0x2], $0x3E80, $0x38;
	[tilespmem:$0x1DD50] =	vst v63  }
0xd9: {  	_ =	swait.ge [sflag:s28], $0x3E80  }
0xda: {  	[sflag:s28] =	ssyncset.done $0x0  }
0xdb: {  	s15 =	rddreg [dreg:$0xe];
	[sflag:s28] =	ssyncadd.s32 $0xFFFFC180  }
0xdc: {  	[tilespmem:s7], [sflag:$0x2] =	stream.linear.gather [hbm4b:s15+s8], $0x3E80, $0x38;
	[tilespmem:$0x1DD50] =	vst v63  }
0xdd: {  	_ =	swait.ge [sflag:s28], $0x3E80  }
0xde: {  	[sflag:s28] =	ssyncset.done $0x0  }
0xdf: {  	[sflag:s28] =	ssyncadd.s32 $0xFFFFC180  }
0xe0: {  	[spmem:s16] =	stream.linear.scatter [tilespmem:s7], [sflag:$0x2], $0x3E80, $0x38;
	[tilespmem:$0x1DD50] =	vst v63  }
0xe1: {  	_ =	swait.ge [sflag:s28], $0x3E80  }
0xe2: {  	[sflag:s28] =	ssyncset.done $0x0  }
0xe3: {  	s11 =	rddreg [dreg:$0xf];
	[sflag:s28] =	ssyncadd.s32 $0xFFFFC180  }
0xe4: {  	[tilespmem:s7], [sflag:$0x2] =	stream.linear.gather [hbm4b:s11+s8], $0x3E80, $0x38;
	[tilespmem:$0x1DD50] =	vst v63  }
0xe5: {  	_ =	swait.ge [sflag:s28], $0x3E80  }
0xe6: {  	[sflag:s28] =	ssyncset.done $0x0  }
0xe7: {  	[sflag:s28] =	ssyncadd.s32 $0xFFFFC180  }
0xe8: {  	[spmem:s18] =	stream.linear.scatter [tilespmem:s7], [sflag:$0x2], $0x3E80, $0x38;
	[tilespmem:$0x1DD50] =	vst v63  }
0xe9: {  	_ =	swait.ge [sflag:s28], $0x3E80  }
0xea: {  	[sflag:s28] =	ssyncset.done $0x0  }
0xeb: {  	s13 =	rddreg [dreg:$0x10];
	[sflag:s28] =	ssyncadd.s32 $0xFFFFC180  }
0xec: {  	[tilespmem:s7], [sflag:$0x2] =	stream.linear.gather [hbm4b:s13+s8], $0x3E80, $0x38;
	[tilespmem:$0x1DD50] =	vst v63  }
0xed: {  	_ =	swait.ge [sflag:s28], $0x3E80  }
0xee: {  	[sflag:s28] =	ssyncset.done $0x0  }
0xef: {  	[sflag:s28] =	ssyncadd.s32 $0xFFFFC180  }
0xf0: {  	[spmem:s20] =	stream.linear.scatter [tilespmem:s7], [sflag:$0x2], $0x3E80, $0x38;
	[tilespmem:$0x1DD50] =	vst v63  }
0xf1: {  	_ =	swait.ge [sflag:s28], $0x3E80  }
0xf2: {  	[sflag:s28] =	ssyncset.done $0x0  }
0xf3: {  	s15 =	rddreg [dreg:$0x11];
	[sflag:s28] =	ssyncadd.s32 $0xFFFFC180  }
0xf4: {  	[tilespmem:s7], [sflag:$0x2] =	stream.linear.gather [hbm4b:s15+s8], $0x3E80, $0x38;
	[tilespmem:$0x1DD50] =	vst v63  }
0xf5: {  	_ =	swait.ge [sflag:s28], $0x3E80  }
0xf6: {  	[sflag:s28] =	ssyncset.done $0x0  }
0xf7: {  	[sflag:s28] =	ssyncadd.s32 $0xFFFFC180  }
0xf8: {  	[spmem:s22] =	stream.linear.scatter [tilespmem:s7], [sflag:$0x2], $0x3E80, $0x38;
	[tilespmem:$0x1DD50] =	vst v63  }
0xf9: {  	_ =	swait.ge [sflag:s28], $0x3E80  }
0xfa: {  	[sflag:s28] =	ssyncset.done $0x0  }
0xfb: {  	s11 =	rddreg [dreg:$0xb];
	[sflag:s28] =	ssyncadd.s32 $0xFFFFC180  }
0xfc: {  	[tilespmem:s29], [sflag:$0x2] =	stream.linear.gather [hbm4b:s11+s8], $0x1000, $0x38;
	[tilespmem:$0x1DD50] =	vst v63  }
0xfd: {  	_ =	swait.ge [sflag:s28], $0x1000  }
0xfe: {  	[sflag:s28] =	ssyncset.done $0x0  }
0xff: {  	[sflag:s28] =	ssyncadd.s32 $0xFFFFF000  }
0x100: {  	[spmem:s9] =	stream.linear.scatter [tilespmem:s29], [sflag:$0x2], $0x1000, $0x38;
	[tilespmem:$0x1DD50] =	vst v63  }
0x101: {  	_ =	swait.ge [sflag:s28], $0x1000  }
0x102: {  	[sflag:s28] =	ssyncset.done $0x0  }
0x103: {  	[sflag:s28] =	ssyncadd.s32 $0xFFFFF000  }
0x104: {  	s13 =	sadd.s32 $0x0, s24;
	[bflag:$0x0] =	sbarrier.arrive $0xFFFF  }
0x105: {  	[tilespmem:s30], [sflag:$0x2] =	stream.linear.gather [hbm4b:s13+s4], $0x3E8, $0x38;
	[tilespmem:$0x1DD50] =	vst v63  }
0x106: {  	_ =	swait.ge [sflag:s28], $0x3E8  }
0x107: {  	[sflag:s28] =	ssyncset.done $0x0  }
0x108: {  	[sflag:s28] =	ssyncadd.s32 $0xFFFFFC18  }
0x109: {  	[tilespmem:s7], [sflag:$0x1] =	stream.indirect.gather [hbm4b:s5+s31], $0x10, s30, s31, $0xb8;
	[tilespmem:$0x1DD50] =	vst v63  }
0x10a: {  	_ =	swait.ge [sflag:s0], $0x3E80  }
0x10b: {  	[sflag:s0] =	ssyncset.done $0x0  }
0x10c: {  	s15 =	sadd.s32 $0x0, s23;
	[sflag:s0] =	ssyncadd.s32 $0xFFFFC180  }
0x10d: {  	[tilespmem:s2], [sflag:$0x2] =	stream.linear.gather [hbm4b:s15+s4], $0x3E8, $0x38;
	[tilespmem:$0x1DD50] =	vst v63  }
0x10e: {  	_ =	swait.ge [sflag:s28], $0x3E8  }
0x10f: {  	[sflag:s28] =	ssyncset.done $0x0  }
0x110: {  	[sflag:s28] =	ssyncadd.s32 $0xFFFFFC18  }
0x111: {  	[spmem:s3] =	stream.indirect.scatter.add.f32 [tilespmem:s7], [sflag:$0x2], $0x10, s2, s31, $0xb8;
	[tilespmem:$0x1DD50] =	vst v63  }
0x112: {  	_ =	swait.ge [sflag:s28], $0x3E80  }
0x113: {  	s10 =	simm.s32 $0x7D;
	s8 =	simm.s32 $0xFA;
	[sflag:s28] =	ssyncset.done $0x0  }
.LBB2_3:
0x114: {  	s11 =	sadd.s32 s10, s24  }
0x115: {  	[sflag:s28] =	ssyncadd.s32 $0xFFFFC180;
	s13 =	smov.u32 s8;
	s15 =	sadd.s32 $0x7D, s8  }
0x116: {  	[tilespmem:s30], [sflag:$0x2] =	stream.linear.gather [hbm4b:s11+s4], $0x3E8, $0x38;
	[tilespmem:$0x1DD50] =	vst v63  }
0x117: {  	p1 =	seq.s32 s8, $0x17ED;
	_ =	swait.ge [sflag:s28], $0x3E8  }
0x118: {  	[sflag:s28] =	ssyncset.done $0x0  }
0x119: {  	[sflag:s28] =	ssyncadd.s32 $0xFFFFFC18  }
0x11a: {  	[tilespmem:s7], [sflag:$0x1] =	stream.indirect.gather [hbm4b:s5+s31], $0x10, s30, s31, $0xb8;
	[tilespmem:$0x1DD50] =	vst v63  }
0x11b: {  	_ =	swait.ge [sflag:s0], $0x3E80  }
0x11c: {  	[sflag:s0] =	ssyncset.done $0x0  }
0x11d: {  	s8 =	sadd.s32 s10, s23;
	s10 =	smov.u32 s13;
	[sflag:s0] =	ssyncadd.s32 $0xFFFFC180  }
0x11e: {  	[tilespmem:s2], [sflag:$0x2] =	stream.linear.gather [hbm4b:s8+s4], $0x3E8, $0x38;
	[tilespmem:$0x1DD50] =	vst v63  }
0x11f: {  	_ =	swait.ge [sflag:s28], $0x3E8  }
.Ltmp5:
0x120: {  	[sflag:s28] =	ssyncset.done $0x0;
	(pc) =	sbr.rel @!p1 .LBB2_3-.Ltmp5, $4  }
0x121: {  	[sflag:s28] =	ssyncadd.s32 $0xFFFFFC18  }
0x122: {  	[spmem:s3] =	stream.indirect.scatter.add.f32 [tilespmem:s7], [sflag:$0x2], $0x10, s2, s31, $0xb8;
	[tilespmem:$0x1DD50] =	vst v63  }
0x123: {  	_ =	swait.ge [sflag:s28], $0x3E80  }
0x124: {  	s8 =	smov.u32 s15;
	[sflag:s28] =	ssyncset.done $0x0  }
0x125: {  	s8 =	sadd.s32 s10, s24;
	[sflag:s28] =	ssyncadd.s32 $0xFFFFC180  }
0x126: {  	[tilespmem:s30], [sflag:$0x2] =	stream.linear.gather [hbm4b:s8+s4], $0x3E8, $0x38;
	[tilespmem:$0x1DD50] =	vst v63  }
0x127: {  	_ =	swait.ge [sflag:s28], $0x3E8  }
0x128: {  	[sflag:s28] =	ssyncset.done $0x0  }
0x129: {  	[sflag:s28] =	ssyncadd.s32 $0xFFFFFC18  }
0x12a: {  	[tilespmem:s7], [sflag:$0x1] =	stream.indirect.gather [hbm4b:s5+s31], $0x10, s30, s31, $0xb8;
	[tilespmem:$0x1DD50] =	vst v63  }
0x12b: {  	_ =	swait.ge [sflag:s0], $0x3E80  }
0x12c: {  	[sflag:s0] =	ssyncset.done $0x0  }
0x12d: {  	s15 =	sadd.s32 s10, s23;
	[sflag:s0] =	ssyncadd.s32 $0xFFFFC180  }
0x12e: {  	[tilespmem:s2], [sflag:$0x2] =	stream.linear.gather [hbm4b:s15+s4], $0x3E8, $0x38;
	[tilespmem:$0x1DD50] =	vst v63  }
0x12f: {  	_ =	swait.ge [sflag:s28], $0x3E8  }
0x130: {  	[sflag:s28] =	ssyncset.done $0x0  }
.Ltmp6:
0x131: {  	[sflag:s28] =	ssyncadd.s32 $0xFFFFFC18;
	(pc) =	sbr.rel .LBB2_8-.Ltmp6, $4  }
0x132: {  	[spmem:s3] =	stream.indirect.scatter.add.f32 [tilespmem:s7], [sflag:$0x2], $0x10, s2, s31, $0xb8;
	[tilespmem:$0x1DD50] =	vst v63  }
0x133: {  	_ =	swait.ge [sflag:s28], $0x3E80  }
0x134: {  	[sflag:s28] =	ssyncset.done $0x0  }
0x135: {  	s10 =	rddreg [dreg:$0x4];
	[sflag:s28] =	ssyncadd.s32 $0xFFFFC180  }
.LBB2_9:
0x136: {  	_ =	sfence.sel $0x180000  }
0x137: {  	[bflag:$0x0] =	sbarrier.arrive $0xFFFF  }
0x138: {  	_ =	strace $0x90000050  }
0x139: {  	s0 =	stileid.u32;
	[bflag:$0x2] =	sbarrier.arrive $0xFFFF  }
0x13a: {  	p0 =	sne.s32 s0, $0x0;
	s0 =	rddreg [dreg:$0x3]  }
0x13b: {  	s0 =	sadd.s32 @!p0 $0x100000, s0  }
0x13c: {  	[sflag:s0] =	ssyncadd.tile.s32 @!p0 $0x1;
	_ =	shalt  }
.Lfunc_end2:
_tile_overlayer_lowered:
.L_overlay_start_2:
0x13d: {  	(tag) =	ssettag $0x2  }
0x13e: {  	s0 =	rddreg [dreg:$0x0];
	s2 =	stileid.u32  }
0x13f: {  	s1 =	rddreg [dreg:$0x1];
	p0 =	sne.s32 s2, $0x0  }
0x140: {  	s3 =	rddreg [dreg:$0x2];
	[bflag:$0x3] =	sbarrier.arrive $0xFFFF;
	s2 =	simm.s32 @!p0 $0x1C02  }
0x141: {  	[timem:s3], [sflag:s2] =	dma.local @!p0 [hbm:s0], s1  }
0x142: {  	s0 =	simm.s32 @!p0 $0x2  }
0x143: {  	_ =	swait.ge @!p0 [sflag:s0], s1  }
0x144: {  	s1 =	ssub.s32 @!p0 $0x0, s1;
	[sflag:s0] =	ssyncset.done @!p0 $0x0  }
0x145: {  	[sflag:s0] =	ssyncadd.s32 @!p0 s1  }
0x146: {  	[bflag:$0x3] =	sbarrier.arrive $0xFFFF  }
0x147: {  	_ =	shalt  }

</sc_bundles>
